<compile_context>
chip_gen: v7x
topology: tpu7x:2x2x1
jax: 0.10.2.dev20260603
libtpu: 0.0.44.dev20260713+nightly
codegen_flags: <defaults>
</compile_context>

<pallas_src>
import jax
import jax.numpy as jnp
from jax import lax
from jax.experimental import pallas as pl
from jax.experimental.pallas import tpu as pltpu
from jax.experimental.pallas import tpu_sc as plsc

E = 3_200_000
N = 100_000
D = 4
H = 4
L = 16
NC = 2
NS = 16
NW = NC * NS
C = 1024
IB = 128
RPC = C // IB
RW = 8
NCHUNKS = E // C
BASE_CHUNKS = NCHUNKS // NW
EXTRA = NCHUNKS % NW
NP = 100_096
RPT = NP // NS

_mesh = plsc.VectorSubcoreMesh(core_axis_name="c", subcore_axis_name="s")


def _worker_id():
    return lax.axis_index("s") * NC + lax.axis_index("c")


def _att_lanes(att_v):
    return [[att_v[h * D + d] for d in range(D)] for h in range(H)]


def _logits(ef_v, row, att_vec):
    base = row * D
    cols = [plsc.load_gather(ef_v, [base + d]) for d in range(D)]
    ps = []
    for h in range(H):
        e = att_vec[h][0] * cols[0]
        for d in range(1, D):
            e = e + att_vec[h][d] * cols[d]
        ps.append(jnp.exp(e))
    return cols, ps


def _sum_body(ef_hbm, att_hbm, dst_hbm, z_hbm, s_part, att_v, ef_v, dst_v,
              p_v, s_sh):
    cid = lax.axis_index("c")
    sid = lax.axis_index("s")
    wid = _worker_id()
    pltpu.sync_copy(z_hbm.at[pl.ds(sid * RPT, RPT)],
                    s_sh.at[pl.ds(sid * RPT, RPT)])
    pltpu.sync_copy(att_hbm, att_v)
    plsc.subcore_barrier()

    att_vec = _att_lanes(att_v)
    iota = lax.iota(jnp.int32, L)
    nch = BASE_CHUNKS + jnp.where(wid < EXTRA, 1, 0)

    def chunk(i, carry):
        ch = wid + i * NW
        pltpu.sync_copy(ef_hbm.at[pl.ds(ch * C * D, C * D)], ef_v)
        pltpu.sync_copy(dst_hbm.at[1, pl.ds(ch * RPC, RPC)], dst_v)

        def grp(g, c2):
            row = iota + g * L
            _, ps = _logits(ef_v, row, att_vec)
            for h in range(H):
                plsc.store_scatter(p_v, [row, jnp.full((L,), h, jnp.int32)],
                                   ps[h])
            return c2

        lax.fori_loop(0, C // L, grp, 0)
        for j in range(RPC):
            pltpu.sync_copy(p_v.at[pl.ds(j * IB, IB)],
                            s_sh.at[dst_v.at[j]], add=True)
        return carry

    lax.fori_loop(0, nch, chunk, 0)
    plsc.subcore_barrier()
    pltpu.sync_copy(s_sh.at[pl.ds(sid * RPT, RPT)],
                    s_part.at[cid, pl.ds(sid * RPT, RPT)])


def _out_body(ef_hbm, att_hbm, dst_hbm, z_hbm, s_hbm, out_part, att_v, ef_v,
              dst_v, srow_v, msg_v, s_sh, acc_sh):
    cid = lax.axis_index("c")
    sid = lax.axis_index("s")
    wid = _worker_id()
    pltpu.sync_copy(s_hbm.at[pl.ds(sid * RPT, RPT)],
                    s_sh.at[pl.ds(sid * RPT, RPT)])
    pltpu.sync_copy(z_hbm.at[pl.ds(sid * RPT, RPT)],
                    acc_sh.at[pl.ds(sid * RPT, RPT)])
    pltpu.sync_copy(att_hbm, att_v)
    plsc.subcore_barrier()

    att_vec = _att_lanes(att_v)
    iota = lax.iota(jnp.int32, L)
    nch = BASE_CHUNKS + jnp.where(wid < EXTRA, 1, 0)
    quarter = jnp.float32(1.0 / H)

    def chunk(i, carry):
        ch = wid + i * NW
        pltpu.sync_copy(ef_hbm.at[pl.ds(ch * C * D, C * D)], ef_v)
        pltpu.sync_copy(dst_hbm.at[1, pl.ds(ch * RPC, RPC)], dst_v)
        for j in range(RPC):
            pltpu.sync_copy(s_sh.at[dst_v.at[j]],
                            srow_v.at[pl.ds(j * IB, IB)])

        def grp(g, c2):
            row = iota + g * L
            cols, ps = _logits(ef_v, row, att_vec)
            w = jnp.zeros((L,), jnp.float32)
            for h in range(H):
                sh = plsc.load_gather(srow_v,
                                      [row, jnp.full((L,), h, jnp.int32)])
                w = w + ps[h] / sh
            w = w * quarter
            for d in range(D):
                plsc.store_scatter(msg_v, [row, jnp.full((L,), d, jnp.int32)],
                                   cols[d] * w)
            return c2

        lax.fori_loop(0, C // L, grp, 0)
        for j in range(RPC):
            pltpu.sync_copy(msg_v.at[pl.ds(j * IB, IB)],
                            acc_sh.at[dst_v.at[j]], add=True)
        return carry

    lax.fori_loop(0, nch, chunk, 0)
    plsc.subcore_barrier()
    pltpu.sync_copy(acc_sh.at[pl.ds(sid * RPT, RPT)],
                    out_part.at[cid, pl.ds(sid * RPT, RPT)])


_sc_params = pltpu.CompilerParams(needs_layout_passes=False,
                                  use_tc_tiling_on_sc=False)

_sum_kernel = pl.kernel(
    _sum_body,
    out_type=jax.ShapeDtypeStruct((NC, NP, RW), jnp.float32),
    mesh=_mesh,
    compiler_params=_sc_params,
    scratch_types=[
        pltpu.VMEM((H * D, L), jnp.float32),
        pltpu.VMEM((C * D,), jnp.float32),
        pltpu.VMEM((RPC, IB), jnp.int32),
        pltpu.VMEM((C, RW), jnp.float32),
        pltpu.VMEM_SHARED((NP, RW), jnp.float32),
    ],
)

_out_kernel = pl.kernel(
    _out_body,
    out_type=jax.ShapeDtypeStruct((NC, NP, RW), jnp.float32),
    mesh=_mesh,
    compiler_params=_sc_params,
    scratch_types=[
        pltpu.VMEM((H * D, L), jnp.float32),
        pltpu.VMEM((C * D,), jnp.float32),
        pltpu.VMEM((RPC, IB), jnp.int32),
        pltpu.VMEM((C, RW), jnp.float32),
        pltpu.VMEM((C, RW), jnp.float32),
        pltpu.VMEM_SHARED((NP, RW), jnp.float32),
        pltpu.VMEM_SHARED((NP, RW), jnp.float32),
    ],
)


def _add_halves_body(a_ref, o_ref):
    o_ref[...] = a_ref[0] + a_ref[1]

def _combine(part):
    rows = (NP * RW) // 128
    x = part.reshape(NC, rows, 128)
    y = pl.pallas_call(
        _add_halves_body,
        out_shape=jax.ShapeDtypeStruct((rows, 128), jnp.float32),
    )(x)
    return y.reshape(NP, RW)


@jax.jit
def kernel(edge_feat, att, edge_index):
    one = jnp.float32(1.0) + att.reshape(-1)[0] * jnp.float32(0.0)
    ef1 = edge_feat.reshape(E * D) * one
    dst3d = edge_index.reshape(2, E // IB, IB)
    att16 = jnp.tile(att.reshape(H * D, 1), (1, L))
    z = jnp.zeros((NP, RW), jnp.float32)
    s_part = _sum_kernel(ef1, att16, dst3d, z)
    s = _combine(s_part)
    out_part = _out_kernel(ef1, att16, dst3d, z, s)
    return _combine(out_part)[:N, :D]

# --- scband reference (transcript-rebuilt; emitter-appended) ---
"""Pipeline reference for scband-edge-attention-layer-14173392077054 (READ-ONLY COPY).

The authoritative reference and input builder live on the scoring server;
editing this copy changes nothing except your own understanding.
"""

import jax, jax.numpy as jnp
import numpy as np

N_NODES = 100000
N_EDGES = 3200000
E_FEATS = 4
N_HEADS = 4


def setup_inputs(seed: int = 0) -> dict:
    key = jax.random.key(seed)
    k1, k2, k3 = jax.random.split(key, 3)
    edge_feat = jax.random.normal(k1, (N_EDGES, E_FEATS), dtype=jnp.float32)
    edge_index = jax.random.randint(k2, (2, N_EDGES), 0, N_NODES, dtype=jnp.int32)
    # learned attention parameter (shape (1, n_heads, e_feats)); module zero-inits,
    # but we use small random values to make the softmax non-degenerate
    att = jax.random.normal(k3, (1, N_HEADS, E_FEATS), dtype=jnp.float32) * 0.1
    return {"edge_feat": edge_feat, "att": att, "edge_index": edge_index}


def reference(edge_feat, att, edge_index):
    dst = edge_index[1]
    # edge_feats.unsqueeze(1): [E, 1, D]
    ef = edge_feat[:, None, :]
    # e = (edge_feats * att).sum(-1, keepdim=True): [E, H, 1]
    e = jnp.sum(ef * att, axis=-1, keepdims=True)
    # edge_softmax over incoming edges of each dst node
    m = jax.ops.segment_max(e, dst, num_segments=N_NODES)  # [N, H, 1]
    m = jax.lax.stop_gradient(m)
    e_exp = jnp.exp(e - m[dst])
    s = jax.ops.segment_sum(e_exp, dst, num_segments=N_NODES)  # [N, H, 1]
    a = e_exp / s[dst]
    # f = edge_feats * a : [E, H, D]
    f = ef * a
    # update_all(copy_e, sum): scatter-add edge messages to dst nodes
    h = jax.ops.segment_sum(f, dst, num_segments=N_NODES)  # [N, H, D]
    # mean over heads
    return h.mean(axis=1)  # [N, D]

if __name__ == "__main__":
    import jax
    _d = setup_inputs()
    print(jax.jit(kernel)(*tuple(_d.values())))

</pallas_src>

<mosaic_0001>
#map = affine_map<(d0, d1) -> (0)>
#map1 = affine_map<(d0, d1) -> (0, 0)>
#map2 = affine_map<(d0, d1) -> (0, 0, 0)>
module attributes {stable_mosaic.version = 14 : i64} {
  func.func @_out_body(%arg0: i32, %arg1: i32, %arg2: memref<12800000xf32, #tpu.memory_space<hbm>>, %arg3: memref<16x16xf32, #tpu.memory_space<hbm>>, %arg4: memref<2x25000x128xi32, #tpu.memory_space<hbm>>, %arg5: memref<100096x8xf32, #tpu.memory_space<hbm>>, %arg6: memref<100096x8xf32, #tpu.memory_space<hbm>>, %arg7: memref<2x100096x8xf32, #tpu.memory_space<hbm>>, %arg8: memref<16x16xf32, #tpu.memory_space<vmem>>, %arg9: memref<4096xf32, #tpu.memory_space<vmem>>, %arg10: memref<8x128xi32, #tpu.memory_space<vmem>>, %arg11: memref<1024x8xf32, #tpu.memory_space<vmem>>, %arg12: memref<1024x8xf32, #tpu.memory_space<vmem>>, %arg13: memref<100096x8xf32, #tpu.memory_space<vmem_shared>>, %arg14: memref<100096x8xf32, #tpu.memory_space<vmem_shared>>) attributes {dimension_semantics = [#tpu.dimension_semantics<core_parallel>, #tpu.dimension_semantics<subcore_parallel>], iteration_bounds = array<i64: 2, 16>, scalar_prefetch = 0 : i64, scratch_operands = 7 : i64, tpu.core_type = #tpu.core_type<sc_vector_subcore>, window_params = [{transform_indices = #map}, {transform_indices = #map1}, {transform_indices = #map2}, {transform_indices = #map1}, {transform_indices = #map1}, {transform_indices = #map2}]} {
    %mul3A = arith.constant 2 : i32
    %mul3A_0 = arith.muli %arg1, %mul3A : i32
    %add3A = arith.addi %mul3A_0, %arg0 : i32
    %mul3A_1 = arith.constant 6256 : i32
    %mul3A_2 = arith.muli %arg1, %mul3A_1 : i32
    %mul3A_3 = arith.constant 6256 : i32
    %mul3A_4 = arith.muli %arg1, %mul3A_3 : i32
    "tpu.region"() ({
      %run_scoped3A = tpu.sem_alloc : memref<!tpu.dma_semaphore, #tpu.memory_space<semaphore_mem>>
      %dma_start3A = arith.constant 0 : i32
      %dma_start3A_91 = tpu.memref_slice %arg13[%mul3A_4, %dma_start3A] : memref<100096x8xf32, #tpu.memory_space<vmem_shared>> -> memref<6256x8xf32, #tpu.memory_space<vmem_shared>>
      %dma_start3A_92 = arith.constant 0 : i32
      %dma_start3A_93 = tpu.memref_slice %arg6[%mul3A_2, %dma_start3A_92] : memref<100096x8xf32, #tpu.memory_space<hbm>> -> memref<6256x8xf32, #tpu.memory_space<hbm>>
      tpu.enqueue_dma source(%dma_start3A_93 : memref<6256x8xf32, #tpu.memory_space<hbm>>) target(%dma_start3A_91 : memref<6256x8xf32, #tpu.memory_space<vmem_shared>>) target_semaphore(%run_scoped3A : memref<!tpu.dma_semaphore, #tpu.memory_space<semaphore_mem>>)
      %dma_wait3A = arith.constant 0 : i32
      %dma_wait3A_94 = tpu.memref_slice %arg13[%mul3A_4, %dma_wait3A] : memref<100096x8xf32, #tpu.memory_space<vmem_shared>> -> memref<6256x8xf32, #tpu.memory_space<vmem_shared>>
      %dma_wait3A_95 = arith.constant 0 : i32
      %dma_wait3A_96 = tpu.memref_slice %arg6[%mul3A_2, %dma_wait3A_95] : memref<100096x8xf32, #tpu.memory_space<hbm>> -> memref<6256x8xf32, #tpu.memory_space<hbm>>
      tpu.wait_dma2 semaphore(%run_scoped3A : memref<!tpu.dma_semaphore, #tpu.memory_space<semaphore_mem>>) src(%dma_wait3A_96 : memref<6256x8xf32, #tpu.memory_space<hbm>>) dst(%dma_wait3A_94 : memref<6256x8xf32, #tpu.memory_space<vmem_shared>>)
      tpu.yield
    }) : () -> ()
    %mul3A_5 = arith.constant 6256 : i32
    %mul3A_6 = arith.muli %arg1, %mul3A_5 : i32
    %mul3A_7 = arith.constant 6256 : i32
    %mul3A_8 = arith.muli %arg1, %mul3A_7 : i32
    "tpu.region"() ({
      %run_scoped3A = tpu.sem_alloc : memref<!tpu.dma_semaphore, #tpu.memory_space<semaphore_mem>>
      %dma_start3A = arith.constant 0 : i32
      %dma_start3A_91 = tpu.memref_slice %arg14[%mul3A_8, %dma_start3A] : memref<100096x8xf32, #tpu.memory_space<vmem_shared>> -> memref<6256x8xf32, #tpu.memory_space<vmem_shared>>
      %dma_start3A_92 = arith.constant 0 : i32
      %dma_start3A_93 = tpu.memref_slice %arg5[%mul3A_6, %dma_start3A_92] : memref<100096x8xf32, #tpu.memory_space<hbm>> -> memref<6256x8xf32, #tpu.memory_space<hbm>>
      tpu.enqueue_dma source(%dma_start3A_93 : memref<6256x8xf32, #tpu.memory_space<hbm>>) target(%dma_start3A_91 : memref<6256x8xf32, #tpu.memory_space<vmem_shared>>) target_semaphore(%run_scoped3A : memref<!tpu.dma_semaphore, #tpu.memory_space<semaphore_mem>>)
      %dma_wait3A = arith.constant 0 : i32
      %dma_wait3A_94 = tpu.memref_slice %arg14[%mul3A_8, %dma_wait3A] : memref<100096x8xf32, #tpu.memory_space<vmem_shared>> -> memref<6256x8xf32, #tpu.memory_space<vmem_shared>>
      %dma_wait3A_95 = arith.constant 0 : i32
      %dma_wait3A_96 = tpu.memref_slice %arg5[%mul3A_6, %dma_wait3A_95] : memref<100096x8xf32, #tpu.memory_space<hbm>> -> memref<6256x8xf32, #tpu.memory_space<hbm>>
      tpu.wait_dma2 semaphore(%run_scoped3A : memref<!tpu.dma_semaphore, #tpu.memory_space<semaphore_mem>>) src(%dma_wait3A_96 : memref<6256x8xf32, #tpu.memory_space<hbm>>) dst(%dma_wait3A_94 : memref<6256x8xf32, #tpu.memory_space<vmem_shared>>)
      tpu.yield
    }) : () -> ()
    "tpu.region"() ({
      %run_scoped3A = tpu.sem_alloc : memref<!tpu.dma_semaphore, #tpu.memory_space<semaphore_mem>>
      tpu.enqueue_dma source(%arg3 : memref<16x16xf32, #tpu.memory_space<hbm>>) target(%arg8 : memref<16x16xf32, #tpu.memory_space<vmem>>) target_semaphore(%run_scoped3A : memref<!tpu.dma_semaphore, #tpu.memory_space<semaphore_mem>>)
      tpu.wait_dma2 semaphore(%run_scoped3A : memref<!tpu.dma_semaphore, #tpu.memory_space<semaphore_mem>>) src(%arg3 : memref<16x16xf32, #tpu.memory_space<hbm>>) dst(%arg8 : memref<16x16xf32, #tpu.memory_space<vmem>>)
      tpu.yield
    }) : () -> ()
    %barrier3A = arith.constant 0 : index
    tpu.barrier barrier_id(%barrier3A)
    %get3A = arith.constant 0 : i32
    %get3A_9 = arith.index_cast %get3A : i32 to index
    %get3A_10 = arith.constant 0 : index
    %get3A_11 = tpu.vector_load %arg8[%get3A_9, %get3A_10] {strides = array<i32>} : memref<16x16xf32, #tpu.memory_space<vmem>>, vector<16xf32>,
    %get3A_12 = arith.constant 1 : i32
    %get3A_13 = arith.index_cast %get3A_12 : i32 to index
    %get3A_14 = arith.constant 0 : index
    %get3A_15 = tpu.vector_load %arg8[%get3A_13, %get3A_14] {strides = array<i32>} : memref<16x16xf32, #tpu.memory_space<vmem>>, vector<16xf32>,
    %get3A_16 = arith.constant 2 : i32
    %get3A_17 = arith.index_cast %get3A_16 : i32 to index
    %get3A_18 = arith.constant 0 : index
    %get3A_19 = tpu.vector_load %arg8[%get3A_17, %get3A_18] {strides = array<i32>} : memref<16x16xf32, #tpu.memory_space<vmem>>, vector<16xf32>,
    %get3A_20 = arith.constant 3 : i32
    %get3A_21 = arith.index_cast %get3A_20 : i32 to index
    %get3A_22 = arith.constant 0 : index
    %get3A_23 = tpu.vector_load %arg8[%get3A_21, %get3A_22] {strides = array<i32>} : memref<16x16xf32, #tpu.memory_space<vmem>>, vector<16xf32>,
    %get3A_24 = arith.constant 4 : i32
    %get3A_25 = arith.index_cast %get3A_24 : i32 to index
    %get3A_26 = arith.constant 0 : index
    %get3A_27 = tpu.vector_load %arg8[%get3A_25, %get3A_26] {strides = array<i32>} : memref<16x16xf32, #tpu.memory_space<vmem>>, vector<16xf32>,
    %get3A_28 = arith.constant 5 : i32
    %get3A_29 = arith.index_cast %get3A_28 : i32 to index
    %get3A_30 = arith.constant 0 : index
    %get3A_31 = tpu.vector_load %arg8[%get3A_29, %get3A_30] {strides = array<i32>} : memref<16x16xf32, #tpu.memory_space<vmem>>, vector<16xf32>,
    %get3A_32 = arith.constant 6 : i32
    %get3A_33 = arith.index_cast %get3A_32 : i32 to index
    %get3A_34 = arith.constant 0 : index
    %get3A_35 = tpu.vector_load %arg8[%get3A_33, %get3A_34] {strides = array<i32>} : memref<16x16xf32, #tpu.memory_space<vmem>>, vector<16xf32>,
    %get3A_36 = arith.constant 7 : i32
    %get3A_37 = arith.index_cast %get3A_36 : i32 to index
    %get3A_38 = arith.constant 0 : index
    %get3A_39 = tpu.vector_load %arg8[%get3A_37, %get3A_38] {strides = array<i32>} : memref<16x16xf32, #tpu.memory_space<vmem>>, vector<16xf32>,
    %get3A_40 = arith.constant 8 : i32
    %get3A_41 = arith.index_cast %get3A_40 : i32 to index
    %get3A_42 = arith.constant 0 : index
    %get3A_43 = tpu.vector_load %arg8[%get3A_41, %get3A_42] {strides = array<i32>} : memref<16x16xf32, #tpu.memory_space<vmem>>, vector<16xf32>,
    %get3A_44 = arith.constant 9 : i32
    %get3A_45 = arith.index_cast %get3A_44 : i32 to index
    %get3A_46 = arith.constant 0 : index
    %get3A_47 = tpu.vector_load %arg8[%get3A_45, %get3A_46] {strides = array<i32>} : memref<16x16xf32, #tpu.memory_space<vmem>>, vector<16xf32>,
    %get3A_48 = arith.constant 10 : i32
    %get3A_49 = arith.index_cast %get3A_48 : i32 to index
    %get3A_50 = arith.constant 0 : index
    %get3A_51 = tpu.vector_load %arg8[%get3A_49, %get3A_50] {strides = array<i32>} : memref<16x16xf32, #tpu.memory_space<vmem>>, vector<16xf32>,
    %get3A_52 = arith.constant 11 : i32
    %get3A_53 = arith.index_cast %get3A_52 : i32 to index
    %get3A_54 = arith.constant 0 : index
    %get3A_55 = tpu.vector_load %arg8[%get3A_53, %get3A_54] {strides = array<i32>} : memref<16x16xf32, #tpu.memory_space<vmem>>, vector<16xf32>,
    %get3A_56 = arith.constant 12 : i32
    %get3A_57 = arith.index_cast %get3A_56 : i32 to index
    %get3A_58 = arith.constant 0 : index
    %get3A_59 = tpu.vector_load %arg8[%get3A_57, %get3A_58] {strides = array<i32>} : memref<16x16xf32, #tpu.memory_space<vmem>>, vector<16xf32>,
    %get3A_60 = arith.constant 13 : i32
    %get3A_61 = arith.index_cast %get3A_60 : i32 to index
    %get3A_62 = arith.constant 0 : index
    %get3A_63 = tpu.vector_load %arg8[%get3A_61, %get3A_62] {strides = array<i32>} : memref<16x16xf32, #tpu.memory_space<vmem>>, vector<16xf32>,
    %get3A_64 = arith.constant 14 : i32
    %get3A_65 = arith.index_cast %get3A_64 : i32 to index
    %get3A_66 = arith.constant 0 : index
    %get3A_67 = tpu.vector_load %arg8[%get3A_65, %get3A_66] {strides = array<i32>} : memref<16x16xf32, #tpu.memory_space<vmem>>, vector<16xf32>,
    %get3A_68 = arith.constant 15 : i32
    %get3A_69 = arith.index_cast %get3A_68 : i32 to index
    %get3A_70 = arith.constant 0 : index
    %get3A_71 = tpu.vector_load %arg8[%get3A_69, %get3A_70] {strides = array<i32>} : memref<16x16xf32, #tpu.memory_space<vmem>>, vector<16xf32>,
    %iota3A = tpu.iota {dimensions = array<i32: 0>} : vector<16xi32>
    %lt3A = arith.constant 21 : i32
    %lt3A_72 = arith.cmpi slt, %add3A, %lt3A : i32
    %jit3A = arith.constant 1 : i32
    %jit3A_73 = arith.constant 0 : i32
    %select_n3A = arith.select %lt3A_72, %jit3A, %jit3A_73 : i32
    %add3A_74 = arith.constant 97 : i32
    %add3A_75 = arith.addi %add3A_74, %select_n3A : i32
    %while3A = arith.constant 0 : i32
    %while3A_76 = arith.constant 2.500000e-01 : f32
    %while3A_77 = arith.constant 0 : i32
    %while3A_78 = arith.subi %add3A_75, %while3A_77 : i32
    %while3A_79 = arith.addi %while3A_77, %while3A_78 : i32
    %while3A_80 = arith.constant 1 : i32
    %while3A_81 = arith.divsi %while3A_78, %while3A_80 : i32
    %while3A_82 = arith.muli %while3A_81, %while3A_80 : i32
    %while3A_83 = arith.addi %while3A_77, %while3A_82 : i32
    %while3A_84 = arith.constant 1 : i32
    scf.for %while3A_91 = %while3A_77 to %while3A_83 step %while3A_84  : i32 {
      %mul3A_92 = arith.constant 32 : i32
      %mul3A_93 = arith.muli %while3A_91, %mul3A_92 : i32
      %add3A_94 = arith.addi %add3A, %mul3A_93 : i32
      %mul3A_95 = arith.constant 1024 : i32
      %mul3A_96 = arith.muli %add3A_94, %mul3A_95 : i32
      %mul3A_97 = arith.constant 4 : i32
      %mul3A_98 = arith.muli %mul3A_96, %mul3A_97 : i32
      "tpu.region"() ({
        %run_scoped3A_122 = tpu.sem_alloc : memref<!tpu.dma_semaphore, #tpu.memory_space<semaphore_mem>>
        %dma_start3A = tpu.memref_slice %arg2[%mul3A_98] : memref<12800000xf32, #tpu.memory_space<hbm>> -> memref<4096xf32, #tpu.memory_space<hbm>>
        %dma_start3A_123 = tpu.memref_slice %arg2[%mul3A_98] : memref<12800000xf32, #tpu.memory_space<hbm>> -> memref<4096xf32, #tpu.memory_space<hbm>>
        tpu.enqueue_dma source(%dma_start3A_123 : memref<4096xf32, #tpu.memory_space<hbm>>) target(%arg9 : memref<4096xf32, #tpu.memory_space<vmem>>) target_semaphore(%run_scoped3A_122 : memref<!tpu.dma_semaphore, #tpu.memory_space<semaphore_mem>>)
        %dma_wait3A = tpu.memref_slice %arg2[%mul3A_98] : memref<12800000xf32, #tpu.memory_space<hbm>> -> memref<4096xf32, #tpu.memory_space<hbm>>
        %dma_wait3A_124 = tpu.memref_slice %arg2[%mul3A_98] : memref<12800000xf32, #tpu.memory_space<hbm>> -> memref<4096xf32, #tpu.memory_space<hbm>>
        tpu.wait_dma2 semaphore(%run_scoped3A_122 : memref<!tpu.dma_semaphore, #tpu.memory_space<semaphore_mem>>) src(%dma_wait3A_124 : memref<4096xf32, #tpu.memory_space<hbm>>) dst(%arg9 : memref<4096xf32, #tpu.memory_space<vmem>>)
        tpu.yield
      }) : () -> ()
      %mul3A_99 = arith.constant 8 : i32
      %mul3A_100 = arith.muli %add3A_94, %mul3A_99 : i32
      %run_scoped3A = arith.constant 1 : i32
      "tpu.region"() ({
        %run_scoped3A_122 = tpu.sem_alloc : memref<!tpu.dma_semaphore, #tpu.memory_space<semaphore_mem>>
        %dma_start3A = arith.constant 0 : i32
        %dma_start3A_123 = tpu.memref_slice %arg4[%run_scoped3A, %mul3A_100, %dma_start3A] : memref<2x25000x128xi32, #tpu.memory_space<hbm>> -> memref<1x8x128xi32, #tpu.memory_space<hbm>>
        %dma_start3A_124 = tpu.memref_squeeze %dma_start3A_123 : memref<1x8x128xi32, #tpu.memory_space<hbm>> -> memref<8x128xi32, #tpu.memory_space<hbm>>
        %dma_start3A_125 = arith.constant 0 : i32
        %dma_start3A_126 = tpu.memref_slice %arg4[%run_scoped3A, %mul3A_100, %dma_start3A_125] : memref<2x25000x128xi32, #tpu.memory_space<hbm>> -> memref<1x8x128xi32, #tpu.memory_space<hbm>>
        %dma_start3A_127 = tpu.memref_squeeze %dma_start3A_126 : memref<1x8x128xi32, #tpu.memory_space<hbm>> -> memref<8x128xi32, #tpu.memory_space<hbm>>
        tpu.enqueue_dma source(%dma_start3A_127 : memref<8x128xi32, #tpu.memory_space<hbm>>) target(%arg10 : memref<8x128xi32, #tpu.memory_space<vmem>>) target_semaphore(%run_scoped3A_122 : memref<!tpu.dma_semaphore, #tpu.memory_space<semaphore_mem>>)
        %dma_wait3A = arith.constant 0 : i32
        %dma_wait3A_128 = tpu.memref_slice %arg4[%run_scoped3A, %mul3A_100, %dma_wait3A] : memref<2x25000x128xi32, #tpu.memory_space<hbm>> -> memref<1x8x128xi32, #tpu.memory_space<hbm>>
        %dma_wait3A_129 = tpu.memref_squeeze %dma_wait3A_128 : memref<1x8x128xi32, #tpu.memory_space<hbm>> -> memref<8x128xi32, #tpu.memory_space<hbm>>
        %dma_wait3A_130 = arith.constant 0 : i32
        %dma_wait3A_131 = tpu.memref_slice %arg4[%run_scoped3A, %mul3A_100, %dma_wait3A_130] : memref<2x25000x128xi32, #tpu.memory_space<hbm>> -> memref<1x8x128xi32, #tpu.memory_space<hbm>>
        %dma_wait3A_132 = tpu.memref_squeeze %dma_wait3A_131 : memref<1x8x128xi32, #tpu.memory_space<hbm>> -> memref<8x128xi32, #tpu.memory_space<hbm>>
        tpu.wait_dma2 semaphore(%run_scoped3A_122 : memref<!tpu.dma_semaphore, #tpu.memory_space<semaphore_mem>>) src(%dma_wait3A_132 : memref<8x128xi32, #tpu.memory_space<hbm>>) dst(%arg10 : memref<8x128xi32, #tpu.memory_space<vmem>>)
        tpu.yield
      }) : () -> ()
      %run_scoped3A_101 = arith.constant 0 : i32
      "tpu.region"() ({
        %run_scoped3A_122 = tpu.sem_alloc : memref<!tpu.dma_semaphore, #tpu.memory_space<semaphore_mem>>
        %dma_start3A = arith.constant 0 : i32
        %dma_start3A_123 = arith.constant 0 : i32
        %dma_start3A_124 = tpu.memref_slice %arg11[%dma_start3A, %dma_start3A_123] : memref<1024x8xf32, #tpu.memory_space<vmem>> -> memref<128x8xf32, #tpu.memory_space<vmem>>
        %dma_start3A_125 = arith.constant 0 : i32
        %dma_start3A_126 = tpu.memref_slice %arg10[%run_scoped3A_101, %dma_start3A_125] : memref<8x128xi32, #tpu.memory_space<vmem>> -> memref<1x128xi32, #tpu.memory_space<vmem>>
        %dma_start3A_127 = tpu.memref_squeeze %dma_start3A_126 : memref<1x128xi32, #tpu.memory_space<vmem>> -> memref<128xi32, #tpu.memory_space<vmem>>
        %dma_start3A_128 = arith.constant 0 : i32
        %dma_start3A_129 = arith.constant 0 : i32
        %dma_start3A_130 = tpu.memref_slice %arg13[%dma_start3A_128, %dma_start3A_129] : memref<100096x8xf32, #tpu.memory_space<vmem_shared>> -> memref<100096x8xf32, #tpu.memory_space<vmem_shared>>
        tpu.enqueue_indirect_dma source(%dma_start3A_130 : memref<100096x8xf32, #tpu.memory_space<vmem_shared>>) target(%dma_start3A_124 : memref<128x8xf32, #tpu.memory_space<vmem>>) offsets(%dma_start3A_127 : memref<128xi32, #tpu.memory_space<vmem>>) semaphore(%run_scoped3A_122 : memref<!tpu.dma_semaphore, #tpu.memory_space<semaphore_mem>>)
        %dma_wait3A = arith.constant 0 : i32
        %dma_wait3A_131 = arith.constant 0 : i32
        %dma_wait3A_132 = tpu.memref_slice %arg11[%dma_wait3A, %dma_wait3A_131] : memref<1024x8xf32, #tpu.memory_space<vmem>> -> memref<128x8xf32, #tpu.memory_space<vmem>>
        %dma_wait3A_133 = arith.constant 0 : i32
        %dma_wait3A_134 = tpu.memref_slice %arg10[%run_scoped3A_101, %dma_wait3A_133] : memref<8x128xi32, #tpu.memory_space<vmem>> -> memref<1x128xi32, #tpu.memory_space<vmem>>
        %dma_wait3A_135 = tpu.memref_squeeze %dma_wait3A_134 : memref<1x128xi32, #tpu.memory_space<vmem>> -> memref<128xi32, #tpu.memory_space<vmem>>
        %dma_wait3A_136 = arith.constant 0 : i32
        %dma_wait3A_137 = arith.constant 0 : i32
        %dma_wait3A_138 = tpu.memref_slice %arg13[%dma_wait3A_136, %dma_wait3A_137] : memref<100096x8xf32, #tpu.memory_space<vmem_shared>> -> memref<100096x8xf32, #tpu.memory_space<vmem_shared>>
        tpu.wait_indirect_dma semaphore(%run_scoped3A_122 : memref<!tpu.dma_semaphore, #tpu.memory_space<semaphore_mem>>) src(%dma_wait3A_138 : memref<100096x8xf32, #tpu.memory_space<vmem_shared>>) dst(%dma_wait3A_132 : memref<128x8xf32, #tpu.memory_space<vmem>>)
        tpu.yield
      }) : () -> ()
      %run_scoped3A_102 = arith.constant 1 : i32
      "tpu.region"() ({
        %run_scoped3A_122 = tpu.sem_alloc : memref<!tpu.dma_semaphore, #tpu.memory_space<semaphore_mem>>
        %dma_start3A = arith.constant 128 : i32
        %dma_start3A_123 = arith.constant 0 : i32
        %dma_start3A_124 = tpu.memref_slice %arg11[%dma_start3A, %dma_start3A_123] : memref<1024x8xf32, #tpu.memory_space<vmem>> -> memref<128x8xf32, #tpu.memory_space<vmem>>
        %dma_start3A_125 = arith.constant 0 : i32
        %dma_start3A_126 = tpu.memref_slice %arg10[%run_scoped3A_102, %dma_start3A_125] : memref<8x128xi32, #tpu.memory_space<vmem>> -> memref<1x128xi32, #tpu.memory_space<vmem>>
        %dma_start3A_127 = tpu.memref_squeeze %dma_start3A_126 : memref<1x128xi32, #tpu.memory_space<vmem>> -> memref<128xi32, #tpu.memory_space<vmem>>
        %dma_start3A_128 = arith.constant 0 : i32
        %dma_start3A_129 = arith.constant 0 : i32
        %dma_start3A_130 = tpu.memref_slice %arg13[%dma_start3A_128, %dma_start3A_129] : memref<100096x8xf32, #tpu.memory_space<vmem_shared>> -> memref<100096x8xf32, #tpu.memory_space<vmem_shared>>
        tpu.enqueue_indirect_dma source(%dma_start3A_130 : memref<100096x8xf32, #tpu.memory_space<vmem_shared>>) target(%dma_start3A_124 : memref<128x8xf32, #tpu.memory_space<vmem>>) offsets(%dma_start3A_127 : memref<128xi32, #tpu.memory_space<vmem>>) semaphore(%run_scoped3A_122 : memref<!tpu.dma_semaphore, #tpu.memory_space<semaphore_mem>>)
        %dma_wait3A = arith.constant 128 : i32
        %dma_wait3A_131 = arith.constant 0 : i32
        %dma_wait3A_132 = tpu.memref_slice %arg11[%dma_wait3A, %dma_wait3A_131] : memref<1024x8xf32, #tpu.memory_space<vmem>> -> memref<128x8xf32, #tpu.memory_space<vmem>>
        %dma_wait3A_133 = arith.constant 0 : i32
        %dma_wait3A_134 = tpu.memref_slice %arg10[%run_scoped3A_102, %dma_wait3A_133] : memref<8x128xi32, #tpu.memory_space<vmem>> -> memref<1x128xi32, #tpu.memory_space<vmem>>
        %dma_wait3A_135 = tpu.memref_squeeze %dma_wait3A_134 : memref<1x128xi32, #tpu.memory_space<vmem>> -> memref<128xi32, #tpu.memory_space<vmem>>
        %dma_wait3A_136 = arith.constant 0 : i32
        %dma_wait3A_137 = arith.constant 0 : i32
        %dma_wait3A_138 = tpu.memref_slice %arg13[%dma_wait3A_136, %dma_wait3A_137] : memref<100096x8xf32, #tpu.memory_space<vmem_shared>> -> memref<100096x8xf32, #tpu.memory_space<vmem_shared>>
        tpu.wait_indirect_dma semaphore(%run_scoped3A_122 : memref<!tpu.dma_semaphore, #tpu.memory_space<semaphore_mem>>) src(%dma_wait3A_138 : memref<100096x8xf32, #tpu.memory_space<vmem_shared>>) dst(%dma_wait3A_132 : memref<128x8xf32, #tpu.memory_space<vmem>>)
        tpu.yield
      }) : () -> ()
      %run_scoped3A_103 = arith.constant 2 : i32
      "tpu.region"() ({
        %run_scoped3A_122 = tpu.sem_alloc : memref<!tpu.dma_semaphore, #tpu.memory_space<semaphore_mem>>
        %dma_start3A = arith.constant 256 : i32
        %dma_start3A_123 = arith.constant 0 : i32
        %dma_start3A_124 = tpu.memref_slice %arg11[%dma_start3A, %dma_start3A_123] : memref<1024x8xf32, #tpu.memory_space<vmem>> -> memref<128x8xf32, #tpu.memory_space<vmem>>
        %dma_start3A_125 = arith.constant 0 : i32
        %dma_start3A_126 = tpu.memref_slice %arg10[%run_scoped3A_103, %dma_start3A_125] : memref<8x128xi32, #tpu.memory_space<vmem>> -> memref<1x128xi32, #tpu.memory_space<vmem>>
        %dma_start3A_127 = tpu.memref_squeeze %dma_start3A_126 : memref<1x128xi32, #tpu.memory_space<vmem>> -> memref<128xi32, #tpu.memory_space<vmem>>
        %dma_start3A_128 = arith.constant 0 : i32
        %dma_start3A_129 = arith.constant 0 : i32
        %dma_start3A_130 = tpu.memref_slice %arg13[%dma_start3A_128, %dma_start3A_129] : memref<100096x8xf32, #tpu.memory_space<vmem_shared>> -> memref<100096x8xf32, #tpu.memory_space<vmem_shared>>
        tpu.enqueue_indirect_dma source(%dma_start3A_130 : memref<100096x8xf32, #tpu.memory_space<vmem_shared>>) target(%dma_start3A_124 : memref<128x8xf32, #tpu.memory_space<vmem>>) offsets(%dma_start3A_127 : memref<128xi32, #tpu.memory_space<vmem>>) semaphore(%run_scoped3A_122 : memref<!tpu.dma_semaphore, #tpu.memory_space<semaphore_mem>>)
        %dma_wait3A = arith.constant 256 : i32
        %dma_wait3A_131 = arith.constant 0 : i32
        %dma_wait3A_132 = tpu.memref_slice %arg11[%dma_wait3A, %dma_wait3A_131] : memref<1024x8xf32, #tpu.memory_space<vmem>> -> memref<128x8xf32, #tpu.memory_space<vmem>>
        %dma_wait3A_133 = arith.constant 0 : i32
        %dma_wait3A_134 = tpu.memref_slice %arg10[%run_scoped3A_103, %dma_wait3A_133] : memref<8x128xi32, #tpu.memory_space<vmem>> -> memref<1x128xi32, #tpu.memory_space<vmem>>
        %dma_wait3A_135 = tpu.memref_squeeze %dma_wait3A_134 : memref<1x128xi32, #tpu.memory_space<vmem>> -> memref<128xi32, #tpu.memory_space<vmem>>
        %dma_wait3A_136 = arith.constant 0 : i32
        %dma_wait3A_137 = arith.constant 0 : i32
        %dma_wait3A_138 = tpu.memref_slice %arg13[%dma_wait3A_136, %dma_wait3A_137] : memref<100096x8xf32, #tpu.memory_space<vmem_shared>> -> memref<100096x8xf32, #tpu.memory_space<vmem_shared>>
        tpu.wait_indirect_dma semaphore(%run_scoped3A_122 : memref<!tpu.dma_semaphore, #tpu.memory_space<semaphore_mem>>) src(%dma_wait3A_138 : memref<100096x8xf32, #tpu.memory_space<vmem_shared>>) dst(%dma_wait3A_132 : memref<128x8xf32, #tpu.memory_space<vmem>>)
        tpu.yield
      }) : () -> ()
      %run_scoped3A_104 = arith.constant 3 : i32
      "tpu.region"() ({
        %run_scoped3A_122 = tpu.sem_alloc : memref<!tpu.dma_semaphore, #tpu.memory_space<semaphore_mem>>
        %dma_start3A = arith.constant 384 : i32
        %dma_start3A_123 = arith.constant 0 : i32
        %dma_start3A_124 = tpu.memref_slice %arg11[%dma_start3A, %dma_start3A_123] : memref<1024x8xf32, #tpu.memory_space<vmem>> -> memref<128x8xf32, #tpu.memory_space<vmem>>
        %dma_start3A_125 = arith.constant 0 : i32
        %dma_start3A_126 = tpu.memref_slice %arg10[%run_scoped3A_104, %dma_start3A_125] : memref<8x128xi32, #tpu.memory_space<vmem>> -> memref<1x128xi32, #tpu.memory_space<vmem>>
        %dma_start3A_127 = tpu.memref_squeeze %dma_start3A_126 : memref<1x128xi32, #tpu.memory_space<vmem>> -> memref<128xi32, #tpu.memory_space<vmem>>
        %dma_start3A_128 = arith.constant 0 : i32
        %dma_start3A_129 = arith.constant 0 : i32
        %dma_start3A_130 = tpu.memref_slice %arg13[%dma_start3A_128, %dma_start3A_129] : memref<100096x8xf32, #tpu.memory_space<vmem_shared>> -> memref<100096x8xf32, #tpu.memory_space<vmem_shared>>
        tpu.enqueue_indirect_dma source(%dma_start3A_130 : memref<100096x8xf32, #tpu.memory_space<vmem_shared>>) target(%dma_start3A_124 : memref<128x8xf32, #tpu.memory_space<vmem>>) offsets(%dma_start3A_127 : memref<128xi32, #tpu.memory_space<vmem>>) semaphore(%run_scoped3A_122 : memref<!tpu.dma_semaphore, #tpu.memory_space<semaphore_mem>>)
        %dma_wait3A = arith.constant 384 : i32
        %dma_wait3A_131 = arith.constant 0 : i32
        %dma_wait3A_132 = tpu.memref_slice %arg11[%dma_wait3A, %dma_wait3A_131] : memref<1024x8xf32, #tpu.memory_space<vmem>> -> memref<128x8xf32, #tpu.memory_space<vmem>>
        %dma_wait3A_133 = arith.constant 0 : i32
        %dma_wait3A_134 = tpu.memref_slice %arg10[%run_scoped3A_104, %dma_wait3A_133] : memref<8x128xi32, #tpu.memory_space<vmem>> -> memref<1x128xi32, #tpu.memory_space<vmem>>
        %dma_wait3A_135 = tpu.memref_squeeze %dma_wait3A_134 : memref<1x128xi32, #tpu.memory_space<vmem>> -> memref<128xi32, #tpu.memory_space<vmem>>
        %dma_wait3A_136 = arith.constant 0 : i32
        %dma_wait3A_137 = arith.constant 0 : i32
        %dma_wait3A_138 = tpu.memref_slice %arg13[%dma_wait3A_136, %dma_wait3A_137] : memref<100096x8xf32, #tpu.memory_space<vmem_shared>> -> memref<100096x8xf32, #tpu.memory_space<vmem_shared>>
        tpu.wait_indirect_dma semaphore(%run_scoped3A_122 : memref<!tpu.dma_semaphore, #tpu.memory_space<semaphore_mem>>) src(%dma_wait3A_138 : memref<100096x8xf32, #tpu.memory_space<vmem_shared>>) dst(%dma_wait3A_132 : memref<128x8xf32, #tpu.memory_space<vmem>>)
        tpu.yield
      }) : () -> ()
      %run_scoped3A_105 = arith.constant 4 : i32
      "tpu.region"() ({
        %run_scoped3A_122 = tpu.sem_alloc : memref<!tpu.dma_semaphore, #tpu.memory_space<semaphore_mem>>
        %dma_start3A = arith.constant 512 : i32
        %dma_start3A_123 = arith.constant 0 : i32
        %dma_start3A_124 = tpu.memref_slice %arg11[%dma_start3A, %dma_start3A_123] : memref<1024x8xf32, #tpu.memory_space<vmem>> -> memref<128x8xf32, #tpu.memory_space<vmem>>
        %dma_start3A_125 = arith.constant 0 : i32
        %dma_start3A_126 = tpu.memref_slice %arg10[%run_scoped3A_105, %dma_start3A_125] : memref<8x128xi32, #tpu.memory_space<vmem>> -> memref<1x128xi32, #tpu.memory_space<vmem>>
        %dma_start3A_127 = tpu.memref_squeeze %dma_start3A_126 : memref<1x128xi32, #tpu.memory_space<vmem>> -> memref<128xi32, #tpu.memory_space<vmem>>
        %dma_start3A_128 = arith.constant 0 : i32
        %dma_start3A_129 = arith.constant 0 : i32
        %dma_start3A_130 = tpu.memref_slice %arg13[%dma_start3A_128, %dma_start3A_129] : memref<100096x8xf32, #tpu.memory_space<vmem_shared>> -> memref<100096x8xf32, #tpu.memory_space<vmem_shared>>
        tpu.enqueue_indirect_dma source(%dma_start3A_130 : memref<100096x8xf32, #tpu.memory_space<vmem_shared>>) target(%dma_start3A_124 : memref<128x8xf32, #tpu.memory_space<vmem>>) offsets(%dma_start3A_127 : memref<128xi32, #tpu.memory_space<vmem>>) semaphore(%run_scoped3A_122 : memref<!tpu.dma_semaphore, #tpu.memory_space<semaphore_mem>>)
        %dma_wait3A = arith.constant 512 : i32
        %dma_wait3A_131 = arith.constant 0 : i32
        %dma_wait3A_132 = tpu.memref_slice %arg11[%dma_wait3A, %dma_wait3A_131] : memref<1024x8xf32, #tpu.memory_space<vmem>> -> memref<128x8xf32, #tpu.memory_space<vmem>>
        %dma_wait3A_133 = arith.constant 0 : i32
        %dma_wait3A_134 = tpu.memref_slice %arg10[%run_scoped3A_105, %dma_wait3A_133] : memref<8x128xi32, #tpu.memory_space<vmem>> -> memref<1x128xi32, #tpu.memory_space<vmem>>
        %dma_wait3A_135 = tpu.memref_squeeze %dma_wait3A_134 : memref<1x128xi32, #tpu.memory_space<vmem>> -> memref<128xi32, #tpu.memory_space<vmem>>
        %dma_wait3A_136 = arith.constant 0 : i32
        %dma_wait3A_137 = arith.constant 0 : i32
        %dma_wait3A_138 = tpu.memref_slice %arg13[%dma_wait3A_136, %dma_wait3A_137] : memref<100096x8xf32, #tpu.memory_space<vmem_shared>> -> memref<100096x8xf32, #tpu.memory_space<vmem_shared>>
        tpu.wait_indirect_dma semaphore(%run_scoped3A_122 : memref<!tpu.dma_semaphore, #tpu.memory_space<semaphore_mem>>) src(%dma_wait3A_138 : memref<100096x8xf32, #tpu.memory_space<vmem_shared>>) dst(%dma_wait3A_132 : memref<128x8xf32, #tpu.memory_space<vmem>>)
        tpu.yield
      }) : () -> ()
      %run_scoped3A_106 = arith.constant 5 : i32
      "tpu.region"() ({
        %run_scoped3A_122 = tpu.sem_alloc : memref<!tpu.dma_semaphore, #tpu.memory_space<semaphore_mem>>
        %dma_start3A = arith.constant 640 : i32
        %dma_start3A_123 = arith.constant 0 : i32
        %dma_start3A_124 = tpu.memref_slice %arg11[%dma_start3A, %dma_start3A_123] : memref<1024x8xf32, #tpu.memory_space<vmem>> -> memref<128x8xf32, #tpu.memory_space<vmem>>
        %dma_start3A_125 = arith.constant 0 : i32
        %dma_start3A_126 = tpu.memref_slice %arg10[%run_scoped3A_106, %dma_start3A_125] : memref<8x128xi32, #tpu.memory_space<vmem>> -> memref<1x128xi32, #tpu.memory_space<vmem>>
        %dma_start3A_127 = tpu.memref_squeeze %dma_start3A_126 : memref<1x128xi32, #tpu.memory_space<vmem>> -> memref<128xi32, #tpu.memory_space<vmem>>
        %dma_start3A_128 = arith.constant 0 : i32
        %dma_start3A_129 = arith.constant 0 : i32
        %dma_start3A_130 = tpu.memref_slice %arg13[%dma_start3A_128, %dma_start3A_129] : memref<100096x8xf32, #tpu.memory_space<vmem_shared>> -> memref<100096x8xf32, #tpu.memory_space<vmem_shared>>
        tpu.enqueue_indirect_dma source(%dma_start3A_130 : memref<100096x8xf32, #tpu.memory_space<vmem_shared>>) target(%dma_start3A_124 : memref<128x8xf32, #tpu.memory_space<vmem>>) offsets(%dma_start3A_127 : memref<128xi32, #tpu.memory_space<vmem>>) semaphore(%run_scoped3A_122 : memref<!tpu.dma_semaphore, #tpu.memory_space<semaphore_mem>>)
        %dma_wait3A = arith.constant 640 : i32
        %dma_wait3A_131 = arith.constant 0 : i32
        %dma_wait3A_132 = tpu.memref_slice %arg11[%dma_wait3A, %dma_wait3A_131] : memref<1024x8xf32, #tpu.memory_space<vmem>> -> memref<128x8xf32, #tpu.memory_space<vmem>>
        %dma_wait3A_133 = arith.constant 0 : i32
        %dma_wait3A_134 = tpu.memref_slice %arg10[%run_scoped3A_106, %dma_wait3A_133] : memref<8x128xi32, #tpu.memory_space<vmem>> -> memref<1x128xi32, #tpu.memory_space<vmem>>
        %dma_wait3A_135 = tpu.memref_squeeze %dma_wait3A_134 : memref<1x128xi32, #tpu.memory_space<vmem>> -> memref<128xi32, #tpu.memory_space<vmem>>
        %dma_wait3A_136 = arith.constant 0 : i32
        %dma_wait3A_137 = arith.constant 0 : i32
        %dma_wait3A_138 = tpu.memref_slice %arg13[%dma_wait3A_136, %dma_wait3A_137] : memref<100096x8xf32, #tpu.memory_space<vmem_shared>> -> memref<100096x8xf32, #tpu.memory_space<vmem_shared>>
        tpu.wait_indirect_dma semaphore(%run_scoped3A_122 : memref<!tpu.dma_semaphore, #tpu.memory_space<semaphore_mem>>) src(%dma_wait3A_138 : memref<100096x8xf32, #tpu.memory_space<vmem_shared>>) dst(%dma_wait3A_132 : memref<128x8xf32, #tpu.memory_space<vmem>>)
        tpu.yield
      }) : () -> ()
      %run_scoped3A_107 = arith.constant 6 : i32
      "tpu.region"() ({
        %run_scoped3A_122 = tpu.sem_alloc : memref<!tpu.dma_semaphore, #tpu.memory_space<semaphore_mem>>
        %dma_start3A = arith.constant 768 : i32
        %dma_start3A_123 = arith.constant 0 : i32
        %dma_start3A_124 = tpu.memref_slice %arg11[%dma_start3A, %dma_start3A_123] : memref<1024x8xf32, #tpu.memory_space<vmem>> -> memref<128x8xf32, #tpu.memory_space<vmem>>
        %dma_start3A_125 = arith.constant 0 : i32
        %dma_start3A_126 = tpu.memref_slice %arg10[%run_scoped3A_107, %dma_start3A_125] : memref<8x128xi32, #tpu.memory_space<vmem>> -> memref<1x128xi32, #tpu.memory_space<vmem>>
        %dma_start3A_127 = tpu.memref_squeeze %dma_start3A_126 : memref<1x128xi32, #tpu.memory_space<vmem>> -> memref<128xi32, #tpu.memory_space<vmem>>
        %dma_start3A_128 = arith.constant 0 : i32
        %dma_start3A_129 = arith.constant 0 : i32
        %dma_start3A_130 = tpu.memref_slice %arg13[%dma_start3A_128, %dma_start3A_129] : memref<100096x8xf32, #tpu.memory_space<vmem_shared>> -> memref<100096x8xf32, #tpu.memory_space<vmem_shared>>
        tpu.enqueue_indirect_dma source(%dma_start3A_130 : memref<100096x8xf32, #tpu.memory_space<vmem_shared>>) target(%dma_start3A_124 : memref<128x8xf32, #tpu.memory_space<vmem>>) offsets(%dma_start3A_127 : memref<128xi32, #tpu.memory_space<vmem>>) semaphore(%run_scoped3A_122 : memref<!tpu.dma_semaphore, #tpu.memory_space<semaphore_mem>>)
        %dma_wait3A = arith.constant 768 : i32
        %dma_wait3A_131 = arith.constant 0 : i32
        %dma_wait3A_132 = tpu.memref_slice %arg11[%dma_wait3A, %dma_wait3A_131] : memref<1024x8xf32, #tpu.memory_space<vmem>> -> memref<128x8xf32, #tpu.memory_space<vmem>>
        %dma_wait3A_133 = arith.constant 0 : i32
        %dma_wait3A_134 = tpu.memref_slice %arg10[%run_scoped3A_107, %dma_wait3A_133] : memref<8x128xi32, #tpu.memory_space<vmem>> -> memref<1x128xi32, #tpu.memory_space<vmem>>
        %dma_wait3A_135 = tpu.memref_squeeze %dma_wait3A_134 : memref<1x128xi32, #tpu.memory_space<vmem>> -> memref<128xi32, #tpu.memory_space<vmem>>
        %dma_wait3A_136 = arith.constant 0 : i32
        %dma_wait3A_137 = arith.constant 0 : i32
        %dma_wait3A_138 = tpu.memref_slice %arg13[%dma_wait3A_136, %dma_wait3A_137] : memref<100096x8xf32, #tpu.memory_space<vmem_shared>> -> memref<100096x8xf32, #tpu.memory_space<vmem_shared>>
        tpu.wait_indirect_dma semaphore(%run_scoped3A_122 : memref<!tpu.dma_semaphore, #tpu.memory_space<semaphore_mem>>) src(%dma_wait3A_138 : memref<100096x8xf32, #tpu.memory_space<vmem_shared>>) dst(%dma_wait3A_132 : memref<128x8xf32, #tpu.memory_space<vmem>>)
        tpu.yield
      }) : () -> ()
      %run_scoped3A_108 = arith.constant 7 : i32
      "tpu.region"() ({
        %run_scoped3A_122 = tpu.sem_alloc : memref<!tpu.dma_semaphore, #tpu.memory_space<semaphore_mem>>
        %dma_start3A = arith.constant 896 : i32
        %dma_start3A_123 = arith.constant 0 : i32
        %dma_start3A_124 = tpu.memref_slice %arg11[%dma_start3A, %dma_start3A_123] : memref<1024x8xf32, #tpu.memory_space<vmem>> -> memref<128x8xf32, #tpu.memory_space<vmem>>
        %dma_start3A_125 = arith.constant 0 : i32
        %dma_start3A_126 = tpu.memref_slice %arg10[%run_scoped3A_108, %dma_start3A_125] : memref<8x128xi32, #tpu.memory_space<vmem>> -> memref<1x128xi32, #tpu.memory_space<vmem>>
        %dma_start3A_127 = tpu.memref_squeeze %dma_start3A_126 : memref<1x128xi32, #tpu.memory_space<vmem>> -> memref<128xi32, #tpu.memory_space<vmem>>
        %dma_start3A_128 = arith.constant 0 : i32
        %dma_start3A_129 = arith.constant 0 : i32
        %dma_start3A_130 = tpu.memref_slice %arg13[%dma_start3A_128, %dma_start3A_129] : memref<100096x8xf32, #tpu.memory_space<vmem_shared>> -> memref<100096x8xf32, #tpu.memory_space<vmem_shared>>
        tpu.enqueue_indirect_dma source(%dma_start3A_130 : memref<100096x8xf32, #tpu.memory_space<vmem_shared>>) target(%dma_start3A_124 : memref<128x8xf32, #tpu.memory_space<vmem>>) offsets(%dma_start3A_127 : memref<128xi32, #tpu.memory_space<vmem>>) semaphore(%run_scoped3A_122 : memref<!tpu.dma_semaphore, #tpu.memory_space<semaphore_mem>>)
        %dma_wait3A = arith.constant 896 : i32
        %dma_wait3A_131 = arith.constant 0 : i32
        %dma_wait3A_132 = tpu.memref_slice %arg11[%dma_wait3A, %dma_wait3A_131] : memref<1024x8xf32, #tpu.memory_space<vmem>> -> memref<128x8xf32, #tpu.memory_space<vmem>>
        %dma_wait3A_133 = arith.constant 0 : i32
        %dma_wait3A_134 = tpu.memref_slice %arg10[%run_scoped3A_108, %dma_wait3A_133] : memref<8x128xi32, #tpu.memory_space<vmem>> -> memref<1x128xi32, #tpu.memory_space<vmem>>
        %dma_wait3A_135 = tpu.memref_squeeze %dma_wait3A_134 : memref<1x128xi32, #tpu.memory_space<vmem>> -> memref<128xi32, #tpu.memory_space<vmem>>
        %dma_wait3A_136 = arith.constant 0 : i32
        %dma_wait3A_137 = arith.constant 0 : i32
        %dma_wait3A_138 = tpu.memref_slice %arg13[%dma_wait3A_136, %dma_wait3A_137] : memref<100096x8xf32, #tpu.memory_space<vmem_shared>> -> memref<100096x8xf32, #tpu.memory_space<vmem_shared>>
        tpu.wait_indirect_dma semaphore(%run_scoped3A_122 : memref<!tpu.dma_semaphore, #tpu.memory_space<semaphore_mem>>) src(%dma_wait3A_138 : memref<100096x8xf32, #tpu.memory_space<vmem_shared>>) dst(%dma_wait3A_132 : memref<128x8xf32, #tpu.memory_space<vmem>>)
        tpu.yield
      }) : () -> ()
      %scan3A = arith.constant 0 : i32
      %scan3A_109 = arith.constant 0 : i32
      %scan3A_110 = arith.constant 64 : i32
      %scan3A_111 = arith.addi %scan3A_109, %scan3A_110 : i32
      %scan3A_112 = arith.constant 1 : i32
      scf.for %scan3A_122 = %scan3A_109 to %scan3A_111 step %scan3A_112  : i32 {
        %mul3A_123 = arith.constant 16 : i32
        %mul3A_124 = arith.muli %scan3A_122, %mul3A_123 : i32
        %add3A_125 = vector.broadcast %mul3A_124 : i32 to vector<16xi32>
        %add3A_126 = arith.addi %iota3A, %add3A_125 : vector<16xi32>
        %mul3A_127 = arith.constant 4 : i32
        %mul3A_128 = vector.broadcast %mul3A_127 : i32 to vector<16xi32>
        %mul3A_129 = arith.muli %add3A_126, %mul3A_128 : vector<16xi32>
        %add3A_130 = arith.constant 0 : i32
        %add3A_131 = vector.broadcast %add3A_130 : i32 to vector<16xi32>
        %add3A_132 = arith.addi %mul3A_129, %add3A_131 : vector<16xi32>
        %gather3A = tpu.vector_load_idx %arg9[%add3A_132] : memref<4096xf32, #tpu.memory_space<vmem>>[vector<16xi32>], vector<16xf32>,
        %add3A_133 = arith.constant 1 : i32
        %add3A_134 = vector.broadcast %add3A_133 : i32 to vector<16xi32>
        %add3A_135 = arith.addi %mul3A_129, %add3A_134 : vector<16xi32>
        %gather3A_136 = tpu.vector_load_idx %arg9[%add3A_135] : memref<4096xf32, #tpu.memory_space<vmem>>[vector<16xi32>], vector<16xf32>,
        %add3A_137 = arith.constant 2 : i32
        %add3A_138 = vector.broadcast %add3A_137 : i32 to vector<16xi32>
        %add3A_139 = arith.addi %mul3A_129, %add3A_138 : vector<16xi32>
        %gather3A_140 = tpu.vector_load_idx %arg9[%add3A_139] : memref<4096xf32, #tpu.memory_space<vmem>>[vector<16xi32>], vector<16xf32>,
        %add3A_141 = arith.constant 3 : i32
        %add3A_142 = vector.broadcast %add3A_141 : i32 to vector<16xi32>
        %add3A_143 = arith.addi %mul3A_129, %add3A_142 : vector<16xi32>
        %gather3A_144 = tpu.vector_load_idx %arg9[%add3A_143] : memref<4096xf32, #tpu.memory_space<vmem>>[vector<16xi32>], vector<16xf32>,
        %mul3A_145 = arith.mulf %get3A_11, %gather3A : vector<16xf32>
        %mul3A_146 = arith.mulf %get3A_15, %gather3A_136 : vector<16xf32>
        %add3A_147 = arith.addf %mul3A_145, %mul3A_146 : vector<16xf32>
        %mul3A_148 = arith.mulf %get3A_19, %gather3A_140 : vector<16xf32>
        %add3A_149 = arith.addf %add3A_147, %mul3A_148 : vector<16xf32>
        %mul3A_150 = arith.mulf %get3A_23, %gather3A_144 : vector<16xf32>
        %add3A_151 = arith.addf %add3A_149, %mul3A_150 : vector<16xf32>
        %exp3A = math.exp %add3A_151 : vector<16xf32>
        %mul3A_152 = arith.mulf %get3A_27, %gather3A : vector<16xf32>
        %mul3A_153 = arith.mulf %get3A_31, %gather3A_136 : vector<16xf32>
        %add3A_154 = arith.addf %mul3A_152, %mul3A_153 : vector<16xf32>
        %mul3A_155 = arith.mulf %get3A_35, %gather3A_140 : vector<16xf32>
        %add3A_156 = arith.addf %add3A_154, %mul3A_155 : vector<16xf32>
        %mul3A_157 = arith.mulf %get3A_39, %gather3A_144 : vector<16xf32>
        %add3A_158 = arith.addf %add3A_156, %mul3A_157 : vector<16xf32>
        %exp3A_159 = math.exp %add3A_158 : vector<16xf32>
        %mul3A_160 = arith.mulf %get3A_43, %gather3A : vector<16xf32>
        %mul3A_161 = arith.mulf %get3A_47, %gather3A_136 : vector<16xf32>
        %add3A_162 = arith.addf %mul3A_160, %mul3A_161 : vector<16xf32>
        %mul3A_163 = arith.mulf %get3A_51, %gather3A_140 : vector<16xf32>
        %add3A_164 = arith.addf %add3A_162, %mul3A_163 : vector<16xf32>
        %mul3A_165 = arith.mulf %get3A_55, %gather3A_144 : vector<16xf32>
        %add3A_166 = arith.addf %add3A_164, %mul3A_165 : vector<16xf32>
        %exp3A_167 = math.exp %add3A_166 : vector<16xf32>
        %mul3A_168 = arith.mulf %get3A_59, %gather3A : vector<16xf32>
        %mul3A_169 = arith.mulf %get3A_63, %gather3A_136 : vector<16xf32>
        %add3A_170 = arith.addf %mul3A_168, %mul3A_169 : vector<16xf32>
        %mul3A_171 = arith.mulf %get3A_67, %gather3A_140 : vector<16xf32>
        %add3A_172 = arith.addf %add3A_170, %mul3A_171 : vector<16xf32>
        %mul3A_173 = arith.mulf %get3A_71, %gather3A_144 : vector<16xf32>
        %add3A_174 = arith.addf %add3A_172, %mul3A_173 : vector<16xf32>
        %exp3A_175 = math.exp %add3A_174 : vector<16xf32>
        %broadcast_in_dim3A = arith.constant 0.000000e+00 : f32
        %broadcast_in_dim3A_176 = vector.broadcast %broadcast_in_dim3A : f32 to vector<16xf32>
        %broadcast_in_dim3A_177 = arith.constant 0 : i32
        %broadcast_in_dim3A_178 = vector.broadcast %broadcast_in_dim3A_177 : i32 to vector<16xi32>
        %gather3A_179 = tpu.vector_load_idx %arg11[%add3A_126, %broadcast_in_dim3A_178] : memref<1024x8xf32, #tpu.memory_space<vmem>>[vector<16xi32>, vector<16xi32>], vector<16xf32>,
        %div3A = arith.divf %exp3A, %gather3A_179 : vector<16xf32>
        %add3A_180 = arith.addf %broadcast_in_dim3A_176, %div3A : vector<16xf32>
        %broadcast_in_dim3A_181 = arith.constant 1 : i32
        %broadcast_in_dim3A_182 = vector.broadcast %broadcast_in_dim3A_181 : i32 to vector<16xi32>
        %gather3A_183 = tpu.vector_load_idx %arg11[%add3A_126, %broadcast_in_dim3A_182] : memref<1024x8xf32, #tpu.memory_space<vmem>>[vector<16xi32>, vector<16xi32>], vector<16xf32>,
        %div3A_184 = arith.divf %exp3A_159, %gather3A_183 : vector<16xf32>
        %add3A_185 = arith.addf %add3A_180, %div3A_184 : vector<16xf32>
        %broadcast_in_dim3A_186 = arith.constant 2 : i32
        %broadcast_in_dim3A_187 = vector.broadcast %broadcast_in_dim3A_186 : i32 to vector<16xi32>
        %gather3A_188 = tpu.vector_load_idx %arg11[%add3A_126, %broadcast_in_dim3A_187] : memref<1024x8xf32, #tpu.memory_space<vmem>>[vector<16xi32>, vector<16xi32>], vector<16xf32>,
        %div3A_189 = arith.divf %exp3A_167, %gather3A_188 : vector<16xf32>
        %add3A_190 = arith.addf %add3A_185, %div3A_189 : vector<16xf32>
        %broadcast_in_dim3A_191 = arith.constant 3 : i32
        %broadcast_in_dim3A_192 = vector.broadcast %broadcast_in_dim3A_191 : i32 to vector<16xi32>
        %gather3A_193 = tpu.vector_load_idx %arg11[%add3A_126, %broadcast_in_dim3A_192] : memref<1024x8xf32, #tpu.memory_space<vmem>>[vector<16xi32>, vector<16xi32>], vector<16xf32>,
        %div3A_194 = arith.divf %exp3A_175, %gather3A_193 : vector<16xf32>
        %add3A_195 = arith.addf %add3A_190, %div3A_194 : vector<16xf32>
        %mul3A_196 = vector.broadcast %while3A_76 : f32 to vector<16xf32>
        %mul3A_197 = arith.mulf %add3A_195, %mul3A_196 : vector<16xf32>
        %broadcast_in_dim3A_198 = arith.constant 0 : i32
        %broadcast_in_dim3A_199 = vector.broadcast %broadcast_in_dim3A_198 : i32 to vector<16xi32>
        %mul3A_200 = arith.mulf %gather3A, %mul3A_197 : vector<16xf32>
        tpu.vector_store_idx %arg12[%add3A_126, %broadcast_in_dim3A_199], %mul3A_200 : memref<1024x8xf32, #tpu.memory_space<vmem>>[vector<16xi32>, vector<16xi32>], vector<16xf32>,
        %broadcast_in_dim3A_201 = arith.constant 1 : i32
        %broadcast_in_dim3A_202 = vector.broadcast %broadcast_in_dim3A_201 : i32 to vector<16xi32>
        %mul3A_203 = arith.mulf %gather3A_136, %mul3A_197 : vector<16xf32>
        tpu.vector_store_idx %arg12[%add3A_126, %broadcast_in_dim3A_202], %mul3A_203 : memref<1024x8xf32, #tpu.memory_space<vmem>>[vector<16xi32>, vector<16xi32>], vector<16xf32>,
        %broadcast_in_dim3A_204 = arith.constant 2 : i32
        %broadcast_in_dim3A_205 = vector.broadcast %broadcast_in_dim3A_204 : i32 to vector<16xi32>
        %mul3A_206 = arith.mulf %gather3A_140, %mul3A_197 : vector<16xf32>
        tpu.vector_store_idx %arg12[%add3A_126, %broadcast_in_dim3A_205], %mul3A_206 : memref<1024x8xf32, #tpu.memory_space<vmem>>[vector<16xi32>, vector<16xi32>], vector<16xf32>,
        %broadcast_in_dim3A_207 = arith.constant 3 : i32
        %broadcast_in_dim3A_208 = vector.broadcast %broadcast_in_dim3A_207 : i32 to vector<16xi32>
        %mul3A_209 = arith.mulf %gather3A_144, %mul3A_197 : vector<16xf32>
        tpu.vector_store_idx %arg12[%add3A_126, %broadcast_in_dim3A_208], %mul3A_209 : memref<1024x8xf32, #tpu.memory_space<vmem>>[vector<16xi32>, vector<16xi32>], vector<16xf32>,
      }
      %scan3A_113 = arith.constant 64 : i32
      %run_scoped3A_114 = arith.constant 0 : i32
      "tpu.region"() ({
        %run_scoped3A_122 = tpu.sem_alloc : memref<!tpu.dma_semaphore, #tpu.memory_space<semaphore_mem>>
        %dma_start3A = arith.constant 0 : i32
        %dma_start3A_123 = arith.constant 0 : i32
        %dma_start3A_124 = tpu.memref_slice %arg12[%dma_start3A, %dma_start3A_123] : memref<1024x8xf32, #tpu.memory_space<vmem>> -> memref<128x8xf32, #tpu.memory_space<vmem>>
        %dma_start3A_125 = arith.constant 0 : i32
        %dma_start3A_126 = tpu.memref_slice %arg10[%run_scoped3A_114, %dma_start3A_125] : memref<8x128xi32, #tpu.memory_space<vmem>> -> memref<1x128xi32, #tpu.memory_space<vmem>>
        %dma_start3A_127 = tpu.memref_squeeze %dma_start3A_126 : memref<1x128xi32, #tpu.memory_space<vmem>> -> memref<128xi32, #tpu.memory_space<vmem>>
        %dma_start3A_128 = arith.constant 0 : i32
        %dma_start3A_129 = arith.constant 0 : i32
        %dma_start3A_130 = tpu.memref_slice %arg14[%dma_start3A_128, %dma_start3A_129] : memref<100096x8xf32, #tpu.memory_space<vmem_shared>> -> memref<100096x8xf32, #tpu.memory_space<vmem_shared>>
        tpu.enqueue_indirect_dma source(%dma_start3A_124 : memref<128x8xf32, #tpu.memory_space<vmem>>) target(%dma_start3A_130 : memref<100096x8xf32, #tpu.memory_space<vmem_shared>>) offsets(%dma_start3A_127 : memref<128xi32, #tpu.memory_space<vmem>>) semaphore(%run_scoped3A_122 : memref<!tpu.dma_semaphore, #tpu.memory_space<semaphore_mem>>) {add = true}
        %dma_wait3A = arith.constant 0 : i32
        %dma_wait3A_131 = arith.constant 0 : i32
        %dma_wait3A_132 = tpu.memref_slice %arg12[%dma_wait3A, %dma_wait3A_131] : memref<1024x8xf32, #tpu.memory_space<vmem>> -> memref<128x8xf32, #tpu.memory_space<vmem>>
        %dma_wait3A_133 = arith.constant 0 : i32
        %dma_wait3A_134 = tpu.memref_slice %arg10[%run_scoped3A_114, %dma_wait3A_133] : memref<8x128xi32, #tpu.memory_space<vmem>> -> memref<1x128xi32, #tpu.memory_space<vmem>>
        %dma_wait3A_135 = tpu.memref_squeeze %dma_wait3A_134 : memref<1x128xi32, #tpu.memory_space<vmem>> -> memref<128xi32, #tpu.memory_space<vmem>>
        %dma_wait3A_136 = arith.constant 0 : i32
        %dma_wait3A_137 = arith.constant 0 : i32
        %dma_wait3A_138 = tpu.memref_slice %arg14[%dma_wait3A_136, %dma_wait3A_137] : memref<100096x8xf32, #tpu.memory_space<vmem_shared>> -> memref<100096x8xf32, #tpu.memory_space<vmem_shared>>
        tpu.wait_indirect_dma semaphore(%run_scoped3A_122 : memref<!tpu.dma_semaphore, #tpu.memory_space<semaphore_mem>>) src(%dma_wait3A_132 : memref<128x8xf32, #tpu.memory_space<vmem>>) dst(%dma_wait3A_138 : memref<100096x8xf32, #tpu.memory_space<vmem_shared>>)
        tpu.yield
      }) : () -> ()
      %run_scoped3A_115 = arith.constant 1 : i32
      "tpu.region"() ({
        %run_scoped3A_122 = tpu.sem_alloc : memref<!tpu.dma_semaphore, #tpu.memory_space<semaphore_mem>>
        %dma_start3A = arith.constant 128 : i32
        %dma_start3A_123 = arith.constant 0 : i32
        %dma_start3A_124 = tpu.memref_slice %arg12[%dma_start3A, %dma_start3A_123] : memref<1024x8xf32, #tpu.memory_space<vmem>> -> memref<128x8xf32, #tpu.memory_space<vmem>>
        %dma_start3A_125 = arith.constant 0 : i32
        %dma_start3A_126 = tpu.memref_slice %arg10[%run_scoped3A_115, %dma_start3A_125] : memref<8x128xi32, #tpu.memory_space<vmem>> -> memref<1x128xi32, #tpu.memory_space<vmem>>
        %dma_start3A_127 = tpu.memref_squeeze %dma_start3A_126 : memref<1x128xi32, #tpu.memory_space<vmem>> -> memref<128xi32, #tpu.memory_space<vmem>>
        %dma_start3A_128 = arith.constant 0 : i32
        %dma_start3A_129 = arith.constant 0 : i32
        %dma_start3A_130 = tpu.memref_slice %arg14[%dma_start3A_128, %dma_start3A_129] : memref<100096x8xf32, #tpu.memory_space<vmem_shared>> -> memref<100096x8xf32, #tpu.memory_space<vmem_shared>>
        tpu.enqueue_indirect_dma source(%dma_start3A_124 : memref<128x8xf32, #tpu.memory_space<vmem>>) target(%dma_start3A_130 : memref<100096x8xf32, #tpu.memory_space<vmem_shared>>) offsets(%dma_start3A_127 : memref<128xi32, #tpu.memory_space<vmem>>) semaphore(%run_scoped3A_122 : memref<!tpu.dma_semaphore, #tpu.memory_space<semaphore_mem>>) {add = true}
        %dma_wait3A = arith.constant 128 : i32
        %dma_wait3A_131 = arith.constant 0 : i32
        %dma_wait3A_132 = tpu.memref_slice %arg12[%dma_wait3A, %dma_wait3A_131] : memref<1024x8xf32, #tpu.memory_space<vmem>> -> memref<128x8xf32, #tpu.memory_space<vmem>>
        %dma_wait3A_133 = arith.constant 0 : i32
        %dma_wait3A_134 = tpu.memref_slice %arg10[%run_scoped3A_115, %dma_wait3A_133] : memref<8x128xi32, #tpu.memory_space<vmem>> -> memref<1x128xi32, #tpu.memory_space<vmem>>
        %dma_wait3A_135 = tpu.memref_squeeze %dma_wait3A_134 : memref<1x128xi32, #tpu.memory_space<vmem>> -> memref<128xi32, #tpu.memory_space<vmem>>
        %dma_wait3A_136 = arith.constant 0 : i32
        %dma_wait3A_137 = arith.constant 0 : i32
        %dma_wait3A_138 = tpu.memref_slice %arg14[%dma_wait3A_136, %dma_wait3A_137] : memref<100096x8xf32, #tpu.memory_space<vmem_shared>> -> memref<100096x8xf32, #tpu.memory_space<vmem_shared>>
        tpu.wait_indirect_dma semaphore(%run_scoped3A_122 : memref<!tpu.dma_semaphore, #tpu.memory_space<semaphore_mem>>) src(%dma_wait3A_132 : memref<128x8xf32, #tpu.memory_space<vmem>>) dst(%dma_wait3A_138 : memref<100096x8xf32, #tpu.memory_space<vmem_shared>>)
        tpu.yield
      }) : () -> ()
      %run_scoped3A_116 = arith.constant 2 : i32
      "tpu.region"() ({
        %run_scoped3A_122 = tpu.sem_alloc : memref<!tpu.dma_semaphore, #tpu.memory_space<semaphore_mem>>
        %dma_start3A = arith.constant 256 : i32
        %dma_start3A_123 = arith.constant 0 : i32
        %dma_start3A_124 = tpu.memref_slice %arg12[%dma_start3A, %dma_start3A_123] : memref<1024x8xf32, #tpu.memory_space<vmem>> -> memref<128x8xf32, #tpu.memory_space<vmem>>
        %dma_start3A_125 = arith.constant 0 : i32
        %dma_start3A_126 = tpu.memref_slice %arg10[%run_scoped3A_116, %dma_start3A_125] : memref<8x128xi32, #tpu.memory_space<vmem>> -> memref<1x128xi32, #tpu.memory_space<vmem>>
        %dma_start3A_127 = tpu.memref_squeeze %dma_start3A_126 : memref<1x128xi32, #tpu.memory_space<vmem>> -> memref<128xi32, #tpu.memory_space<vmem>>
        %dma_start3A_128 = arith.constant 0 : i32
        %dma_start3A_129 = arith.constant 0 : i32
        %dma_start3A_130 = tpu.memref_slice %arg14[%dma_start3A_128, %dma_start3A_129] : memref<100096x8xf32, #tpu.memory_space<vmem_shared>> -> memref<100096x8xf32, #tpu.memory_space<vmem_shared>>
        tpu.enqueue_indirect_dma source(%dma_start3A_124 : memref<128x8xf32, #tpu.memory_space<vmem>>) target(%dma_start3A_130 : memref<100096x8xf32, #tpu.memory_space<vmem_shared>>) offsets(%dma_start3A_127 : memref<128xi32, #tpu.memory_space<vmem>>) semaphore(%run_scoped3A_122 : memref<!tpu.dma_semaphore, #tpu.memory_space<semaphore_mem>>) {add = true}
        %dma_wait3A = arith.constant 256 : i32
        %dma_wait3A_131 = arith.constant 0 : i32
        %dma_wait3A_132 = tpu.memref_slice %arg12[%dma_wait3A, %dma_wait3A_131] : memref<1024x8xf32, #tpu.memory_space<vmem>> -> memref<128x8xf32, #tpu.memory_space<vmem>>
        %dma_wait3A_133 = arith.constant 0 : i32
        %dma_wait3A_134 = tpu.memref_slice %arg10[%run_scoped3A_116, %dma_wait3A_133] : memref<8x128xi32, #tpu.memory_space<vmem>> -> memref<1x128xi32, #tpu.memory_space<vmem>>
        %dma_wait3A_135 = tpu.memref_squeeze %dma_wait3A_134 : memref<1x128xi32, #tpu.memory_space<vmem>> -> memref<128xi32, #tpu.memory_space<vmem>>
        %dma_wait3A_136 = arith.constant 0 : i32
        %dma_wait3A_137 = arith.constant 0 : i32
        %dma_wait3A_138 = tpu.memref_slice %arg14[%dma_wait3A_136, %dma_wait3A_137] : memref<100096x8xf32, #tpu.memory_space<vmem_shared>> -> memref<100096x8xf32, #tpu.memory_space<vmem_shared>>
        tpu.wait_indirect_dma semaphore(%run_scoped3A_122 : memref<!tpu.dma_semaphore, #tpu.memory_space<semaphore_mem>>) src(%dma_wait3A_132 : memref<128x8xf32, #tpu.memory_space<vmem>>) dst(%dma_wait3A_138 : memref<100096x8xf32, #tpu.memory_space<vmem_shared>>)
        tpu.yield
      }) : () -> ()
      %run_scoped3A_117 = arith.constant 3 : i32
      "tpu.region"() ({
        %run_scoped3A_122 = tpu.sem_alloc : memref<!tpu.dma_semaphore, #tpu.memory_space<semaphore_mem>>
        %dma_start3A = arith.constant 384 : i32
        %dma_start3A_123 = arith.constant 0 : i32
        %dma_start3A_124 = tpu.memref_slice %arg12[%dma_start3A, %dma_start3A_123] : memref<1024x8xf32, #tpu.memory_space<vmem>> -> memref<128x8xf32, #tpu.memory_space<vmem>>
        %dma_start3A_125 = arith.constant 0 : i32
        %dma_start3A_126 = tpu.memref_slice %arg10[%run_scoped3A_117, %dma_start3A_125] : memref<8x128xi32, #tpu.memory_space<vmem>> -> memref<1x128xi32, #tpu.memory_space<vmem>>
        %dma_start3A_127 = tpu.memref_squeeze %dma_start3A_126 : memref<1x128xi32, #tpu.memory_space<vmem>> -> memref<128xi32, #tpu.memory_space<vmem>>
        %dma_start3A_128 = arith.constant 0 : i32
        %dma_start3A_129 = arith.constant 0 : i32
        %dma_start3A_130 = tpu.memref_slice %arg14[%dma_start3A_128, %dma_start3A_129] : memref<100096x8xf32, #tpu.memory_space<vmem_shared>> -> memref<100096x8xf32, #tpu.memory_space<vmem_shared>>
        tpu.enqueue_indirect_dma source(%dma_start3A_124 : memref<128x8xf32, #tpu.memory_space<vmem>>) target(%dma_start3A_130 : memref<100096x8xf32, #tpu.memory_space<vmem_shared>>) offsets(%dma_start3A_127 : memref<128xi32, #tpu.memory_space<vmem>>) semaphore(%run_scoped3A_122 : memref<!tpu.dma_semaphore, #tpu.memory_space<semaphore_mem>>) {add = true}
        %dma_wait3A = arith.constant 384 : i32
        %dma_wait3A_131 = arith.constant 0 : i32
        %dma_wait3A_132 = tpu.memref_slice %arg12[%dma_wait3A, %dma_wait3A_131] : memref<1024x8xf32, #tpu.memory_space<vmem>> -> memref<128x8xf32, #tpu.memory_space<vmem>>
        %dma_wait3A_133 = arith.constant 0 : i32
        %dma_wait3A_134 = tpu.memref_slice %arg10[%run_scoped3A_117, %dma_wait3A_133] : memref<8x128xi32, #tpu.memory_space<vmem>> -> memref<1x128xi32, #tpu.memory_space<vmem>>
        %dma_wait3A_135 = tpu.memref_squeeze %dma_wait3A_134 : memref<1x128xi32, #tpu.memory_space<vmem>> -> memref<128xi32, #tpu.memory_space<vmem>>
        %dma_wait3A_136 = arith.constant 0 : i32
        %dma_wait3A_137 = arith.constant 0 : i32
        %dma_wait3A_138 = tpu.memref_slice %arg14[%dma_wait3A_136, %dma_wait3A_137] : memref<100096x8xf32, #tpu.memory_space<vmem_shared>> -> memref<100096x8xf32, #tpu.memory_space<vmem_shared>>
        tpu.wait_indirect_dma semaphore(%run_scoped3A_122 : memref<!tpu.dma_semaphore, #tpu.memory_space<semaphore_mem>>) src(%dma_wait3A_132 : memref<128x8xf32, #tpu.memory_space<vmem>>) dst(%dma_wait3A_138 : memref<100096x8xf32, #tpu.memory_space<vmem_shared>>)
        tpu.yield
      }) : () -> ()
      %run_scoped3A_118 = arith.constant 4 : i32
      "tpu.region"() ({
        %run_scoped3A_122 = tpu.sem_alloc : memref<!tpu.dma_semaphore, #tpu.memory_space<semaphore_mem>>
        %dma_start3A = arith.constant 512 : i32
        %dma_start3A_123 = arith.constant 0 : i32
        %dma_start3A_124 = tpu.memref_slice %arg12[%dma_start3A, %dma_start3A_123] : memref<1024x8xf32, #tpu.memory_space<vmem>> -> memref<128x8xf32, #tpu.memory_space<vmem>>
        %dma_start3A_125 = arith.constant 0 : i32
        %dma_start3A_126 = tpu.memref_slice %arg10[%run_scoped3A_118, %dma_start3A_125] : memref<8x128xi32, #tpu.memory_space<vmem>> -> memref<1x128xi32, #tpu.memory_space<vmem>>
        %dma_start3A_127 = tpu.memref_squeeze %dma_start3A_126 : memref<1x128xi32, #tpu.memory_space<vmem>> -> memref<128xi32, #tpu.memory_space<vmem>>
        %dma_start3A_128 = arith.constant 0 : i32
        %dma_start3A_129 = arith.constant 0 : i32
        %dma_start3A_130 = tpu.memref_slice %arg14[%dma_start3A_128, %dma_start3A_129] : memref<100096x8xf32, #tpu.memory_space<vmem_shared>> -> memref<100096x8xf32, #tpu.memory_space<vmem_shared>>
        tpu.enqueue_indirect_dma source(%dma_start3A_124 : memref<128x8xf32, #tpu.memory_space<vmem>>) target(%dma_start3A_130 : memref<100096x8xf32, #tpu.memory_space<vmem_shared>>) offsets(%dma_start3A_127 : memref<128xi32, #tpu.memory_space<vmem>>) semaphore(%run_scoped3A_122 : memref<!tpu.dma_semaphore, #tpu.memory_space<semaphore_mem>>) {add = true}
        %dma_wait3A = arith.constant 512 : i32
        %dma_wait3A_131 = arith.constant 0 : i32
        %dma_wait3A_132 = tpu.memref_slice %arg12[%dma_wait3A, %dma_wait3A_131] : memref<1024x8xf32, #tpu.memory_space<vmem>> -> memref<128x8xf32, #tpu.memory_space<vmem>>
        %dma_wait3A_133 = arith.constant 0 : i32
        %dma_wait3A_134 = tpu.memref_slice %arg10[%run_scoped3A_118, %dma_wait3A_133] : memref<8x128xi32, #tpu.memory_space<vmem>> -> memref<1x128xi32, #tpu.memory_space<vmem>>
        %dma_wait3A_135 = tpu.memref_squeeze %dma_wait3A_134 : memref<1x128xi32, #tpu.memory_space<vmem>> -> memref<128xi32, #tpu.memory_space<vmem>>
        %dma_wait3A_136 = arith.constant 0 : i32
        %dma_wait3A_137 = arith.constant 0 : i32
        %dma_wait3A_138 = tpu.memref_slice %arg14[%dma_wait3A_136, %dma_wait3A_137] : memref<100096x8xf32, #tpu.memory_space<vmem_shared>> -> memref<100096x8xf32, #tpu.memory_space<vmem_shared>>
        tpu.wait_indirect_dma semaphore(%run_scoped3A_122 : memref<!tpu.dma_semaphore, #tpu.memory_space<semaphore_mem>>) src(%dma_wait3A_132 : memref<128x8xf32, #tpu.memory_space<vmem>>) dst(%dma_wait3A_138 : memref<100096x8xf32, #tpu.memory_space<vmem_shared>>)
        tpu.yield
      }) : () -> ()
      %run_scoped3A_119 = arith.constant 5 : i32
      "tpu.region"() ({
        %run_scoped3A_122 = tpu.sem_alloc : memref<!tpu.dma_semaphore, #tpu.memory_space<semaphore_mem>>
        %dma_start3A = arith.constant 640 : i32
        %dma_start3A_123 = arith.constant 0 : i32
        %dma_start3A_124 = tpu.memref_slice %arg12[%dma_start3A, %dma_start3A_123] : memref<1024x8xf32, #tpu.memory_space<vmem>> -> memref<128x8xf32, #tpu.memory_space<vmem>>
        %dma_start3A_125 = arith.constant 0 : i32
        %dma_start3A_126 = tpu.memref_slice %arg10[%run_scoped3A_119, %dma_start3A_125] : memref<8x128xi32, #tpu.memory_space<vmem>> -> memref<1x128xi32, #tpu.memory_space<vmem>>
        %dma_start3A_127 = tpu.memref_squeeze %dma_start3A_126 : memref<1x128xi32, #tpu.memory_space<vmem>> -> memref<128xi32, #tpu.memory_space<vmem>>
        %dma_start3A_128 = arith.constant 0 : i32
        %dma_start3A_129 = arith.constant 0 : i32
        %dma_start3A_130 = tpu.memref_slice %arg14[%dma_start3A_128, %dma_start3A_129] : memref<100096x8xf32, #tpu.memory_space<vmem_shared>> -> memref<100096x8xf32, #tpu.memory_space<vmem_shared>>
        tpu.enqueue_indirect_dma source(%dma_start3A_124 : memref<128x8xf32, #tpu.memory_space<vmem>>) target(%dma_start3A_130 : memref<100096x8xf32, #tpu.memory_space<vmem_shared>>) offsets(%dma_start3A_127 : memref<128xi32, #tpu.memory_space<vmem>>) semaphore(%run_scoped3A_122 : memref<!tpu.dma_semaphore, #tpu.memory_space<semaphore_mem>>) {add = true}
        %dma_wait3A = arith.constant 640 : i32
        %dma_wait3A_131 = arith.constant 0 : i32
        %dma_wait3A_132 = tpu.memref_slice %arg12[%dma_wait3A, %dma_wait3A_131] : memref<1024x8xf32, #tpu.memory_space<vmem>> -> memref<128x8xf32, #tpu.memory_space<vmem>>
        %dma_wait3A_133 = arith.constant 0 : i32
        %dma_wait3A_134 = tpu.memref_slice %arg10[%run_scoped3A_119, %dma_wait3A_133] : memref<8x128xi32, #tpu.memory_space<vmem>> -> memref<1x128xi32, #tpu.memory_space<vmem>>
        %dma_wait3A_135 = tpu.memref_squeeze %dma_wait3A_134 : memref<1x128xi32, #tpu.memory_space<vmem>> -> memref<128xi32, #tpu.memory_space<vmem>>
        %dma_wait3A_136 = arith.constant 0 : i32
        %dma_wait3A_137 = arith.constant 0 : i32
        %dma_wait3A_138 = tpu.memref_slice %arg14[%dma_wait3A_136, %dma_wait3A_137] : memref<100096x8xf32, #tpu.memory_space<vmem_shared>> -> memref<100096x8xf32, #tpu.memory_space<vmem_shared>>
        tpu.wait_indirect_dma semaphore(%run_scoped3A_122 : memref<!tpu.dma_semaphore, #tpu.memory_space<semaphore_mem>>) src(%dma_wait3A_132 : memref<128x8xf32, #tpu.memory_space<vmem>>) dst(%dma_wait3A_138 : memref<100096x8xf32, #tpu.memory_space<vmem_shared>>)
        tpu.yield
      }) : () -> ()
      %run_scoped3A_120 = arith.constant 6 : i32
      "tpu.region"() ({
        %run_scoped3A_122 = tpu.sem_alloc : memref<!tpu.dma_semaphore, #tpu.memory_space<semaphore_mem>>
        %dma_start3A = arith.constant 768 : i32
        %dma_start3A_123 = arith.constant 0 : i32
        %dma_start3A_124 = tpu.memref_slice %arg12[%dma_start3A, %dma_start3A_123] : memref<1024x8xf32, #tpu.memory_space<vmem>> -> memref<128x8xf32, #tpu.memory_space<vmem>>
        %dma_start3A_125 = arith.constant 0 : i32
        %dma_start3A_126 = tpu.memref_slice %arg10[%run_scoped3A_120, %dma_start3A_125] : memref<8x128xi32, #tpu.memory_space<vmem>> -> memref<1x128xi32, #tpu.memory_space<vmem>>
        %dma_start3A_127 = tpu.memref_squeeze %dma_start3A_126 : memref<1x128xi32, #tpu.memory_space<vmem>> -> memref<128xi32, #tpu.memory_space<vmem>>
        %dma_start3A_128 = arith.constant 0 : i32
        %dma_start3A_129 = arith.constant 0 : i32
        %dma_start3A_130 = tpu.memref_slice %arg14[%dma_start3A_128, %dma_start3A_129] : memref<100096x8xf32, #tpu.memory_space<vmem_shared>> -> memref<100096x8xf32, #tpu.memory_space<vmem_shared>>
        tpu.enqueue_indirect_dma source(%dma_start3A_124 : memref<128x8xf32, #tpu.memory_space<vmem>>) target(%dma_start3A_130 : memref<100096x8xf32, #tpu.memory_space<vmem_shared>>) offsets(%dma_start3A_127 : memref<128xi32, #tpu.memory_space<vmem>>) semaphore(%run_scoped3A_122 : memref<!tpu.dma_semaphore, #tpu.memory_space<semaphore_mem>>) {add = true}
        %dma_wait3A = arith.constant 768 : i32
        %dma_wait3A_131 = arith.constant 0 : i32
        %dma_wait3A_132 = tpu.memref_slice %arg12[%dma_wait3A, %dma_wait3A_131] : memref<1024x8xf32, #tpu.memory_space<vmem>> -> memref<128x8xf32, #tpu.memory_space<vmem>>
        %dma_wait3A_133 = arith.constant 0 : i32
        %dma_wait3A_134 = tpu.memref_slice %arg10[%run_scoped3A_120, %dma_wait3A_133] : memref<8x128xi32, #tpu.memory_space<vmem>> -> memref<1x128xi32, #tpu.memory_space<vmem>>
        %dma_wait3A_135 = tpu.memref_squeeze %dma_wait3A_134 : memref<1x128xi32, #tpu.memory_space<vmem>> -> memref<128xi32, #tpu.memory_space<vmem>>
        %dma_wait3A_136 = arith.constant 0 : i32
        %dma_wait3A_137 = arith.constant 0 : i32
        %dma_wait3A_138 = tpu.memref_slice %arg14[%dma_wait3A_136, %dma_wait3A_137] : memref<100096x8xf32, #tpu.memory_space<vmem_shared>> -> memref<100096x8xf32, #tpu.memory_space<vmem_shared>>
        tpu.wait_indirect_dma semaphore(%run_scoped3A_122 : memref<!tpu.dma_semaphore, #tpu.memory_space<semaphore_mem>>) src(%dma_wait3A_132 : memref<128x8xf32, #tpu.memory_space<vmem>>) dst(%dma_wait3A_138 : memref<100096x8xf32, #tpu.memory_space<vmem_shared>>)
        tpu.yield
      }) : () -> ()
      %run_scoped3A_121 = arith.constant 7 : i32
      "tpu.region"() ({
        %run_scoped3A_122 = tpu.sem_alloc : memref<!tpu.dma_semaphore, #tpu.memory_space<semaphore_mem>>
        %dma_start3A = arith.constant 896 : i32
        %dma_start3A_123 = arith.constant 0 : i32
        %dma_start3A_124 = tpu.memref_slice %arg12[%dma_start3A, %dma_start3A_123] : memref<1024x8xf32, #tpu.memory_space<vmem>> -> memref<128x8xf32, #tpu.memory_space<vmem>>
        %dma_start3A_125 = arith.constant 0 : i32
        %dma_start3A_126 = tpu.memref_slice %arg10[%run_scoped3A_121, %dma_start3A_125] : memref<8x128xi32, #tpu.memory_space<vmem>> -> memref<1x128xi32, #tpu.memory_space<vmem>>
        %dma_start3A_127 = tpu.memref_squeeze %dma_start3A_126 : memref<1x128xi32, #tpu.memory_space<vmem>> -> memref<128xi32, #tpu.memory_space<vmem>>
        %dma_start3A_128 = arith.constant 0 : i32
        %dma_start3A_129 = arith.constant 0 : i32
        %dma_start3A_130 = tpu.memref_slice %arg14[%dma_start3A_128, %dma_start3A_129] : memref<100096x8xf32, #tpu.memory_space<vmem_shared>> -> memref<100096x8xf32, #tpu.memory_space<vmem_shared>>
        tpu.enqueue_indirect_dma source(%dma_start3A_124 : memref<128x8xf32, #tpu.memory_space<vmem>>) target(%dma_start3A_130 : memref<100096x8xf32, #tpu.memory_space<vmem_shared>>) offsets(%dma_start3A_127 : memref<128xi32, #tpu.memory_space<vmem>>) semaphore(%run_scoped3A_122 : memref<!tpu.dma_semaphore, #tpu.memory_space<semaphore_mem>>) {add = true}
        %dma_wait3A = arith.constant 896 : i32
        %dma_wait3A_131 = arith.constant 0 : i32
        %dma_wait3A_132 = tpu.memref_slice %arg12[%dma_wait3A, %dma_wait3A_131] : memref<1024x8xf32, #tpu.memory_space<vmem>> -> memref<128x8xf32, #tpu.memory_space<vmem>>
        %dma_wait3A_133 = arith.constant 0 : i32
        %dma_wait3A_134 = tpu.memref_slice %arg10[%run_scoped3A_121, %dma_wait3A_133] : memref<8x128xi32, #tpu.memory_space<vmem>> -> memref<1x128xi32, #tpu.memory_space<vmem>>
        %dma_wait3A_135 = tpu.memref_squeeze %dma_wait3A_134 : memref<1x128xi32, #tpu.memory_space<vmem>> -> memref<128xi32, #tpu.memory_space<vmem>>
        %dma_wait3A_136 = arith.constant 0 : i32
        %dma_wait3A_137 = arith.constant 0 : i32
        %dma_wait3A_138 = tpu.memref_slice %arg14[%dma_wait3A_136, %dma_wait3A_137] : memref<100096x8xf32, #tpu.memory_space<vmem_shared>> -> memref<100096x8xf32, #tpu.memory_space<vmem_shared>>
        tpu.wait_indirect_dma semaphore(%run_scoped3A_122 : memref<!tpu.dma_semaphore, #tpu.memory_space<semaphore_mem>>) src(%dma_wait3A_132 : memref<128x8xf32, #tpu.memory_space<vmem>>) dst(%dma_wait3A_138 : memref<100096x8xf32, #tpu.memory_space<vmem_shared>>)
        tpu.yield
      }) : () -> ()
    }
    %while3A_85 = arith.constant 1 : i32
    scf.for %while3A_91 = %while3A_83 to %while3A_79 step %while3A_85  : i32 {
      %mul3A_92 = arith.constant 32 : i32
      %mul3A_93 = arith.muli %while3A_91, %mul3A_92 : i32
      %add3A_94 = arith.addi %add3A, %mul3A_93 : i32
      %mul3A_95 = arith.constant 1024 : i32
      %mul3A_96 = arith.muli %add3A_94, %mul3A_95 : i32
      %mul3A_97 = arith.constant 4 : i32
      %mul3A_98 = arith.muli %mul3A_96, %mul3A_97 : i32
      "tpu.region"() ({
        %run_scoped3A_122 = tpu.sem_alloc : memref<!tpu.dma_semaphore, #tpu.memory_space<semaphore_mem>>
        %dma_start3A = tpu.memref_slice %arg2[%mul3A_98] : memref<12800000xf32, #tpu.memory_space<hbm>> -> memref<4096xf32, #tpu.memory_space<hbm>>
        %dma_start3A_123 = tpu.memref_slice %arg2[%mul3A_98] : memref<12800000xf32, #tpu.memory_space<hbm>> -> memref<4096xf32, #tpu.memory_space<hbm>>
        tpu.enqueue_dma source(%dma_start3A_123 : memref<4096xf32, #tpu.memory_space<hbm>>) target(%arg9 : memref<4096xf32, #tpu.memory_space<vmem>>) target_semaphore(%run_scoped3A_122 : memref<!tpu.dma_semaphore, #tpu.memory_space<semaphore_mem>>)
        %dma_wait3A = tpu.memref_slice %arg2[%mul3A_98] : memref<12800000xf32, #tpu.memory_space<hbm>> -> memref<4096xf32, #tpu.memory_space<hbm>>
        %dma_wait3A_124 = tpu.memref_slice %arg2[%mul3A_98] : memref<12800000xf32, #tpu.memory_space<hbm>> -> memref<4096xf32, #tpu.memory_space<hbm>>
        tpu.wait_dma2 semaphore(%run_scoped3A_122 : memref<!tpu.dma_semaphore, #tpu.memory_space<semaphore_mem>>) src(%dma_wait3A_124 : memref<4096xf32, #tpu.memory_space<hbm>>) dst(%arg9 : memref<4096xf32, #tpu.memory_space<vmem>>)
        tpu.yield
      }) : () -> ()
      %mul3A_99 = arith.constant 8 : i32
      %mul3A_100 = arith.muli %add3A_94, %mul3A_99 : i32
      %run_scoped3A = arith.constant 1 : i32
      "tpu.region"() ({
        %run_scoped3A_122 = tpu.sem_alloc : memref<!tpu.dma_semaphore, #tpu.memory_space<semaphore_mem>>
        %dma_start3A = arith.constant 0 : i32
        %dma_start3A_123 = tpu.memref_slice %arg4[%run_scoped3A, %mul3A_100, %dma_start3A] : memref<2x25000x128xi32, #tpu.memory_space<hbm>> -> memref<1x8x128xi32, #tpu.memory_space<hbm>>
        %dma_start3A_124 = tpu.memref_squeeze %dma_start3A_123 : memref<1x8x128xi32, #tpu.memory_space<hbm>> -> memref<8x128xi32, #tpu.memory_space<hbm>>
        %dma_start3A_125 = arith.constant 0 : i32
        %dma_start3A_126 = tpu.memref_slice %arg4[%run_scoped3A, %mul3A_100, %dma_start3A_125] : memref<2x25000x128xi32, #tpu.memory_space<hbm>> -> memref<1x8x128xi32, #tpu.memory_space<hbm>>
        %dma_start3A_127 = tpu.memref_squeeze %dma_start3A_126 : memref<1x8x128xi32, #tpu.memory_space<hbm>> -> memref<8x128xi32, #tpu.memory_space<hbm>>
        tpu.enqueue_dma source(%dma_start3A_127 : memref<8x128xi32, #tpu.memory_space<hbm>>) target(%arg10 : memref<8x128xi32, #tpu.memory_space<vmem>>) target_semaphore(%run_scoped3A_122 : memref<!tpu.dma_semaphore, #tpu.memory_space<semaphore_mem>>)
        %dma_wait3A = arith.constant 0 : i32
        %dma_wait3A_128 = tpu.memref_slice %arg4[%run_scoped3A, %mul3A_100, %dma_wait3A] : memref<2x25000x128xi32, #tpu.memory_space<hbm>> -> memref<1x8x128xi32, #tpu.memory_space<hbm>>
        %dma_wait3A_129 = tpu.memref_squeeze %dma_wait3A_128 : memref<1x8x128xi32, #tpu.memory_space<hbm>> -> memref<8x128xi32, #tpu.memory_space<hbm>>
        %dma_wait3A_130 = arith.constant 0 : i32
        %dma_wait3A_131 = tpu.memref_slice %arg4[%run_scoped3A, %mul3A_100, %dma_wait3A_130] : memref<2x25000x128xi32, #tpu.memory_space<hbm>> -> memref<1x8x128xi32, #tpu.memory_space<hbm>>
        %dma_wait3A_132 = tpu.memref_squeeze %dma_wait3A_131 : memref<1x8x128xi32, #tpu.memory_space<hbm>> -> memref<8x128xi32, #tpu.memory_space<hbm>>
        tpu.wait_dma2 semaphore(%run_scoped3A_122 : memref<!tpu.dma_semaphore, #tpu.memory_space<semaphore_mem>>) src(%dma_wait3A_132 : memref<8x128xi32, #tpu.memory_space<hbm>>) dst(%arg10 : memref<8x128xi32, #tpu.memory_space<vmem>>)
        tpu.yield
      }) : () -> ()
      %run_scoped3A_101 = arith.constant 0 : i32
      "tpu.region"() ({
        %run_scoped3A_122 = tpu.sem_alloc : memref<!tpu.dma_semaphore, #tpu.memory_space<semaphore_mem>>
        %dma_start3A = arith.constant 0 : i32
        %dma_start3A_123 = arith.constant 0 : i32
        %dma_start3A_124 = tpu.memref_slice %arg11[%dma_start3A, %dma_start3A_123] : memref<1024x8xf32, #tpu.memory_space<vmem>> -> memref<128x8xf32, #tpu.memory_space<vmem>>
        %dma_start3A_125 = arith.constant 0 : i32
        %dma_start3A_126 = tpu.memref_slice %arg10[%run_scoped3A_101, %dma_start3A_125] : memref<8x128xi32, #tpu.memory_space<vmem>> -> memref<1x128xi32, #tpu.memory_space<vmem>>
        %dma_start3A_127 = tpu.memref_squeeze %dma_start3A_126 : memref<1x128xi32, #tpu.memory_space<vmem>> -> memref<128xi32, #tpu.memory_space<vmem>>
        %dma_start3A_128 = arith.constant 0 : i32
        %dma_start3A_129 = arith.constant 0 : i32
        %dma_start3A_130 = tpu.memref_slice %arg13[%dma_start3A_128, %dma_start3A_129] : memref<100096x8xf32, #tpu.memory_space<vmem_shared>> -> memref<100096x8xf32, #tpu.memory_space<vmem_shared>>
        tpu.enqueue_indirect_dma source(%dma_start3A_130 : memref<100096x8xf32, #tpu.memory_space<vmem_shared>>) target(%dma_start3A_124 : memref<128x8xf32, #tpu.memory_space<vmem>>) offsets(%dma_start3A_127 : memref<128xi32, #tpu.memory_space<vmem>>) semaphore(%run_scoped3A_122 : memref<!tpu.dma_semaphore, #tpu.memory_space<semaphore_mem>>)
        %dma_wait3A = arith.constant 0 : i32
        %dma_wait3A_131 = arith.constant 0 : i32
        %dma_wait3A_132 = tpu.memref_slice %arg11[%dma_wait3A, %dma_wait3A_131] : memref<1024x8xf32, #tpu.memory_space<vmem>> -> memref<128x8xf32, #tpu.memory_space<vmem>>
        %dma_wait3A_133 = arith.constant 0 : i32
        %dma_wait3A_134 = tpu.memref_slice %arg10[%run_scoped3A_101, %dma_wait3A_133] : memref<8x128xi32, #tpu.memory_space<vmem>> -> memref<1x128xi32, #tpu.memory_space<vmem>>
        %dma_wait3A_135 = tpu.memref_squeeze %dma_wait3A_134 : memref<1x128xi32, #tpu.memory_space<vmem>> -> memref<128xi32, #tpu.memory_space<vmem>>
        %dma_wait3A_136 = arith.constant 0 : i32
        %dma_wait3A_137 = arith.constant 0 : i32
        %dma_wait3A_138 = tpu.memref_slice %arg13[%dma_wait3A_136, %dma_wait3A_137] : memref<100096x8xf32, #tpu.memory_space<vmem_shared>> -> memref<100096x8xf32, #tpu.memory_space<vmem_shared>>
        tpu.wait_indirect_dma semaphore(%run_scoped3A_122 : memref<!tpu.dma_semaphore, #tpu.memory_space<semaphore_mem>>) src(%dma_wait3A_138 : memref<100096x8xf32, #tpu.memory_space<vmem_shared>>) dst(%dma_wait3A_132 : memref<128x8xf32, #tpu.memory_space<vmem>>)
        tpu.yield
      }) : () -> ()
      %run_scoped3A_102 = arith.constant 1 : i32
      "tpu.region"() ({
        %run_scoped3A_122 = tpu.sem_alloc : memref<!tpu.dma_semaphore, #tpu.memory_space<semaphore_mem>>
        %dma_start3A = arith.constant 128 : i32
        %dma_start3A_123 = arith.constant 0 : i32
        %dma_start3A_124 = tpu.memref_slice %arg11[%dma_start3A, %dma_start3A_123] : memref<1024x8xf32, #tpu.memory_space<vmem>> -> memref<128x8xf32, #tpu.memory_space<vmem>>
        %dma_start3A_125 = arith.constant 0 : i32
        %dma_start3A_126 = tpu.memref_slice %arg10[%run_scoped3A_102, %dma_start3A_125] : memref<8x128xi32, #tpu.memory_space<vmem>> -> memref<1x128xi32, #tpu.memory_space<vmem>>
        %dma_start3A_127 = tpu.memref_squeeze %dma_start3A_126 : memref<1x128xi32, #tpu.memory_space<vmem>> -> memref<128xi32, #tpu.memory_space<vmem>>
        %dma_start3A_128 = arith.constant 0 : i32
        %dma_start3A_129 = arith.constant 0 : i32
        %dma_start3A_130 = tpu.memref_slice %arg13[%dma_start3A_128, %dma_start3A_129] : memref<100096x8xf32, #tpu.memory_space<vmem_shared>> -> memref<100096x8xf32, #tpu.memory_space<vmem_shared>>
        tpu.enqueue_indirect_dma source(%dma_start3A_130 : memref<100096x8xf32, #tpu.memory_space<vmem_shared>>) target(%dma_start3A_124 : memref<128x8xf32, #tpu.memory_space<vmem>>) offsets(%dma_start3A_127 : memref<128xi32, #tpu.memory_space<vmem>>) semaphore(%run_scoped3A_122 : memref<!tpu.dma_semaphore, #tpu.memory_space<semaphore_mem>>)
        %dma_wait3A = arith.constant 128 : i32
        %dma_wait3A_131 = arith.constant 0 : i32
        %dma_wait3A_132 = tpu.memref_slice %arg11[%dma_wait3A, %dma_wait3A_131] : memref<1024x8xf32, #tpu.memory_space<vmem>> -> memref<128x8xf32, #tpu.memory_space<vmem>>
        %dma_wait3A_133 = arith.constant 0 : i32
        %dma_wait3A_134 = tpu.memref_slice %arg10[%run_scoped3A_102, %dma_wait3A_133] : memref<8x128xi32, #tpu.memory_space<vmem>> -> memref<1x128xi32, #tpu.memory_space<vmem>>
        %dma_wait3A_135 = tpu.memref_squeeze %dma_wait3A_134 : memref<1x128xi32, #tpu.memory_space<vmem>> -> memref<128xi32, #tpu.memory_space<vmem>>
        %dma_wait3A_136 = arith.constant 0 : i32
        %dma_wait3A_137 = arith.constant 0 : i32
        %dma_wait3A_138 = tpu.memref_slice %arg13[%dma_wait3A_136, %dma_wait3A_137] : memref<100096x8xf32, #tpu.memory_space<vmem_shared>> -> memref<100096x8xf32, #tpu.memory_space<vmem_shared>>
        tpu.wait_indirect_dma semaphore(%run_scoped3A_122 : memref<!tpu.dma_semaphore, #tpu.memory_space<semaphore_mem>>) src(%dma_wait3A_138 : memref<100096x8xf32, #tpu.memory_space<vmem_shared>>) dst(%dma_wait3A_132 : memref<128x8xf32, #tpu.memory_space<vmem>>)
        tpu.yield
      }) : () -> ()
      %run_scoped3A_103 = arith.constant 2 : i32
      "tpu.region"() ({
        %run_scoped3A_122 = tpu.sem_alloc : memref<!tpu.dma_semaphore, #tpu.memory_space<semaphore_mem>>
        %dma_start3A = arith.constant 256 : i32
        %dma_start3A_123 = arith.constant 0 : i32
        %dma_start3A_124 = tpu.memref_slice %arg11[%dma_start3A, %dma_start3A_123] : memref<1024x8xf32, #tpu.memory_space<vmem>> -> memref<128x8xf32, #tpu.memory_space<vmem>>
        %dma_start3A_125 = arith.constant 0 : i32
        %dma_start3A_126 = tpu.memref_slice %arg10[%run_scoped3A_103, %dma_start3A_125] : memref<8x128xi32, #tpu.memory_space<vmem>> -> memref<1x128xi32, #tpu.memory_space<vmem>>
        %dma_start3A_127 = tpu.memref_squeeze %dma_start3A_126 : memref<1x128xi32, #tpu.memory_space<vmem>> -> memref<128xi32, #tpu.memory_space<vmem>>
        %dma_start3A_128 = arith.constant 0 : i32
        %dma_start3A_129 = arith.constant 0 : i32
        %dma_start3A_130 = tpu.memref_slice %arg13[%dma_start3A_128, %dma_start3A_129] : memref<100096x8xf32, #tpu.memory_space<vmem_shared>> -> memref<100096x8xf32, #tpu.memory_space<vmem_shared>>
        tpu.enqueue_indirect_dma source(%dma_start3A_130 : memref<100096x8xf32, #tpu.memory_space<vmem_shared>>) target(%dma_start3A_124 : memref<128x8xf32, #tpu.memory_space<vmem>>) offsets(%dma_start3A_127 : memref<128xi32, #tpu.memory_space<vmem>>) semaphore(%run_scoped3A_122 : memref<!tpu.dma_semaphore, #tpu.memory_space<semaphore_mem>>)
        %dma_wait3A = arith.constant 256 : i32
        %dma_wait3A_131 = arith.constant 0 : i32
        %dma_wait3A_132 = tpu.memref_slice %arg11[%dma_wait3A, %dma_wait3A_131] : memref<1024x8xf32, #tpu.memory_space<vmem>> -> memref<128x8xf32, #tpu.memory_space<vmem>>
        %dma_wait3A_133 = arith.constant 0 : i32
        %dma_wait3A_134 = tpu.memref_slice %arg10[%run_scoped3A_103, %dma_wait3A_133] : memref<8x128xi32, #tpu.memory_space<vmem>> -> memref<1x128xi32, #tpu.memory_space<vmem>>
        %dma_wait3A_135 = tpu.memref_squeeze %dma_wait3A_134 : memref<1x128xi32, #tpu.memory_space<vmem>> -> memref<128xi32, #tpu.memory_space<vmem>>
        %dma_wait3A_136 = arith.constant 0 : i32
        %dma_wait3A_137 = arith.constant 0 : i32
        %dma_wait3A_138 = tpu.memref_slice %arg13[%dma_wait3A_136, %dma_wait3A_137] : memref<100096x8xf32, #tpu.memory_space<vmem_shared>> -> memref<100096x8xf32, #tpu.memory_space<vmem_shared>>
        tpu.wait_indirect_dma semaphore(%run_scoped3A_122 : memref<!tpu.dma_semaphore, #tpu.memory_space<semaphore_mem>>) src(%dma_wait3A_138 : memref<100096x8xf32, #tpu.memory_space<vmem_shared>>) dst(%dma_wait3A_132 : memref<128x8xf32, #tpu.memory_space<vmem>>)
        tpu.yield
      }) : () -> ()
      %run_scoped3A_104 = arith.constant 3 : i32
      "tpu.region"() ({
        %run_scoped3A_122 = tpu.sem_alloc : memref<!tpu.dma_semaphore, #tpu.memory_space<semaphore_mem>>
        %dma_start3A = arith.constant 384 : i32
        %dma_start3A_123 = arith.constant 0 : i32
        %dma_start3A_124 = tpu.memref_slice %arg11[%dma_start3A, %dma_start3A_123] : memref<1024x8xf32, #tpu.memory_space<vmem>> -> memref<128x8xf32, #tpu.memory_space<vmem>>
        %dma_start3A_125 = arith.constant 0 : i32
        %dma_start3A_126 = tpu.memref_slice %arg10[%run_scoped3A_104, %dma_start3A_125] : memref<8x128xi32, #tpu.memory_space<vmem>> -> memref<1x128xi32, #tpu.memory_space<vmem>>
        %dma_start3A_127 = tpu.memref_squeeze %dma_start3A_126 : memref<1x128xi32, #tpu.memory_space<vmem>> -> memref<128xi32, #tpu.memory_space<vmem>>
        %dma_start3A_128 = arith.constant 0 : i32
        %dma_start3A_129 = arith.constant 0 : i32
        %dma_start3A_130 = tpu.memref_slice %arg13[%dma_start3A_128, %dma_start3A_129] : memref<100096x8xf32, #tpu.memory_space<vmem_shared>> -> memref<100096x8xf32, #tpu.memory_space<vmem_shared>>
        tpu.enqueue_indirect_dma source(%dma_start3A_130 : memref<100096x8xf32, #tpu.memory_space<vmem_shared>>) target(%dma_start3A_124 : memref<128x8xf32, #tpu.memory_space<vmem>>) offsets(%dma_start3A_127 : memref<128xi32, #tpu.memory_space<vmem>>) semaphore(%run_scoped3A_122 : memref<!tpu.dma_semaphore, #tpu.memory_space<semaphore_mem>>)
        %dma_wait3A = arith.constant 384 : i32
        %dma_wait3A_131 = arith.constant 0 : i32
        %dma_wait3A_132 = tpu.memref_slice %arg11[%dma_wait3A, %dma_wait3A_131] : memref<1024x8xf32, #tpu.memory_space<vmem>> -> memref<128x8xf32, #tpu.memory_space<vmem>>
        %dma_wait3A_133 = arith.constant 0 : i32
        %dma_wait3A_134 = tpu.memref_slice %arg10[%run_scoped3A_104, %dma_wait3A_133] : memref<8x128xi32, #tpu.memory_space<vmem>> -> memref<1x128xi32, #tpu.memory_space<vmem>>
        %dma_wait3A_135 = tpu.memref_squeeze %dma_wait3A_134 : memref<1x128xi32, #tpu.memory_space<vmem>> -> memref<128xi32, #tpu.memory_space<vmem>>
        %dma_wait3A_136 = arith.constant 0 : i32
        %dma_wait3A_137 = arith.constant 0 : i32
        %dma_wait3A_138 = tpu.memref_slice %arg13[%dma_wait3A_136, %dma_wait3A_137] : memref<100096x8xf32, #tpu.memory_space<vmem_shared>> -> memref<100096x8xf32, #tpu.memory_space<vmem_shared>>
        tpu.wait_indirect_dma semaphore(%run_scoped3A_122 : memref<!tpu.dma_semaphore, #tpu.memory_space<semaphore_mem>>) src(%dma_wait3A_138 : memref<100096x8xf32, #tpu.memory_space<vmem_shared>>) dst(%dma_wait3A_132 : memref<128x8xf32, #tpu.memory_space<vmem>>)
        tpu.yield
      }) : () -> ()
      %run_scoped3A_105 = arith.constant 4 : i32
      "tpu.region"() ({
        %run_scoped3A_122 = tpu.sem_alloc : memref<!tpu.dma_semaphore, #tpu.memory_space<semaphore_mem>>
        %dma_start3A = arith.constant 512 : i32
        %dma_start3A_123 = arith.constant 0 : i32
        %dma_start3A_124 = tpu.memref_slice %arg11[%dma_start3A, %dma_start3A_123] : memref<1024x8xf32, #tpu.memory_space<vmem>> -> memref<128x8xf32, #tpu.memory_space<vmem>>
        %dma_start3A_125 = arith.constant 0 : i32
        %dma_start3A_126 = tpu.memref_slice %arg10[%run_scoped3A_105, %dma_start3A_125] : memref<8x128xi32, #tpu.memory_space<vmem>> -> memref<1x128xi32, #tpu.memory_space<vmem>>
        %dma_start3A_127 = tpu.memref_squeeze %dma_start3A_126 : memref<1x128xi32, #tpu.memory_space<vmem>> -> memref<128xi32, #tpu.memory_space<vmem>>
        %dma_start3A_128 = arith.constant 0 : i32
        %dma_start3A_129 = arith.constant 0 : i32
        %dma_start3A_130 = tpu.memref_slice %arg13[%dma_start3A_128, %dma_start3A_129] : memref<100096x8xf32, #tpu.memory_space<vmem_shared>> -> memref<100096x8xf32, #tpu.memory_space<vmem_shared>>
        tpu.enqueue_indirect_dma source(%dma_start3A_130 : memref<100096x8xf32, #tpu.memory_space<vmem_shared>>) target(%dma_start3A_124 : memref<128x8xf32, #tpu.memory_space<vmem>>) offsets(%dma_start3A_127 : memref<128xi32, #tpu.memory_space<vmem>>) semaphore(%run_scoped3A_122 : memref<!tpu.dma_semaphore, #tpu.memory_space<semaphore_mem>>)
        %dma_wait3A = arith.constant 512 : i32
        %dma_wait3A_131 = arith.constant 0 : i32
        %dma_wait3A_132 = tpu.memref_slice %arg11[%dma_wait3A, %dma_wait3A_131] : memref<1024x8xf32, #tpu.memory_space<vmem>> -> memref<128x8xf32, #tpu.memory_space<vmem>>
        %dma_wait3A_133 = arith.constant 0 : i32
        %dma_wait3A_134 = tpu.memref_slice %arg10[%run_scoped3A_105, %dma_wait3A_133] : memref<8x128xi32, #tpu.memory_space<vmem>> -> memref<1x128xi32, #tpu.memory_space<vmem>>
        %dma_wait3A_135 = tpu.memref_squeeze %dma_wait3A_134 : memref<1x128xi32, #tpu.memory_space<vmem>> -> memref<128xi32, #tpu.memory_space<vmem>>
        %dma_wait3A_136 = arith.constant 0 : i32
        %dma_wait3A_137 = arith.constant 0 : i32
        %dma_wait3A_138 = tpu.memref_slice %arg13[%dma_wait3A_136, %dma_wait3A_137] : memref<100096x8xf32, #tpu.memory_space<vmem_shared>> -> memref<100096x8xf32, #tpu.memory_space<vmem_shared>>
        tpu.wait_indirect_dma semaphore(%run_scoped3A_122 : memref<!tpu.dma_semaphore, #tpu.memory_space<semaphore_mem>>) src(%dma_wait3A_138 : memref<100096x8xf32, #tpu.memory_space<vmem_shared>>) dst(%dma_wait3A_132 : memref<128x8xf32, #tpu.memory_space<vmem>>)
        tpu.yield
      }) : () -> ()
      %run_scoped3A_106 = arith.constant 5 : i32
      "tpu.region"() ({
        %run_scoped3A_122 = tpu.sem_alloc : memref<!tpu.dma_semaphore, #tpu.memory_space<semaphore_mem>>
        %dma_start3A = arith.constant 640 : i32
        %dma_start3A_123 = arith.constant 0 : i32
        %dma_start3A_124 = tpu.memref_slice %arg11[%dma_start3A, %dma_start3A_123] : memref<1024x8xf32, #tpu.memory_space<vmem>> -> memref<128x8xf32, #tpu.memory_space<vmem>>
        %dma_start3A_125 = arith.constant 0 : i32
        %dma_start3A_126 = tpu.memref_slice %arg10[%run_scoped3A_106, %dma_start3A_125] : memref<8x128xi32, #tpu.memory_space<vmem>> -> memref<1x128xi32, #tpu.memory_space<vmem>>
        %dma_start3A_127 = tpu.memref_squeeze %dma_start3A_126 : memref<1x128xi32, #tpu.memory_space<vmem>> -> memref<128xi32, #tpu.memory_space<vmem>>
        %dma_start3A_128 = arith.constant 0 : i32
        %dma_start3A_129 = arith.constant 0 : i32
        %dma_start3A_130 = tpu.memref_slice %arg13[%dma_start3A_128, %dma_start3A_129] : memref<100096x8xf32, #tpu.memory_space<vmem_shared>> -> memref<100096x8xf32, #tpu.memory_space<vmem_shared>>
        tpu.enqueue_indirect_dma source(%dma_start3A_130 : memref<100096x8xf32, #tpu.memory_space<vmem_shared>>) target(%dma_start3A_124 : memref<128x8xf32, #tpu.memory_space<vmem>>) offsets(%dma_start3A_127 : memref<128xi32, #tpu.memory_space<vmem>>) semaphore(%run_scoped3A_122 : memref<!tpu.dma_semaphore, #tpu.memory_space<semaphore_mem>>)
        %dma_wait3A = arith.constant 640 : i32
        %dma_wait3A_131 = arith.constant 0 : i32
        %dma_wait3A_132 = tpu.memref_slice %arg11[%dma_wait3A, %dma_wait3A_131] : memref<1024x8xf32, #tpu.memory_space<vmem>> -> memref<128x8xf32, #tpu.memory_space<vmem>>
        %dma_wait3A_133 = arith.constant 0 : i32
        %dma_wait3A_134 = tpu.memref_slice %arg10[%run_scoped3A_106, %dma_wait3A_133] : memref<8x128xi32, #tpu.memory_space<vmem>> -> memref<1x128xi32, #tpu.memory_space<vmem>>
        %dma_wait3A_135 = tpu.memref_squeeze %dma_wait3A_134 : memref<1x128xi32, #tpu.memory_space<vmem>> -> memref<128xi32, #tpu.memory_space<vmem>>
        %dma_wait3A_136 = arith.constant 0 : i32
        %dma_wait3A_137 = arith.constant 0 : i32
        %dma_wait3A_138 = tpu.memref_slice %arg13[%dma_wait3A_136, %dma_wait3A_137] : memref<100096x8xf32, #tpu.memory_space<vmem_shared>> -> memref<100096x8xf32, #tpu.memory_space<vmem_shared>>
        tpu.wait_indirect_dma semaphore(%run_scoped3A_122 : memref<!tpu.dma_semaphore, #tpu.memory_space<semaphore_mem>>) src(%dma_wait3A_138 : memref<100096x8xf32, #tpu.memory_space<vmem_shared>>) dst(%dma_wait3A_132 : memref<128x8xf32, #tpu.memory_space<vmem>>)
        tpu.yield
      }) : () -> ()
      %run_scoped3A_107 = arith.constant 6 : i32
      "tpu.region"() ({
        %run_scoped3A_122 = tpu.sem_alloc : memref<!tpu.dma_semaphore, #tpu.memory_space<semaphore_mem>>
        %dma_start3A = arith.constant 768 : i32
        %dma_start3A_123 = arith.constant 0 : i32
        %dma_start3A_124 = tpu.memref_slice %arg11[%dma_start3A, %dma_start3A_123] : memref<1024x8xf32, #tpu.memory_space<vmem>> -> memref<128x8xf32, #tpu.memory_space<vmem>>
        %dma_start3A_125 = arith.constant 0 : i32
        %dma_start3A_126 = tpu.memref_slice %arg10[%run_scoped3A_107, %dma_start3A_125] : memref<8x128xi32, #tpu.memory_space<vmem>> -> memref<1x128xi32, #tpu.memory_space<vmem>>
        %dma_start3A_127 = tpu.memref_squeeze %dma_start3A_126 : memref<1x128xi32, #tpu.memory_space<vmem>> -> memref<128xi32, #tpu.memory_space<vmem>>
        %dma_start3A_128 = arith.constant 0 : i32
        %dma_start3A_129 = arith.constant 0 : i32
        %dma_start3A_130 = tpu.memref_slice %arg13[%dma_start3A_128, %dma_start3A_129] : memref<100096x8xf32, #tpu.memory_space<vmem_shared>> -> memref<100096x8xf32, #tpu.memory_space<vmem_shared>>
        tpu.enqueue_indirect_dma source(%dma_start3A_130 : memref<100096x8xf32, #tpu.memory_space<vmem_shared>>) target(%dma_start3A_124 : memref<128x8xf32, #tpu.memory_space<vmem>>) offsets(%dma_start3A_127 : memref<128xi32, #tpu.memory_space<vmem>>) semaphore(%run_scoped3A_122 : memref<!tpu.dma_semaphore, #tpu.memory_space<semaphore_mem>>)
        %dma_wait3A = arith.constant 768 : i32
        %dma_wait3A_131 = arith.constant 0 : i32
        %dma_wait3A_132 = tpu.memref_slice %arg11[%dma_wait3A, %dma_wait3A_131] : memref<1024x8xf32, #tpu.memory_space<vmem>> -> memref<128x8xf32, #tpu.memory_space<vmem>>
        %dma_wait3A_133 = arith.constant 0 : i32
        %dma_wait3A_134 = tpu.memref_slice %arg10[%run_scoped3A_107, %dma_wait3A_133] : memref<8x128xi32, #tpu.memory_space<vmem>> -> memref<1x128xi32, #tpu.memory_space<vmem>>
        %dma_wait3A_135 = tpu.memref_squeeze %dma_wait3A_134 : memref<1x128xi32, #tpu.memory_space<vmem>> -> memref<128xi32, #tpu.memory_space<vmem>>
        %dma_wait3A_136 = arith.constant 0 : i32
        %dma_wait3A_137 = arith.constant 0 : i32
        %dma_wait3A_138 = tpu.memref_slice %arg13[%dma_wait3A_136, %dma_wait3A_137] : memref<100096x8xf32, #tpu.memory_space<vmem_shared>> -> memref<100096x8xf32, #tpu.memory_space<vmem_shared>>
        tpu.wait_indirect_dma semaphore(%run_scoped3A_122 : memref<!tpu.dma_semaphore, #tpu.memory_space<semaphore_mem>>) src(%dma_wait3A_138 : memref<100096x8xf32, #tpu.memory_space<vmem_shared>>) dst(%dma_wait3A_132 : memref<128x8xf32, #tpu.memory_space<vmem>>)
        tpu.yield
      }) : () -> ()
      %run_scoped3A_108 = arith.constant 7 : i32
      "tpu.region"() ({
        %run_scoped3A_122 = tpu.sem_alloc : memref<!tpu.dma_semaphore, #tpu.memory_space<semaphore_mem>>
        %dma_start3A = arith.constant 896 : i32
        %dma_start3A_123 = arith.constant 0 : i32
        %dma_start3A_124 = tpu.memref_slice %arg11[%dma_start3A, %dma_start3A_123] : memref<1024x8xf32, #tpu.memory_space<vmem>> -> memref<128x8xf32, #tpu.memory_space<vmem>>
        %dma_start3A_125 = arith.constant 0 : i32
        %dma_start3A_126 = tpu.memref_slice %arg10[%run_scoped3A_108, %dma_start3A_125] : memref<8x128xi32, #tpu.memory_space<vmem>> -> memref<1x128xi32, #tpu.memory_space<vmem>>
        %dma_start3A_127 = tpu.memref_squeeze %dma_start3A_126 : memref<1x128xi32, #tpu.memory_space<vmem>> -> memref<128xi32, #tpu.memory_space<vmem>>
        %dma_start3A_128 = arith.constant 0 : i32
        %dma_start3A_129 = arith.constant 0 : i32
        %dma_start3A_130 = tpu.memref_slice %arg13[%dma_start3A_128, %dma_start3A_129] : memref<100096x8xf32, #tpu.memory_space<vmem_shared>> -> memref<100096x8xf32, #tpu.memory_space<vmem_shared>>
        tpu.enqueue_indirect_dma source(%dma_start3A_130 : memref<100096x8xf32, #tpu.memory_space<vmem_shared>>) target(%dma_start3A_124 : memref<128x8xf32, #tpu.memory_space<vmem>>) offsets(%dma_start3A_127 : memref<128xi32, #tpu.memory_space<vmem>>) semaphore(%run_scoped3A_122 : memref<!tpu.dma_semaphore, #tpu.memory_space<semaphore_mem>>)
        %dma_wait3A = arith.constant 896 : i32
        %dma_wait3A_131 = arith.constant 0 : i32
        %dma_wait3A_132 = tpu.memref_slice %arg11[%dma_wait3A, %dma_wait3A_131] : memref<1024x8xf32, #tpu.memory_space<vmem>> -> memref<128x8xf32, #tpu.memory_space<vmem>>
        %dma_wait3A_133 = arith.constant 0 : i32
        %dma_wait3A_134 = tpu.memref_slice %arg10[%run_scoped3A_108, %dma_wait3A_133] : memref<8x128xi32, #tpu.memory_space<vmem>> -> memref<1x128xi32, #tpu.memory_space<vmem>>
        %dma_wait3A_135 = tpu.memref_squeeze %dma_wait3A_134 : memref<1x128xi32, #tpu.memory_space<vmem>> -> memref<128xi32, #tpu.memory_space<vmem>>
        %dma_wait3A_136 = arith.constant 0 : i32
        %dma_wait3A_137 = arith.constant 0 : i32
        %dma_wait3A_138 = tpu.memref_slice %arg13[%dma_wait3A_136, %dma_wait3A_137] : memref<100096x8xf32, #tpu.memory_space<vmem_shared>> -> memref<100096x8xf32, #tpu.memory_space<vmem_shared>>
        tpu.wait_indirect_dma semaphore(%run_scoped3A_122 : memref<!tpu.dma_semaphore, #tpu.memory_space<semaphore_mem>>) src(%dma_wait3A_138 : memref<100096x8xf32, #tpu.memory_space<vmem_shared>>) dst(%dma_wait3A_132 : memref<128x8xf32, #tpu.memory_space<vmem>>)
        tpu.yield
      }) : () -> ()
      %scan3A = arith.constant 0 : i32
      %scan3A_109 = arith.constant 0 : i32
      %scan3A_110 = arith.constant 64 : i32
      %scan3A_111 = arith.addi %scan3A_109, %scan3A_110 : i32
      %scan3A_112 = arith.constant 1 : i32
      scf.for %scan3A_122 = %scan3A_109 to %scan3A_111 step %scan3A_112  : i32 {
        %mul3A_123 = arith.constant 16 : i32
        %mul3A_124 = arith.muli %scan3A_122, %mul3A_123 : i32
        %add3A_125 = vector.broadcast %mul3A_124 : i32 to vector<16xi32>
        %add3A_126 = arith.addi %iota3A, %add3A_125 : vector<16xi32>
        %mul3A_127 = arith.constant 4 : i32
        %mul3A_128 = vector.broadcast %mul3A_127 : i32 to vector<16xi32>
        %mul3A_129 = arith.muli %add3A_126, %mul3A_128 : vector<16xi32>
        %add3A_130 = arith.constant 0 : i32
        %add3A_131 = vector.broadcast %add3A_130 : i32 to vector<16xi32>
        %add3A_132 = arith.addi %mul3A_129, %add3A_131 : vector<16xi32>
        %gather3A = tpu.vector_load_idx %arg9[%add3A_132] : memref<4096xf32, #tpu.memory_space<vmem>>[vector<16xi32>], vector<16xf32>,
        %add3A_133 = arith.constant 1 : i32
        %add3A_134 = vector.broadcast %add3A_133 : i32 to vector<16xi32>
        %add3A_135 = arith.addi %mul3A_129, %add3A_134 : vector<16xi32>
        %gather3A_136 = tpu.vector_load_idx %arg9[%add3A_135] : memref<4096xf32, #tpu.memory_space<vmem>>[vector<16xi32>], vector<16xf32>,
        %add3A_137 = arith.constant 2 : i32
        %add3A_138 = vector.broadcast %add3A_137 : i32 to vector<16xi32>
        %add3A_139 = arith.addi %mul3A_129, %add3A_138 : vector<16xi32>
        %gather3A_140 = tpu.vector_load_idx %arg9[%add3A_139] : memref<4096xf32, #tpu.memory_space<vmem>>[vector<16xi32>], vector<16xf32>,
        %add3A_141 = arith.constant 3 : i32
        %add3A_142 = vector.broadcast %add3A_141 : i32 to vector<16xi32>
        %add3A_143 = arith.addi %mul3A_129, %add3A_142 : vector<16xi32>
        %gather3A_144 = tpu.vector_load_idx %arg9[%add3A_143] : memref<4096xf32, #tpu.memory_space<vmem>>[vector<16xi32>], vector<16xf32>,
        %mul3A_145 = arith.mulf %get3A_11, %gather3A : vector<16xf32>
        %mul3A_146 = arith.mulf %get3A_15, %gather3A_136 : vector<16xf32>
        %add3A_147 = arith.addf %mul3A_145, %mul3A_146 : vector<16xf32>
        %mul3A_148 = arith.mulf %get3A_19, %gather3A_140 : vector<16xf32>
        %add3A_149 = arith.addf %add3A_147, %mul3A_148 : vector<16xf32>
        %mul3A_150 = arith.mulf %get3A_23, %gather3A_144 : vector<16xf32>
        %add3A_151 = arith.addf %add3A_149, %mul3A_150 : vector<16xf32>
        %exp3A = math.exp %add3A_151 : vector<16xf32>
        %mul3A_152 = arith.mulf %get3A_27, %gather3A : vector<16xf32>
        %mul3A_153 = arith.mulf %get3A_31, %gather3A_136 : vector<16xf32>
        %add3A_154 = arith.addf %mul3A_152, %mul3A_153 : vector<16xf32>
        %mul3A_155 = arith.mulf %get3A_35, %gather3A_140 : vector<16xf32>
        %add3A_156 = arith.addf %add3A_154, %mul3A_155 : vector<16xf32>
        %mul3A_157 = arith.mulf %get3A_39, %gather3A_144 : vector<16xf32>
        %add3A_158 = arith.addf %add3A_156, %mul3A_157 : vector<16xf32>
        %exp3A_159 = math.exp %add3A_158 : vector<16xf32>
        %mul3A_160 = arith.mulf %get3A_43, %gather3A : vector<16xf32>
        %mul3A_161 = arith.mulf %get3A_47, %gather3A_136 : vector<16xf32>
        %add3A_162 = arith.addf %mul3A_160, %mul3A_161 : vector<16xf32>
        %mul3A_163 = arith.mulf %get3A_51, %gather3A_140 : vector<16xf32>
        %add3A_164 = arith.addf %add3A_162, %mul3A_163 : vector<16xf32>
        %mul3A_165 = arith.mulf %get3A_55, %gather3A_144 : vector<16xf32>
        %add3A_166 = arith.addf %add3A_164, %mul3A_165 : vector<16xf32>
        %exp3A_167 = math.exp %add3A_166 : vector<16xf32>
        %mul3A_168 = arith.mulf %get3A_59, %gather3A : vector<16xf32>
        %mul3A_169 = arith.mulf %get3A_63, %gather3A_136 : vector<16xf32>
        %add3A_170 = arith.addf %mul3A_168, %mul3A_169 : vector<16xf32>
        %mul3A_171 = arith.mulf %get3A_67, %gather3A_140 : vector<16xf32>
        %add3A_172 = arith.addf %add3A_170, %mul3A_171 : vector<16xf32>
        %mul3A_173 = arith.mulf %get3A_71, %gather3A_144 : vector<16xf32>
        %add3A_174 = arith.addf %add3A_172, %mul3A_173 : vector<16xf32>
        %exp3A_175 = math.exp %add3A_174 : vector<16xf32>
        %broadcast_in_dim3A = arith.constant 0.000000e+00 : f32
        %broadcast_in_dim3A_176 = vector.broadcast %broadcast_in_dim3A : f32 to vector<16xf32>
        %broadcast_in_dim3A_177 = arith.constant 0 : i32
        %broadcast_in_dim3A_178 = vector.broadcast %broadcast_in_dim3A_177 : i32 to vector<16xi32>
        %gather3A_179 = tpu.vector_load_idx %arg11[%add3A_126, %broadcast_in_dim3A_178] : memref<1024x8xf32, #tpu.memory_space<vmem>>[vector<16xi32>, vector<16xi32>], vector<16xf32>,
        %div3A = arith.divf %exp3A, %gather3A_179 : vector<16xf32>
        %add3A_180 = arith.addf %broadcast_in_dim3A_176, %div3A : vector<16xf32>
        %broadcast_in_dim3A_181 = arith.constant 1 : i32
        %broadcast_in_dim3A_182 = vector.broadcast %broadcast_in_dim3A_181 : i32 to vector<16xi32>
        %gather3A_183 = tpu.vector_load_idx %arg11[%add3A_126, %broadcast_in_dim3A_182] : memref<1024x8xf32, #tpu.memory_space<vmem>>[vector<16xi32>, vector<16xi32>], vector<16xf32>,
        %div3A_184 = arith.divf %exp3A_159, %gather3A_183 : vector<16xf32>
        %add3A_185 = arith.addf %add3A_180, %div3A_184 : vector<16xf32>
        %broadcast_in_dim3A_186 = arith.constant 2 : i32
        %broadcast_in_dim3A_187 = vector.broadcast %broadcast_in_dim3A_186 : i32 to vector<16xi32>
        %gather3A_188 = tpu.vector_load_idx %arg11[%add3A_126, %broadcast_in_dim3A_187] : memref<1024x8xf32, #tpu.memory_space<vmem>>[vector<16xi32>, vector<16xi32>], vector<16xf32>,
        %div3A_189 = arith.divf %exp3A_167, %gather3A_188 : vector<16xf32>
        %add3A_190 = arith.addf %add3A_185, %div3A_189 : vector<16xf32>
        %broadcast_in_dim3A_191 = arith.constant 3 : i32
        %broadcast_in_dim3A_192 = vector.broadcast %broadcast_in_dim3A_191 : i32 to vector<16xi32>
        %gather3A_193 = tpu.vector_load_idx %arg11[%add3A_126, %broadcast_in_dim3A_192] : memref<1024x8xf32, #tpu.memory_space<vmem>>[vector<16xi32>, vector<16xi32>], vector<16xf32>,
        %div3A_194 = arith.divf %exp3A_175, %gather3A_193 : vector<16xf32>
        %add3A_195 = arith.addf %add3A_190, %div3A_194 : vector<16xf32>
        %mul3A_196 = vector.broadcast %while3A_76 : f32 to vector<16xf32>
        %mul3A_197 = arith.mulf %add3A_195, %mul3A_196 : vector<16xf32>
        %broadcast_in_dim3A_198 = arith.constant 0 : i32
        %broadcast_in_dim3A_199 = vector.broadcast %broadcast_in_dim3A_198 : i32 to vector<16xi32>
        %mul3A_200 = arith.mulf %gather3A, %mul3A_197 : vector<16xf32>
        tpu.vector_store_idx %arg12[%add3A_126, %broadcast_in_dim3A_199], %mul3A_200 : memref<1024x8xf32, #tpu.memory_space<vmem>>[vector<16xi32>, vector<16xi32>], vector<16xf32>,
        %broadcast_in_dim3A_201 = arith.constant 1 : i32
        %broadcast_in_dim3A_202 = vector.broadcast %broadcast_in_dim3A_201 : i32 to vector<16xi32>
        %mul3A_203 = arith.mulf %gather3A_136, %mul3A_197 : vector<16xf32>
        tpu.vector_store_idx %arg12[%add3A_126, %broadcast_in_dim3A_202], %mul3A_203 : memref<1024x8xf32, #tpu.memory_space<vmem>>[vector<16xi32>, vector<16xi32>], vector<16xf32>,
        %broadcast_in_dim3A_204 = arith.constant 2 : i32
        %broadcast_in_dim3A_205 = vector.broadcast %broadcast_in_dim3A_204 : i32 to vector<16xi32>
        %mul3A_206 = arith.mulf %gather3A_140, %mul3A_197 : vector<16xf32>
        tpu.vector_store_idx %arg12[%add3A_126, %broadcast_in_dim3A_205], %mul3A_206 : memref<1024x8xf32, #tpu.memory_space<vmem>>[vector<16xi32>, vector<16xi32>], vector<16xf32>,
        %broadcast_in_dim3A_207 = arith.constant 3 : i32
        %broadcast_in_dim3A_208 = vector.broadcast %broadcast_in_dim3A_207 : i32 to vector<16xi32>
        %mul3A_209 = arith.mulf %gather3A_144, %mul3A_197 : vector<16xf32>
        tpu.vector_store_idx %arg12[%add3A_126, %broadcast_in_dim3A_208], %mul3A_209 : memref<1024x8xf32, #tpu.memory_space<vmem>>[vector<16xi32>, vector<16xi32>], vector<16xf32>,
      }
      %scan3A_113 = arith.constant 64 : i32
      %run_scoped3A_114 = arith.constant 0 : i32
      "tpu.region"() ({
        %run_scoped3A_122 = tpu.sem_alloc : memref<!tpu.dma_semaphore, #tpu.memory_space<semaphore_mem>>
        %dma_start3A = arith.constant 0 : i32
        %dma_start3A_123 = arith.constant 0 : i32
        %dma_start3A_124 = tpu.memref_slice %arg12[%dma_start3A, %dma_start3A_123] : memref<1024x8xf32, #tpu.memory_space<vmem>> -> memref<128x8xf32, #tpu.memory_space<vmem>>
        %dma_start3A_125 = arith.constant 0 : i32
        %dma_start3A_126 = tpu.memref_slice %arg10[%run_scoped3A_114, %dma_start3A_125] : memref<8x128xi32, #tpu.memory_space<vmem>> -> memref<1x128xi32, #tpu.memory_space<vmem>>
        %dma_start3A_127 = tpu.memref_squeeze %dma_start3A_126 : memref<1x128xi32, #tpu.memory_space<vmem>> -> memref<128xi32, #tpu.memory_space<vmem>>
        %dma_start3A_128 = arith.constant 0 : i32
        %dma_start3A_129 = arith.constant 0 : i32
        %dma_start3A_130 = tpu.memref_slice %arg14[%dma_start3A_128, %dma_start3A_129] : memref<100096x8xf32, #tpu.memory_space<vmem_shared>> -> memref<100096x8xf32, #tpu.memory_space<vmem_shared>>
        tpu.enqueue_indirect_dma source(%dma_start3A_124 : memref<128x8xf32, #tpu.memory_space<vmem>>) target(%dma_start3A_130 : memref<100096x8xf32, #tpu.memory_space<vmem_shared>>) offsets(%dma_start3A_127 : memref<128xi32, #tpu.memory_space<vmem>>) semaphore(%run_scoped3A_122 : memref<!tpu.dma_semaphore, #tpu.memory_space<semaphore_mem>>) {add = true}
        %dma_wait3A = arith.constant 0 : i32
        %dma_wait3A_131 = arith.constant 0 : i32
        %dma_wait3A_132 = tpu.memref_slice %arg12[%dma_wait3A, %dma_wait3A_131] : memref<1024x8xf32, #tpu.memory_space<vmem>> -> memref<128x8xf32, #tpu.memory_space<vmem>>
        %dma_wait3A_133 = arith.constant 0 : i32
        %dma_wait3A_134 = tpu.memref_slice %arg10[%run_scoped3A_114, %dma_wait3A_133] : memref<8x128xi32, #tpu.memory_space<vmem>> -> memref<1x128xi32, #tpu.memory_space<vmem>>
        %dma_wait3A_135 = tpu.memref_squeeze %dma_wait3A_134 : memref<1x128xi32, #tpu.memory_space<vmem>> -> memref<128xi32, #tpu.memory_space<vmem>>
        %dma_wait3A_136 = arith.constant 0 : i32
        %dma_wait3A_137 = arith.constant 0 : i32
        %dma_wait3A_138 = tpu.memref_slice %arg14[%dma_wait3A_136, %dma_wait3A_137] : memref<100096x8xf32, #tpu.memory_space<vmem_shared>> -> memref<100096x8xf32, #tpu.memory_space<vmem_shared>>
        tpu.wait_indirect_dma semaphore(%run_scoped3A_122 : memref<!tpu.dma_semaphore, #tpu.memory_space<semaphore_mem>>) src(%dma_wait3A_132 : memref<128x8xf32, #tpu.memory_space<vmem>>) dst(%dma_wait3A_138 : memref<100096x8xf32, #tpu.memory_space<vmem_shared>>)
        tpu.yield
      }) : () -> ()
      %run_scoped3A_115 = arith.constant 1 : i32
      "tpu.region"() ({
        %run_scoped3A_122 = tpu.sem_alloc : memref<!tpu.dma_semaphore, #tpu.memory_space<semaphore_mem>>
        %dma_start3A = arith.constant 128 : i32
        %dma_start3A_123 = arith.constant 0 : i32
        %dma_start3A_124 = tpu.memref_slice %arg12[%dma_start3A, %dma_start3A_123] : memref<1024x8xf32, #tpu.memory_space<vmem>> -> memref<128x8xf32, #tpu.memory_space<vmem>>
        %dma_start3A_125 = arith.constant 0 : i32
        %dma_start3A_126 = tpu.memref_slice %arg10[%run_scoped3A_115, %dma_start3A_125] : memref<8x128xi32, #tpu.memory_space<vmem>> -> memref<1x128xi32, #tpu.memory_space<vmem>>
        %dma_start3A_127 = tpu.memref_squeeze %dma_start3A_126 : memref<1x128xi32, #tpu.memory_space<vmem>> -> memref<128xi32, #tpu.memory_space<vmem>>
        %dma_start3A_128 = arith.constant 0 : i32
        %dma_start3A_129 = arith.constant 0 : i32
        %dma_start3A_130 = tpu.memref_slice %arg14[%dma_start3A_128, %dma_start3A_129] : memref<100096x8xf32, #tpu.memory_space<vmem_shared>> -> memref<100096x8xf32, #tpu.memory_space<vmem_shared>>
        tpu.enqueue_indirect_dma source(%dma_start3A_124 : memref<128x8xf32, #tpu.memory_space<vmem>>) target(%dma_start3A_130 : memref<100096x8xf32, #tpu.memory_space<vmem_shared>>) offsets(%dma_start3A_127 : memref<128xi32, #tpu.memory_space<vmem>>) semaphore(%run_scoped3A_122 : memref<!tpu.dma_semaphore, #tpu.memory_space<semaphore_mem>>) {add = true}
        %dma_wait3A = arith.constant 128 : i32
        %dma_wait3A_131 = arith.constant 0 : i32
        %dma_wait3A_132 = tpu.memref_slice %arg12[%dma_wait3A, %dma_wait3A_131] : memref<1024x8xf32, #tpu.memory_space<vmem>> -> memref<128x8xf32, #tpu.memory_space<vmem>>
        %dma_wait3A_133 = arith.constant 0 : i32
        %dma_wait3A_134 = tpu.memref_slice %arg10[%run_scoped3A_115, %dma_wait3A_133] : memref<8x128xi32, #tpu.memory_space<vmem>> -> memref<1x128xi32, #tpu.memory_space<vmem>>
        %dma_wait3A_135 = tpu.memref_squeeze %dma_wait3A_134 : memref<1x128xi32, #tpu.memory_space<vmem>> -> memref<128xi32, #tpu.memory_space<vmem>>
        %dma_wait3A_136 = arith.constant 0 : i32
        %dma_wait3A_137 = arith.constant 0 : i32
        %dma_wait3A_138 = tpu.memref_slice %arg14[%dma_wait3A_136, %dma_wait3A_137] : memref<100096x8xf32, #tpu.memory_space<vmem_shared>> -> memref<100096x8xf32, #tpu.memory_space<vmem_shared>>
        tpu.wait_indirect_dma semaphore(%run_scoped3A_122 : memref<!tpu.dma_semaphore, #tpu.memory_space<semaphore_mem>>) src(%dma_wait3A_132 : memref<128x8xf32, #tpu.memory_space<vmem>>) dst(%dma_wait3A_138 : memref<100096x8xf32, #tpu.memory_space<vmem_shared>>)
        tpu.yield
      }) : () -> ()
      %run_scoped3A_116 = arith.constant 2 : i32
      "tpu.region"() ({
        %run_scoped3A_122 = tpu.sem_alloc : memref<!tpu.dma_semaphore, #tpu.memory_space<semaphore_mem>>
        %dma_start3A = arith.constant 256 : i32
        %dma_start3A_123 = arith.constant 0 : i32
        %dma_start3A_124 = tpu.memref_slice %arg12[%dma_start3A, %dma_start3A_123] : memref<1024x8xf32, #tpu.memory_space<vmem>> -> memref<128x8xf32, #tpu.memory_space<vmem>>
        %dma_start3A_125 = arith.constant 0 : i32
        %dma_start3A_126 = tpu.memref_slice %arg10[%run_scoped3A_116, %dma_start3A_125] : memref<8x128xi32, #tpu.memory_space<vmem>> -> memref<1x128xi32, #tpu.memory_space<vmem>>
        %dma_start3A_127 = tpu.memref_squeeze %dma_start3A_126 : memref<1x128xi32, #tpu.memory_space<vmem>> -> memref<128xi32, #tpu.memory_space<vmem>>
        %dma_start3A_128 = arith.constant 0 : i32
        %dma_start3A_129 = arith.constant 0 : i32
        %dma_start3A_130 = tpu.memref_slice %arg14[%dma_start3A_128, %dma_start3A_129] : memref<100096x8xf32, #tpu.memory_space<vmem_shared>> -> memref<100096x8xf32, #tpu.memory_space<vmem_shared>>
        tpu.enqueue_indirect_dma source(%dma_start3A_124 : memref<128x8xf32, #tpu.memory_space<vmem>>) target(%dma_start3A_130 : memref<100096x8xf32, #tpu.memory_space<vmem_shared>>) offsets(%dma_start3A_127 : memref<128xi32, #tpu.memory_space<vmem>>) semaphore(%run_scoped3A_122 : memref<!tpu.dma_semaphore, #tpu.memory_space<semaphore_mem>>) {add = true}
        %dma_wait3A = arith.constant 256 : i32
        %dma_wait3A_131 = arith.constant 0 : i32
        %dma_wait3A_132 = tpu.memref_slice %arg12[%dma_wait3A, %dma_wait3A_131] : memref<1024x8xf32, #tpu.memory_space<vmem>> -> memref<128x8xf32, #tpu.memory_space<vmem>>
        %dma_wait3A_133 = arith.constant 0 : i32
        %dma_wait3A_134 = tpu.memref_slice %arg10[%run_scoped3A_116, %dma_wait3A_133] : memref<8x128xi32, #tpu.memory_space<vmem>> -> memref<1x128xi32, #tpu.memory_space<vmem>>
        %dma_wait3A_135 = tpu.memref_squeeze %dma_wait3A_134 : memref<1x128xi32, #tpu.memory_space<vmem>> -> memref<128xi32, #tpu.memory_space<vmem>>
        %dma_wait3A_136 = arith.constant 0 : i32
        %dma_wait3A_137 = arith.constant 0 : i32
        %dma_wait3A_138 = tpu.memref_slice %arg14[%dma_wait3A_136, %dma_wait3A_137] : memref<100096x8xf32, #tpu.memory_space<vmem_shared>> -> memref<100096x8xf32, #tpu.memory_space<vmem_shared>>
        tpu.wait_indirect_dma semaphore(%run_scoped3A_122 : memref<!tpu.dma_semaphore, #tpu.memory_space<semaphore_mem>>) src(%dma_wait3A_132 : memref<128x8xf32, #tpu.memory_space<vmem>>) dst(%dma_wait3A_138 : memref<100096x8xf32, #tpu.memory_space<vmem_shared>>)
        tpu.yield
      }) : () -> ()
      %run_scoped3A_117 = arith.constant 3 : i32
      "tpu.region"() ({
        %run_scoped3A_122 = tpu.sem_alloc : memref<!tpu.dma_semaphore, #tpu.memory_space<semaphore_mem>>
        %dma_start3A = arith.constant 384 : i32
        %dma_start3A_123 = arith.constant 0 : i32
        %dma_start3A_124 = tpu.memref_slice %arg12[%dma_start3A, %dma_start3A_123] : memref<1024x8xf32, #tpu.memory_space<vmem>> -> memref<128x8xf32, #tpu.memory_space<vmem>>
        %dma_start3A_125 = arith.constant 0 : i32
        %dma_start3A_126 = tpu.memref_slice %arg10[%run_scoped3A_117, %dma_start3A_125] : memref<8x128xi32, #tpu.memory_space<vmem>> -> memref<1x128xi32, #tpu.memory_space<vmem>>
        %dma_start3A_127 = tpu.memref_squeeze %dma_start3A_126 : memref<1x128xi32, #tpu.memory_space<vmem>> -> memref<128xi32, #tpu.memory_space<vmem>>
        %dma_start3A_128 = arith.constant 0 : i32
        %dma_start3A_129 = arith.constant 0 : i32
        %dma_start3A_130 = tpu.memref_slice %arg14[%dma_start3A_128, %dma_start3A_129] : memref<100096x8xf32, #tpu.memory_space<vmem_shared>> -> memref<100096x8xf32, #tpu.memory_space<vmem_shared>>
        tpu.enqueue_indirect_dma source(%dma_start3A_124 : memref<128x8xf32, #tpu.memory_space<vmem>>) target(%dma_start3A_130 : memref<100096x8xf32, #tpu.memory_space<vmem_shared>>) offsets(%dma_start3A_127 : memref<128xi32, #tpu.memory_space<vmem>>) semaphore(%run_scoped3A_122 : memref<!tpu.dma_semaphore, #tpu.memory_space<semaphore_mem>>) {add = true}
        %dma_wait3A = arith.constant 384 : i32
        %dma_wait3A_131 = arith.constant 0 : i32
        %dma_wait3A_132 = tpu.memref_slice %arg12[%dma_wait3A, %dma_wait3A_131] : memref<1024x8xf32, #tpu.memory_space<vmem>> -> memref<128x8xf32, #tpu.memory_space<vmem>>
        %dma_wait3A_133 = arith.constant 0 : i32
        %dma_wait3A_134 = tpu.memref_slice %arg10[%run_scoped3A_117, %dma_wait3A_133] : memref<8x128xi32, #tpu.memory_space<vmem>> -> memref<1x128xi32, #tpu.memory_space<vmem>>
        %dma_wait3A_135 = tpu.memref_squeeze %dma_wait3A_134 : memref<1x128xi32, #tpu.memory_space<vmem>> -> memref<128xi32, #tpu.memory_space<vmem>>
        %dma_wait3A_136 = arith.constant 0 : i32
        %dma_wait3A_137 = arith.constant 0 : i32
        %dma_wait3A_138 = tpu.memref_slice %arg14[%dma_wait3A_136, %dma_wait3A_137] : memref<100096x8xf32, #tpu.memory_space<vmem_shared>> -> memref<100096x8xf32, #tpu.memory_space<vmem_shared>>
        tpu.wait_indirect_dma semaphore(%run_scoped3A_122 : memref<!tpu.dma_semaphore, #tpu.memory_space<semaphore_mem>>) src(%dma_wait3A_132 : memref<128x8xf32, #tpu.memory_space<vmem>>) dst(%dma_wait3A_138 : memref<100096x8xf32, #tpu.memory_space<vmem_shared>>)
        tpu.yield
      }) : () -> ()
      %run_scoped3A_118 = arith.constant 4 : i32
      "tpu.region"() ({
        %run_scoped3A_122 = tpu.sem_alloc : memref<!tpu.dma_semaphore, #tpu.memory_space<semaphore_mem>>
        %dma_start3A = arith.constant 512 : i32
        %dma_start3A_123 = arith.constant 0 : i32
        %dma_start3A_124 = tpu.memref_slice %arg12[%dma_start3A, %dma_start3A_123] : memref<1024x8xf32, #tpu.memory_space<vmem>> -> memref<128x8xf32, #tpu.memory_space<vmem>>
        %dma_start3A_125 = arith.constant 0 : i32
        %dma_start3A_126 = tpu.memref_slice %arg10[%run_scoped3A_118, %dma_start3A_125] : memref<8x128xi32, #tpu.memory_space<vmem>> -> memref<1x128xi32, #tpu.memory_space<vmem>>
        %dma_start3A_127 = tpu.memref_squeeze %dma_start3A_126 : memref<1x128xi32, #tpu.memory_space<vmem>> -> memref<128xi32, #tpu.memory_space<vmem>>
        %dma_start3A_128 = arith.constant 0 : i32
        %dma_start3A_129 = arith.constant 0 : i32
        %dma_start3A_130 = tpu.memref_slice %arg14[%dma_start3A_128, %dma_start3A_129] : memref<100096x8xf32, #tpu.memory_space<vmem_shared>> -> memref<100096x8xf32, #tpu.memory_space<vmem_shared>>
        tpu.enqueue_indirect_dma source(%dma_start3A_124 : memref<128x8xf32, #tpu.memory_space<vmem>>) target(%dma_start3A_130 : memref<100096x8xf32, #tpu.memory_space<vmem_shared>>) offsets(%dma_start3A_127 : memref<128xi32, #tpu.memory_space<vmem>>) semaphore(%run_scoped3A_122 : memref<!tpu.dma_semaphore, #tpu.memory_space<semaphore_mem>>) {add = true}
        %dma_wait3A = arith.constant 512 : i32
        %dma_wait3A_131 = arith.constant 0 : i32
        %dma_wait3A_132 = tpu.memref_slice %arg12[%dma_wait3A, %dma_wait3A_131] : memref<1024x8xf32, #tpu.memory_space<vmem>> -> memref<128x8xf32, #tpu.memory_space<vmem>>
        %dma_wait3A_133 = arith.constant 0 : i32
        %dma_wait3A_134 = tpu.memref_slice %arg10[%run_scoped3A_118, %dma_wait3A_133] : memref<8x128xi32, #tpu.memory_space<vmem>> -> memref<1x128xi32, #tpu.memory_space<vmem>>
        %dma_wait3A_135 = tpu.memref_squeeze %dma_wait3A_134 : memref<1x128xi32, #tpu.memory_space<vmem>> -> memref<128xi32, #tpu.memory_space<vmem>>
        %dma_wait3A_136 = arith.constant 0 : i32
        %dma_wait3A_137 = arith.constant 0 : i32
        %dma_wait3A_138 = tpu.memref_slice %arg14[%dma_wait3A_136, %dma_wait3A_137] : memref<100096x8xf32, #tpu.memory_space<vmem_shared>> -> memref<100096x8xf32, #tpu.memory_space<vmem_shared>>
        tpu.wait_indirect_dma semaphore(%run_scoped3A_122 : memref<!tpu.dma_semaphore, #tpu.memory_space<semaphore_mem>>) src(%dma_wait3A_132 : memref<128x8xf32, #tpu.memory_space<vmem>>) dst(%dma_wait3A_138 : memref<100096x8xf32, #tpu.memory_space<vmem_shared>>)
        tpu.yield
      }) : () -> ()
      %run_scoped3A_119 = arith.constant 5 : i32
      "tpu.region"() ({
        %run_scoped3A_122 = tpu.sem_alloc : memref<!tpu.dma_semaphore, #tpu.memory_space<semaphore_mem>>
        %dma_start3A = arith.constant 640 : i32
        %dma_start3A_123 = arith.constant 0 : i32
        %dma_start3A_124 = tpu.memref_slice %arg12[%dma_start3A, %dma_start3A_123] : memref<1024x8xf32, #tpu.memory_space<vmem>> -> memref<128x8xf32, #tpu.memory_space<vmem>>
        %dma_start3A_125 = arith.constant 0 : i32
        %dma_start3A_126 = tpu.memref_slice %arg10[%run_scoped3A_119, %dma_start3A_125] : memref<8x128xi32, #tpu.memory_space<vmem>> -> memref<1x128xi32, #tpu.memory_space<vmem>>
        %dma_start3A_127 = tpu.memref_squeeze %dma_start3A_126 : memref<1x128xi32, #tpu.memory_space<vmem>> -> memref<128xi32, #tpu.memory_space<vmem>>
        %dma_start3A_128 = arith.constant 0 : i32
        %dma_start3A_129 = arith.constant 0 : i32
        %dma_start3A_130 = tpu.memref_slice %arg14[%dma_start3A_128, %dma_start3A_129] : memref<100096x8xf32, #tpu.memory_space<vmem_shared>> -> memref<100096x8xf32, #tpu.memory_space<vmem_shared>>
        tpu.enqueue_indirect_dma source(%dma_start3A_124 : memref<128x8xf32, #tpu.memory_space<vmem>>) target(%dma_start3A_130 : memref<100096x8xf32, #tpu.memory_space<vmem_shared>>) offsets(%dma_start3A_127 : memref<128xi32, #tpu.memory_space<vmem>>) semaphore(%run_scoped3A_122 : memref<!tpu.dma_semaphore, #tpu.memory_space<semaphore_mem>>) {add = true}
        %dma_wait3A = arith.constant 640 : i32
        %dma_wait3A_131 = arith.constant 0 : i32
        %dma_wait3A_132 = tpu.memref_slice %arg12[%dma_wait3A, %dma_wait3A_131] : memref<1024x8xf32, #tpu.memory_space<vmem>> -> memref<128x8xf32, #tpu.memory_space<vmem>>
        %dma_wait3A_133 = arith.constant 0 : i32
        %dma_wait3A_134 = tpu.memref_slice %arg10[%run_scoped3A_119, %dma_wait3A_133] : memref<8x128xi32, #tpu.memory_space<vmem>> -> memref<1x128xi32, #tpu.memory_space<vmem>>
        %dma_wait3A_135 = tpu.memref_squeeze %dma_wait3A_134 : memref<1x128xi32, #tpu.memory_space<vmem>> -> memref<128xi32, #tpu.memory_space<vmem>>
        %dma_wait3A_136 = arith.constant 0 : i32
        %dma_wait3A_137 = arith.constant 0 : i32
        %dma_wait3A_138 = tpu.memref_slice %arg14[%dma_wait3A_136, %dma_wait3A_137] : memref<100096x8xf32, #tpu.memory_space<vmem_shared>> -> memref<100096x8xf32, #tpu.memory_space<vmem_shared>>
        tpu.wait_indirect_dma semaphore(%run_scoped3A_122 : memref<!tpu.dma_semaphore, #tpu.memory_space<semaphore_mem>>) src(%dma_wait3A_132 : memref<128x8xf32, #tpu.memory_space<vmem>>) dst(%dma_wait3A_138 : memref<100096x8xf32, #tpu.memory_space<vmem_shared>>)
        tpu.yield
      }) : () -> ()
      %run_scoped3A_120 = arith.constant 6 : i32
      "tpu.region"() ({
        %run_scoped3A_122 = tpu.sem_alloc : memref<!tpu.dma_semaphore, #tpu.memory_space<semaphore_mem>>
        %dma_start3A = arith.constant 768 : i32
        %dma_start3A_123 = arith.constant 0 : i32
        %dma_start3A_124 = tpu.memref_slice %arg12[%dma_start3A, %dma_start3A_123] : memref<1024x8xf32, #tpu.memory_space<vmem>> -> memref<128x8xf32, #tpu.memory_space<vmem>>
        %dma_start3A_125 = arith.constant 0 : i32
        %dma_start3A_126 = tpu.memref_slice %arg10[%run_scoped3A_120, %dma_start3A_125] : memref<8x128xi32, #tpu.memory_space<vmem>> -> memref<1x128xi32, #tpu.memory_space<vmem>>
        %dma_start3A_127 = tpu.memref_squeeze %dma_start3A_126 : memref<1x128xi32, #tpu.memory_space<vmem>> -> memref<128xi32, #tpu.memory_space<vmem>>
        %dma_start3A_128 = arith.constant 0 : i32
        %dma_start3A_129 = arith.constant 0 : i32
        %dma_start3A_130 = tpu.memref_slice %arg14[%dma_start3A_128, %dma_start3A_129] : memref<100096x8xf32, #tpu.memory_space<vmem_shared>> -> memref<100096x8xf32, #tpu.memory_space<vmem_shared>>
        tpu.enqueue_indirect_dma source(%dma_start3A_124 : memref<128x8xf32, #tpu.memory_space<vmem>>) target(%dma_start3A_130 : memref<100096x8xf32, #tpu.memory_space<vmem_shared>>) offsets(%dma_start3A_127 : memref<128xi32, #tpu.memory_space<vmem>>) semaphore(%run_scoped3A_122 : memref<!tpu.dma_semaphore, #tpu.memory_space<semaphore_mem>>) {add = true}
        %dma_wait3A = arith.constant 768 : i32
        %dma_wait3A_131 = arith.constant 0 : i32
        %dma_wait3A_132 = tpu.memref_slice %arg12[%dma_wait3A, %dma_wait3A_131] : memref<1024x8xf32, #tpu.memory_space<vmem>> -> memref<128x8xf32, #tpu.memory_space<vmem>>
        %dma_wait3A_133 = arith.constant 0 : i32
        %dma_wait3A_134 = tpu.memref_slice %arg10[%run_scoped3A_120, %dma_wait3A_133] : memref<8x128xi32, #tpu.memory_space<vmem>> -> memref<1x128xi32, #tpu.memory_space<vmem>>
        %dma_wait3A_135 = tpu.memref_squeeze %dma_wait3A_134 : memref<1x128xi32, #tpu.memory_space<vmem>> -> memref<128xi32, #tpu.memory_space<vmem>>
        %dma_wait3A_136 = arith.constant 0 : i32
        %dma_wait3A_137 = arith.constant 0 : i32
        %dma_wait3A_138 = tpu.memref_slice %arg14[%dma_wait3A_136, %dma_wait3A_137] : memref<100096x8xf32, #tpu.memory_space<vmem_shared>> -> memref<100096x8xf32, #tpu.memory_space<vmem_shared>>
        tpu.wait_indirect_dma semaphore(%run_scoped3A_122 : memref<!tpu.dma_semaphore, #tpu.memory_space<semaphore_mem>>) src(%dma_wait3A_132 : memref<128x8xf32, #tpu.memory_space<vmem>>) dst(%dma_wait3A_138 : memref<100096x8xf32, #tpu.memory_space<vmem_shared>>)
        tpu.yield
      }) : () -> ()
      %run_scoped3A_121 = arith.constant 7 : i32
      "tpu.region"() ({
        %run_scoped3A_122 = tpu.sem_alloc : memref<!tpu.dma_semaphore, #tpu.memory_space<semaphore_mem>>
        %dma_start3A = arith.constant 896 : i32
        %dma_start3A_123 = arith.constant 0 : i32
        %dma_start3A_124 = tpu.memref_slice %arg12[%dma_start3A, %dma_start3A_123] : memref<1024x8xf32, #tpu.memory_space<vmem>> -> memref<128x8xf32, #tpu.memory_space<vmem>>
        %dma_start3A_125 = arith.constant 0 : i32
        %dma_start3A_126 = tpu.memref_slice %arg10[%run_scoped3A_121, %dma_start3A_125] : memref<8x128xi32, #tpu.memory_space<vmem>> -> memref<1x128xi32, #tpu.memory_space<vmem>>
        %dma_start3A_127 = tpu.memref_squeeze %dma_start3A_126 : memref<1x128xi32, #tpu.memory_space<vmem>> -> memref<128xi32, #tpu.memory_space<vmem>>
        %dma_start3A_128 = arith.constant 0 : i32
        %dma_start3A_129 = arith.constant 0 : i32
        %dma_start3A_130 = tpu.memref_slice %arg14[%dma_start3A_128, %dma_start3A_129] : memref<100096x8xf32, #tpu.memory_space<vmem_shared>> -> memref<100096x8xf32, #tpu.memory_space<vmem_shared>>
        tpu.enqueue_indirect_dma source(%dma_start3A_124 : memref<128x8xf32, #tpu.memory_space<vmem>>) target(%dma_start3A_130 : memref<100096x8xf32, #tpu.memory_space<vmem_shared>>) offsets(%dma_start3A_127 : memref<128xi32, #tpu.memory_space<vmem>>) semaphore(%run_scoped3A_122 : memref<!tpu.dma_semaphore, #tpu.memory_space<semaphore_mem>>) {add = true}
        %dma_wait3A = arith.constant 896 : i32
        %dma_wait3A_131 = arith.constant 0 : i32
        %dma_wait3A_132 = tpu.memref_slice %arg12[%dma_wait3A, %dma_wait3A_131] : memref<1024x8xf32, #tpu.memory_space<vmem>> -> memref<128x8xf32, #tpu.memory_space<vmem>>
        %dma_wait3A_133 = arith.constant 0 : i32
        %dma_wait3A_134 = tpu.memref_slice %arg10[%run_scoped3A_121, %dma_wait3A_133] : memref<8x128xi32, #tpu.memory_space<vmem>> -> memref<1x128xi32, #tpu.memory_space<vmem>>
        %dma_wait3A_135 = tpu.memref_squeeze %dma_wait3A_134 : memref<1x128xi32, #tpu.memory_space<vmem>> -> memref<128xi32, #tpu.memory_space<vmem>>
        %dma_wait3A_136 = arith.constant 0 : i32
        %dma_wait3A_137 = arith.constant 0 : i32
        %dma_wait3A_138 = tpu.memref_slice %arg14[%dma_wait3A_136, %dma_wait3A_137] : memref<100096x8xf32, #tpu.memory_space<vmem_shared>> -> memref<100096x8xf32, #tpu.memory_space<vmem_shared>>
        tpu.wait_indirect_dma semaphore(%run_scoped3A_122 : memref<!tpu.dma_semaphore, #tpu.memory_space<semaphore_mem>>) src(%dma_wait3A_132 : memref<128x8xf32, #tpu.memory_space<vmem>>) dst(%dma_wait3A_138 : memref<100096x8xf32, #tpu.memory_space<vmem_shared>>)
        tpu.yield
      }) : () -> ()
    }
    %barrier3A_86 = arith.constant 0 : index
    tpu.barrier barrier_id(%barrier3A_86)
    %mul3A_87 = arith.constant 6256 : i32
    %mul3A_88 = arith.muli %arg1, %mul3A_87 : i32
    %mul3A_89 = arith.constant 6256 : i32
    %mul3A_90 = arith.muli %arg1, %mul3A_89 : i32
    "tpu.region"() ({
      %run_scoped3A = tpu.sem_alloc : memref<!tpu.dma_semaphore, #tpu.memory_space<semaphore_mem>>
      %dma_start3A = arith.constant 0 : i32
      %dma_start3A_91 = tpu.memref_slice %arg7[%arg0, %mul3A_90, %dma_start3A] : memref<2x100096x8xf32, #tpu.memory_space<hbm>> -> memref<1x6256x8xf32, #tpu.memory_space<hbm>>
      %dma_start3A_92 = tpu.memref_squeeze %dma_start3A_91 : memref<1x6256x8xf32, #tpu.memory_space<hbm>> -> memref<6256x8xf32, #tpu.memory_space<hbm>>
      %dma_start3A_93 = arith.constant 0 : i32
      %dma_start3A_94 = tpu.memref_slice %arg14[%mul3A_88, %dma_start3A_93] : memref<100096x8xf32, #tpu.memory_space<vmem_shared>> -> memref<6256x8xf32, #tpu.memory_space<vmem_shared>>
      tpu.enqueue_dma source(%dma_start3A_94 : memref<6256x8xf32, #tpu.memory_space<vmem_shared>>) target(%dma_start3A_92 : memref<6256x8xf32, #tpu.memory_space<hbm>>) target_semaphore(%run_scoped3A : memref<!tpu.dma_semaphore, #tpu.memory_space<semaphore_mem>>)
      %dma_wait3A = arith.constant 0 : i32
      %dma_wait3A_95 = tpu.memref_slice %arg7[%arg0, %mul3A_90, %dma_wait3A] : memref<2x100096x8xf32, #tpu.memory_space<hbm>> -> memref<1x6256x8xf32, #tpu.memory_space<hbm>>
      %dma_wait3A_96 = tpu.memref_squeeze %dma_wait3A_95 : memref<1x6256x8xf32, #tpu.memory_space<hbm>> -> memref<6256x8xf32, #tpu.memory_space<hbm>>
      %dma_wait3A_97 = arith.constant 0 : i32
      %dma_wait3A_98 = tpu.memref_slice %arg14[%mul3A_88, %dma_wait3A_97] : memref<100096x8xf32, #tpu.memory_space<vmem_shared>> -> memref<6256x8xf32, #tpu.memory_space<vmem_shared>>
      tpu.wait_dma2 semaphore(%run_scoped3A : memref<!tpu.dma_semaphore, #tpu.memory_space<semaphore_mem>>) src(%dma_wait3A_98 : memref<6256x8xf32, #tpu.memory_space<vmem_shared>>) dst(%dma_wait3A_96 : memref<6256x8xf32, #tpu.memory_space<hbm>>)
      tpu.yield
    }) : () -> ()
    return
  }
}

#map = affine_map<(d0, d1) -> (0)>
#map1 = affine_map<(d0, d1) -> (0, 0)>
#map2 = affine_map<(d0, d1) -> (0, 0, 0)>
module attributes {stable_mosaic.version = 14 : i64} {
  func.func @_sum_body(%arg0: i32, %arg1: i32, %arg2: memref<12800000xf32, #tpu.memory_space<hbm>>, %arg3: memref<16x16xf32, #tpu.memory_space<hbm>>, %arg4: memref<2x25000x128xi32, #tpu.memory_space<hbm>>, %arg5: memref<100096x8xf32, #tpu.memory_space<hbm>>, %arg6: memref<2x100096x8xf32, #tpu.memory_space<hbm>>, %arg7: memref<16x16xf32, #tpu.memory_space<vmem>>, %arg8: memref<4096xf32, #tpu.memory_space<vmem>>, %arg9: memref<8x128xi32, #tpu.memory_space<vmem>>, %arg10: memref<1024x8xf32, #tpu.memory_space<vmem>>, %arg11: memref<100096x8xf32, #tpu.memory_space<vmem_shared>>) attributes {dimension_semantics = [#tpu.dimension_semantics<core_parallel>, #tpu.dimension_semantics<subcore_parallel>], iteration_bounds = array<i64: 2, 16>, scalar_prefetch = 0 : i64, scratch_operands = 5 : i64, tpu.core_type = #tpu.core_type<sc_vector_subcore>, window_params = [{transform_indices = #map}, {transform_indices = #map1}, {transform_indices = #map2}, {transform_indices = #map1}, {transform_indices = #map2}]} {
    %mul3A = arith.constant 2 : i32
    %mul3A_0 = arith.muli %arg1, %mul3A : i32
    %add3A = arith.addi %mul3A_0, %arg0 : i32
    %mul3A_1 = arith.constant 6256 : i32
    %mul3A_2 = arith.muli %arg1, %mul3A_1 : i32
    %mul3A_3 = arith.constant 6256 : i32
    %mul3A_4 = arith.muli %arg1, %mul3A_3 : i32
    "tpu.region"() ({
      %run_scoped3A = tpu.sem_alloc : memref<!tpu.dma_semaphore, #tpu.memory_space<semaphore_mem>>
      %dma_start3A = arith.constant 0 : i32
      %dma_start3A_86 = tpu.memref_slice %arg11[%mul3A_4, %dma_start3A] : memref<100096x8xf32, #tpu.memory_space<vmem_shared>> -> memref<6256x8xf32, #tpu.memory_space<vmem_shared>>
      %dma_start3A_87 = arith.constant 0 : i32
      %dma_start3A_88 = tpu.memref_slice %arg5[%mul3A_2, %dma_start3A_87] : memref<100096x8xf32, #tpu.memory_space<hbm>> -> memref<6256x8xf32, #tpu.memory_space<hbm>>
      tpu.enqueue_dma source(%dma_start3A_88 : memref<6256x8xf32, #tpu.memory_space<hbm>>) target(%dma_start3A_86 : memref<6256x8xf32, #tpu.memory_space<vmem_shared>>) target_semaphore(%run_scoped3A : memref<!tpu.dma_semaphore, #tpu.memory_space<semaphore_mem>>)
      %dma_wait3A = arith.constant 0 : i32
      %dma_wait3A_89 = tpu.memref_slice %arg11[%mul3A_4, %dma_wait3A] : memref<100096x8xf32, #tpu.memory_space<vmem_shared>> -> memref<6256x8xf32, #tpu.memory_space<vmem_shared>>
      %dma_wait3A_90 = arith.constant 0 : i32
      %dma_wait3A_91 = tpu.memref_slice %arg5[%mul3A_2, %dma_wait3A_90] : memref<100096x8xf32, #tpu.memory_space<hbm>> -> memref<6256x8xf32, #tpu.memory_space<hbm>>
      tpu.wait_dma2 semaphore(%run_scoped3A : memref<!tpu.dma_semaphore, #tpu.memory_space<semaphore_mem>>) src(%dma_wait3A_91 : memref<6256x8xf32, #tpu.memory_space<hbm>>) dst(%dma_wait3A_89 : memref<6256x8xf32, #tpu.memory_space<vmem_shared>>)
      tpu.yield
    }) : () -> ()
    "tpu.region"() ({
      %run_scoped3A = tpu.sem_alloc : memref<!tpu.dma_semaphore, #tpu.memory_space<semaphore_mem>>
      tpu.enqueue_dma source(%arg3 : memref<16x16xf32, #tpu.memory_space<hbm>>) target(%arg7 : memref<16x16xf32, #tpu.memory_space<vmem>>) target_semaphore(%run_scoped3A : memref<!tpu.dma_semaphore, #tpu.memory_space<semaphore_mem>>)
      tpu.wait_dma2 semaphore(%run_scoped3A : memref<!tpu.dma_semaphore, #tpu.memory_space<semaphore_mem>>) src(%arg3 : memref<16x16xf32, #tpu.memory_space<hbm>>) dst(%arg7 : memref<16x16xf32, #tpu.memory_space<vmem>>)
      tpu.yield
    }) : () -> ()
    %barrier3A = arith.constant 0 : index
    tpu.barrier barrier_id(%barrier3A)
    %get3A = arith.constant 0 : i32
    %get3A_5 = arith.index_cast %get3A : i32 to index
    %get3A_6 = arith.constant 0 : index
    %get3A_7 = tpu.vector_load %arg7[%get3A_5, %get3A_6] {strides = array<i32>} : memref<16x16xf32, #tpu.memory_space<vmem>>, vector<16xf32>,
    %get3A_8 = arith.constant 1 : i32
    %get3A_9 = arith.index_cast %get3A_8 : i32 to index
    %get3A_10 = arith.constant 0 : index
    %get3A_11 = tpu.vector_load %arg7[%get3A_9, %get3A_10] {strides = array<i32>} : memref<16x16xf32, #tpu.memory_space<vmem>>, vector<16xf32>,
    %get3A_12 = arith.constant 2 : i32
    %get3A_13 = arith.index_cast %get3A_12 : i32 to index
    %get3A_14 = arith.constant 0 : index
    %get3A_15 = tpu.vector_load %arg7[%get3A_13, %get3A_14] {strides = array<i32>} : memref<16x16xf32, #tpu.memory_space<vmem>>, vector<16xf32>,
    %get3A_16 = arith.constant 3 : i32
    %get3A_17 = arith.index_cast %get3A_16 : i32 to index
    %get3A_18 = arith.constant 0 : index
    %get3A_19 = tpu.vector_load %arg7[%get3A_17, %get3A_18] {strides = array<i32>} : memref<16x16xf32, #tpu.memory_space<vmem>>, vector<16xf32>,
    %get3A_20 = arith.constant 4 : i32
    %get3A_21 = arith.index_cast %get3A_20 : i32 to index
    %get3A_22 = arith.constant 0 : index
    %get3A_23 = tpu.vector_load %arg7[%get3A_21, %get3A_22] {strides = array<i32>} : memref<16x16xf32, #tpu.memory_space<vmem>>, vector<16xf32>,
    %get3A_24 = arith.constant 5 : i32
    %get3A_25 = arith.index_cast %get3A_24 : i32 to index
    %get3A_26 = arith.constant 0 : index
    %get3A_27 = tpu.vector_load %arg7[%get3A_25, %get3A_26] {strides = array<i32>} : memref<16x16xf32, #tpu.memory_space<vmem>>, vector<16xf32>,
    %get3A_28 = arith.constant 6 : i32
    %get3A_29 = arith.index_cast %get3A_28 : i32 to index
    %get3A_30 = arith.constant 0 : index
    %get3A_31 = tpu.vector_load %arg7[%get3A_29, %get3A_30] {strides = array<i32>} : memref<16x16xf32, #tpu.memory_space<vmem>>, vector<16xf32>,
    %get3A_32 = arith.constant 7 : i32
    %get3A_33 = arith.index_cast %get3A_32 : i32 to index
    %get3A_34 = arith.constant 0 : index
    %get3A_35 = tpu.vector_load %arg7[%get3A_33, %get3A_34] {strides = array<i32>} : memref<16x16xf32, #tpu.memory_space<vmem>>, vector<16xf32>,
    %get3A_36 = arith.constant 8 : i32
    %get3A_37 = arith.index_cast %get3A_36 : i32 to index
    %get3A_38 = arith.constant 0 : index
    %get3A_39 = tpu.vector_load %arg7[%get3A_37, %get3A_38] {strides = array<i32>} : memref<16x16xf32, #tpu.memory_space<vmem>>, vector<16xf32>,
    %get3A_40 = arith.constant 9 : i32
    %get3A_41 = arith.index_cast %get3A_40 : i32 to index
    %get3A_42 = arith.constant 0 : index
    %get3A_43 = tpu.vector_load %arg7[%get3A_41, %get3A_42] {strides = array<i32>} : memref<16x16xf32, #tpu.memory_space<vmem>>, vector<16xf32>,
    %get3A_44 = arith.constant 10 : i32
    %get3A_45 = arith.index_cast %get3A_44 : i32 to index
    %get3A_46 = arith.constant 0 : index
    %get3A_47 = tpu.vector_load %arg7[%get3A_45, %get3A_46] {strides = array<i32>} : memref<16x16xf32, #tpu.memory_space<vmem>>, vector<16xf32>,
    %get3A_48 = arith.constant 11 : i32
    %get3A_49 = arith.index_cast %get3A_48 : i32 to index
    %get3A_50 = arith.constant 0 : index
    %get3A_51 = tpu.vector_load %arg7[%get3A_49, %get3A_50] {strides = array<i32>} : memref<16x16xf32, #tpu.memory_space<vmem>>, vector<16xf32>,
    %get3A_52 = arith.constant 12 : i32
    %get3A_53 = arith.index_cast %get3A_52 : i32 to index
    %get3A_54 = arith.constant 0 : index
    %get3A_55 = tpu.vector_load %arg7[%get3A_53, %get3A_54] {strides = array<i32>} : memref<16x16xf32, #tpu.memory_space<vmem>>, vector<16xf32>,
    %get3A_56 = arith.constant 13 : i32
    %get3A_57 = arith.index_cast %get3A_56 : i32 to index
    %get3A_58 = arith.constant 0 : index
    %get3A_59 = tpu.vector_load %arg7[%get3A_57, %get3A_58] {strides = array<i32>} : memref<16x16xf32, #tpu.memory_space<vmem>>, vector<16xf32>,
    %get3A_60 = arith.constant 14 : i32
    %get3A_61 = arith.index_cast %get3A_60 : i32 to index
    %get3A_62 = arith.constant 0 : index
    %get3A_63 = tpu.vector_load %arg7[%get3A_61, %get3A_62] {strides = array<i32>} : memref<16x16xf32, #tpu.memory_space<vmem>>, vector<16xf32>,
    %get3A_64 = arith.constant 15 : i32
    %get3A_65 = arith.index_cast %get3A_64 : i32 to index
    %get3A_66 = arith.constant 0 : index
    %get3A_67 = tpu.vector_load %arg7[%get3A_65, %get3A_66] {strides = array<i32>} : memref<16x16xf32, #tpu.memory_space<vmem>>, vector<16xf32>,
    %iota3A = tpu.iota {dimensions = array<i32: 0>} : vector<16xi32>
    %lt3A = arith.constant 21 : i32
    %lt3A_68 = arith.cmpi slt, %add3A, %lt3A : i32
    %jit3A = arith.constant 1 : i32
    %jit3A_69 = arith.constant 0 : i32
    %select_n3A = arith.select %lt3A_68, %jit3A, %jit3A_69 : i32
    %add3A_70 = arith.constant 97 : i32
    %add3A_71 = arith.addi %add3A_70, %select_n3A : i32
    %while3A = arith.constant 0 : i32
    %while3A_72 = arith.constant 0 : i32
    %while3A_73 = arith.subi %add3A_71, %while3A_72 : i32
    %while3A_74 = arith.addi %while3A_72, %while3A_73 : i32
    %while3A_75 = arith.constant 1 : i32
    %while3A_76 = arith.divsi %while3A_73, %while3A_75 : i32
    %while3A_77 = arith.muli %while3A_76, %while3A_75 : i32
    %while3A_78 = arith.addi %while3A_72, %while3A_77 : i32
    %while3A_79 = arith.constant 1 : i32
    scf.for %while3A_86 = %while3A_72 to %while3A_78 step %while3A_79  : i32 {
      %mul3A_87 = arith.constant 32 : i32
      %mul3A_88 = arith.muli %while3A_86, %mul3A_87 : i32
      %add3A_89 = arith.addi %add3A, %mul3A_88 : i32
      %mul3A_90 = arith.constant 1024 : i32
      %mul3A_91 = arith.muli %add3A_89, %mul3A_90 : i32
      %mul3A_92 = arith.constant 4 : i32
      %mul3A_93 = arith.muli %mul3A_91, %mul3A_92 : i32
      "tpu.region"() ({
        %run_scoped3A_109 = tpu.sem_alloc : memref<!tpu.dma_semaphore, #tpu.memory_space<semaphore_mem>>
        %dma_start3A = tpu.memref_slice %arg2[%mul3A_93] : memref<12800000xf32, #tpu.memory_space<hbm>> -> memref<4096xf32, #tpu.memory_space<hbm>>
        %dma_start3A_110 = tpu.memref_slice %arg2[%mul3A_93] : memref<12800000xf32, #tpu.memory_space<hbm>> -> memref<4096xf32, #tpu.memory_space<hbm>>
        tpu.enqueue_dma source(%dma_start3A_110 : memref<4096xf32, #tpu.memory_space<hbm>>) target(%arg8 : memref<4096xf32, #tpu.memory_space<vmem>>) target_semaphore(%run_scoped3A_109 : memref<!tpu.dma_semaphore, #tpu.memory_space<semaphore_mem>>)
        %dma_wait3A = tpu.memref_slice %arg2[%mul3A_93] : memref<12800000xf32, #tpu.memory_space<hbm>> -> memref<4096xf32, #tpu.memory_space<hbm>>
        %dma_wait3A_111 = tpu.memref_slice %arg2[%mul3A_93] : memref<12800000xf32, #tpu.memory_space<hbm>> -> memref<4096xf32, #tpu.memory_space<hbm>>
        tpu.wait_dma2 semaphore(%run_scoped3A_109 : memref<!tpu.dma_semaphore, #tpu.memory_space<semaphore_mem>>) src(%dma_wait3A_111 : memref<4096xf32, #tpu.memory_space<hbm>>) dst(%arg8 : memref<4096xf32, #tpu.memory_space<vmem>>)
        tpu.yield
      }) : () -> ()
      %mul3A_94 = arith.constant 8 : i32
      %mul3A_95 = arith.muli %add3A_89, %mul3A_94 : i32
      %run_scoped3A = arith.constant 1 : i32
      "tpu.region"() ({
        %run_scoped3A_109 = tpu.sem_alloc : memref<!tpu.dma_semaphore, #tpu.memory_space<semaphore_mem>>
        %dma_start3A = arith.constant 0 : i32
        %dma_start3A_110 = tpu.memref_slice %arg4[%run_scoped3A, %mul3A_95, %dma_start3A] : memref<2x25000x128xi32, #tpu.memory_space<hbm>> -> memref<1x8x128xi32, #tpu.memory_space<hbm>>
        %dma_start3A_111 = tpu.memref_squeeze %dma_start3A_110 : memref<1x8x128xi32, #tpu.memory_space<hbm>> -> memref<8x128xi32, #tpu.memory_space<hbm>>
        %dma_start3A_112 = arith.constant 0 : i32
        %dma_start3A_113 = tpu.memref_slice %arg4[%run_scoped3A, %mul3A_95, %dma_start3A_112] : memref<2x25000x128xi32, #tpu.memory_space<hbm>> -> memref<1x8x128xi32, #tpu.memory_space<hbm>>
        %dma_start3A_114 = tpu.memref_squeeze %dma_start3A_113 : memref<1x8x128xi32, #tpu.memory_space<hbm>> -> memref<8x128xi32, #tpu.memory_space<hbm>>
        tpu.enqueue_dma source(%dma_start3A_114 : memref<8x128xi32, #tpu.memory_space<hbm>>) target(%arg9 : memref<8x128xi32, #tpu.memory_space<vmem>>) target_semaphore(%run_scoped3A_109 : memref<!tpu.dma_semaphore, #tpu.memory_space<semaphore_mem>>)
        %dma_wait3A = arith.constant 0 : i32
        %dma_wait3A_115 = tpu.memref_slice %arg4[%run_scoped3A, %mul3A_95, %dma_wait3A] : memref<2x25000x128xi32, #tpu.memory_space<hbm>> -> memref<1x8x128xi32, #tpu.memory_space<hbm>>
        %dma_wait3A_116 = tpu.memref_squeeze %dma_wait3A_115 : memref<1x8x128xi32, #tpu.memory_space<hbm>> -> memref<8x128xi32, #tpu.memory_space<hbm>>
        %dma_wait3A_117 = arith.constant 0 : i32
        %dma_wait3A_118 = tpu.memref_slice %arg4[%run_scoped3A, %mul3A_95, %dma_wait3A_117] : memref<2x25000x128xi32, #tpu.memory_space<hbm>> -> memref<1x8x128xi32, #tpu.memory_space<hbm>>
        %dma_wait3A_119 = tpu.memref_squeeze %dma_wait3A_118 : memref<1x8x128xi32, #tpu.memory_space<hbm>> -> memref<8x128xi32, #tpu.memory_space<hbm>>
        tpu.wait_dma2 semaphore(%run_scoped3A_109 : memref<!tpu.dma_semaphore, #tpu.memory_space<semaphore_mem>>) src(%dma_wait3A_119 : memref<8x128xi32, #tpu.memory_space<hbm>>) dst(%arg9 : memref<8x128xi32, #tpu.memory_space<vmem>>)
        tpu.yield
      }) : () -> ()
      %scan3A = arith.constant 0 : i32
      %scan3A_96 = arith.constant 0 : i32
      %scan3A_97 = arith.constant 64 : i32
      %scan3A_98 = arith.addi %scan3A_96, %scan3A_97 : i32
      %scan3A_99 = arith.constant 1 : i32
      scf.for %scan3A_109 = %scan3A_96 to %scan3A_98 step %scan3A_99  : i32 {
        %mul3A_110 = arith.constant 16 : i32
        %mul3A_111 = arith.muli %scan3A_109, %mul3A_110 : i32
        %add3A_112 = vector.broadcast %mul3A_111 : i32 to vector<16xi32>
        %add3A_113 = arith.addi %iota3A, %add3A_112 : vector<16xi32>
        %mul3A_114 = arith.constant 4 : i32
        %mul3A_115 = vector.broadcast %mul3A_114 : i32 to vector<16xi32>
        %mul3A_116 = arith.muli %add3A_113, %mul3A_115 : vector<16xi32>
        %add3A_117 = arith.constant 0 : i32
        %add3A_118 = vector.broadcast %add3A_117 : i32 to vector<16xi32>
        %add3A_119 = arith.addi %mul3A_116, %add3A_118 : vector<16xi32>
        %gather3A = tpu.vector_load_idx %arg8[%add3A_119] : memref<4096xf32, #tpu.memory_space<vmem>>[vector<16xi32>], vector<16xf32>,
        %add3A_120 = arith.constant 1 : i32
        %add3A_121 = vector.broadcast %add3A_120 : i32 to vector<16xi32>
        %add3A_122 = arith.addi %mul3A_116, %add3A_121 : vector<16xi32>
        %gather3A_123 = tpu.vector_load_idx %arg8[%add3A_122] : memref<4096xf32, #tpu.memory_space<vmem>>[vector<16xi32>], vector<16xf32>,
        %add3A_124 = arith.constant 2 : i32
        %add3A_125 = vector.broadcast %add3A_124 : i32 to vector<16xi32>
        %add3A_126 = arith.addi %mul3A_116, %add3A_125 : vector<16xi32>
        %gather3A_127 = tpu.vector_load_idx %arg8[%add3A_126] : memref<4096xf32, #tpu.memory_space<vmem>>[vector<16xi32>], vector<16xf32>,
        %add3A_128 = arith.constant 3 : i32
        %add3A_129 = vector.broadcast %add3A_128 : i32 to vector<16xi32>
        %add3A_130 = arith.addi %mul3A_116, %add3A_129 : vector<16xi32>
        %gather3A_131 = tpu.vector_load_idx %arg8[%add3A_130] : memref<4096xf32, #tpu.memory_space<vmem>>[vector<16xi32>], vector<16xf32>,
        %mul3A_132 = arith.mulf %get3A_7, %gather3A : vector<16xf32>
        %mul3A_133 = arith.mulf %get3A_11, %gather3A_123 : vector<16xf32>
        %add3A_134 = arith.addf %mul3A_132, %mul3A_133 : vector<16xf32>
        %mul3A_135 = arith.mulf %get3A_15, %gather3A_127 : vector<16xf32>
        %add3A_136 = arith.addf %add3A_134, %mul3A_135 : vector<16xf32>
        %mul3A_137 = arith.mulf %get3A_19, %gather3A_131 : vector<16xf32>
        %add3A_138 = arith.addf %add3A_136, %mul3A_137 : vector<16xf32>
        %exp3A = math.exp %add3A_138 : vector<16xf32>
        %mul3A_139 = arith.mulf %get3A_23, %gather3A : vector<16xf32>
        %mul3A_140 = arith.mulf %get3A_27, %gather3A_123 : vector<16xf32>
        %add3A_141 = arith.addf %mul3A_139, %mul3A_140 : vector<16xf32>
        %mul3A_142 = arith.mulf %get3A_31, %gather3A_127 : vector<16xf32>
        %add3A_143 = arith.addf %add3A_141, %mul3A_142 : vector<16xf32>
        %mul3A_144 = arith.mulf %get3A_35, %gather3A_131 : vector<16xf32>
        %add3A_145 = arith.addf %add3A_143, %mul3A_144 : vector<16xf32>
        %exp3A_146 = math.exp %add3A_145 : vector<16xf32>
        %mul3A_147 = arith.mulf %get3A_39, %gather3A : vector<16xf32>
        %mul3A_148 = arith.mulf %get3A_43, %gather3A_123 : vector<16xf32>
        %add3A_149 = arith.addf %mul3A_147, %mul3A_148 : vector<16xf32>
        %mul3A_150 = arith.mulf %get3A_47, %gather3A_127 : vector<16xf32>
        %add3A_151 = arith.addf %add3A_149, %mul3A_150 : vector<16xf32>
        %mul3A_152 = arith.mulf %get3A_51, %gather3A_131 : vector<16xf32>
        %add3A_153 = arith.addf %add3A_151, %mul3A_152 : vector<16xf32>
        %exp3A_154 = math.exp %add3A_153 : vector<16xf32>
        %mul3A_155 = arith.mulf %get3A_55, %gather3A : vector<16xf32>
        %mul3A_156 = arith.mulf %get3A_59, %gather3A_123 : vector<16xf32>
        %add3A_157 = arith.addf %mul3A_155, %mul3A_156 : vector<16xf32>
        %mul3A_158 = arith.mulf %get3A_63, %gather3A_127 : vector<16xf32>
        %add3A_159 = arith.addf %add3A_157, %mul3A_158 : vector<16xf32>
        %mul3A_160 = arith.mulf %get3A_67, %gather3A_131 : vector<16xf32>
        %add3A_161 = arith.addf %add3A_159, %mul3A_160 : vector<16xf32>
        %exp3A_162 = math.exp %add3A_161 : vector<16xf32>
        %broadcast_in_dim3A = arith.constant 0 : i32
        %broadcast_in_dim3A_163 = vector.broadcast %broadcast_in_dim3A : i32 to vector<16xi32>
        tpu.vector_store_idx %arg10[%add3A_113, %broadcast_in_dim3A_163], %exp3A : memref<1024x8xf32, #tpu.memory_space<vmem>>[vector<16xi32>, vector<16xi32>], vector<16xf32>,
        %broadcast_in_dim3A_164 = arith.constant 1 : i32
        %broadcast_in_dim3A_165 = vector.broadcast %broadcast_in_dim3A_164 : i32 to vector<16xi32>
        tpu.vector_store_idx %arg10[%add3A_113, %broadcast_in_dim3A_165], %exp3A_146 : memref<1024x8xf32, #tpu.memory_space<vmem>>[vector<16xi32>, vector<16xi32>], vector<16xf32>,
        %broadcast_in_dim3A_166 = arith.constant 2 : i32
        %broadcast_in_dim3A_167 = vector.broadcast %broadcast_in_dim3A_166 : i32 to vector<16xi32>
        tpu.vector_store_idx %arg10[%add3A_113, %broadcast_in_dim3A_167], %exp3A_154 : memref<1024x8xf32, #tpu.memory_space<vmem>>[vector<16xi32>, vector<16xi32>], vector<16xf32>,
        %broadcast_in_dim3A_168 = arith.constant 3 : i32
        %broadcast_in_dim3A_169 = vector.broadcast %broadcast_in_dim3A_168 : i32 to vector<16xi32>
        tpu.vector_store_idx %arg10[%add3A_113, %broadcast_in_dim3A_169], %exp3A_162 : memref<1024x8xf32, #tpu.memory_space<vmem>>[vector<16xi32>, vector<16xi32>], vector<16xf32>,
      }
      %scan3A_100 = arith.constant 64 : i32
      %run_scoped3A_101 = arith.constant 0 : i32
      "tpu.region"() ({
        %run_scoped3A_109 = tpu.sem_alloc : memref<!tpu.dma_semaphore, #tpu.memory_space<semaphore_mem>>
        %dma_start3A = arith.constant 0 : i32
        %dma_start3A_110 = arith.constant 0 : i32
        %dma_start3A_111 = tpu.memref_slice %arg10[%dma_start3A, %dma_start3A_110] : memref<1024x8xf32, #tpu.memory_space<vmem>> -> memref<128x8xf32, #tpu.memory_space<vmem>>
        %dma_start3A_112 = arith.constant 0 : i32
        %dma_start3A_113 = tpu.memref_slice %arg9[%run_scoped3A_101, %dma_start3A_112] : memref<8x128xi32, #tpu.memory_space<vmem>> -> memref<1x128xi32, #tpu.memory_space<vmem>>
        %dma_start3A_114 = tpu.memref_squeeze %dma_start3A_113 : memref<1x128xi32, #tpu.memory_space<vmem>> -> memref<128xi32, #tpu.memory_space<vmem>>
        %dma_start3A_115 = arith.constant 0 : i32
        %dma_start3A_116 = arith.constant 0 : i32
        %dma_start3A_117 = tpu.memref_slice %arg11[%dma_start3A_115, %dma_start3A_116] : memref<100096x8xf32, #tpu.memory_space<vmem_shared>> -> memref<100096x8xf32, #tpu.memory_space<vmem_shared>>
        tpu.enqueue_indirect_dma source(%dma_start3A_111 : memref<128x8xf32, #tpu.memory_space<vmem>>) target(%dma_start3A_117 : memref<100096x8xf32, #tpu.memory_space<vmem_shared>>) offsets(%dma_start3A_114 : memref<128xi32, #tpu.memory_space<vmem>>) semaphore(%run_scoped3A_109 : memref<!tpu.dma_semaphore, #tpu.memory_space<semaphore_mem>>) {add = true}
        %dma_wait3A = arith.constant 0 : i32
        %dma_wait3A_118 = arith.constant 0 : i32
        %dma_wait3A_119 = tpu.memref_slice %arg10[%dma_wait3A, %dma_wait3A_118] : memref<1024x8xf32, #tpu.memory_space<vmem>> -> memref<128x8xf32, #tpu.memory_space<vmem>>
        %dma_wait3A_120 = arith.constant 0 : i32
        %dma_wait3A_121 = tpu.memref_slice %arg9[%run_scoped3A_101, %dma_wait3A_120] : memref<8x128xi32, #tpu.memory_space<vmem>> -> memref<1x128xi32, #tpu.memory_space<vmem>>
        %dma_wait3A_122 = tpu.memref_squeeze %dma_wait3A_121 : memref<1x128xi32, #tpu.memory_space<vmem>> -> memref<128xi32, #tpu.memory_space<vmem>>
        %dma_wait3A_123 = arith.constant 0 : i32
        %dma_wait3A_124 = arith.constant 0 : i32
        %dma_wait3A_125 = tpu.memref_slice %arg11[%dma_wait3A_123, %dma_wait3A_124] : memref<100096x8xf32, #tpu.memory_space<vmem_shared>> -> memref<100096x8xf32, #tpu.memory_space<vmem_shared>>
        tpu.wait_indirect_dma semaphore(%run_scoped3A_109 : memref<!tpu.dma_semaphore, #tpu.memory_space<semaphore_mem>>) src(%dma_wait3A_119 : memref<128x8xf32, #tpu.memory_space<vmem>>) dst(%dma_wait3A_125 : memref<100096x8xf32, #tpu.memory_space<vmem_shared>>)
        tpu.yield
      }) : () -> ()
      %run_scoped3A_102 = arith.constant 1 : i32
      "tpu.region"() ({
        %run_scoped3A_109 = tpu.sem_alloc : memref<!tpu.dma_semaphore, #tpu.memory_space<semaphore_mem>>
        %dma_start3A = arith.constant 128 : i32
        %dma_start3A_110 = arith.constant 0 : i32
        %dma_start3A_111 = tpu.memref_slice %arg10[%dma_start3A, %dma_start3A_110] : memref<1024x8xf32, #tpu.memory_space<vmem>> -> memref<128x8xf32, #tpu.memory_space<vmem>>
        %dma_start3A_112 = arith.constant 0 : i32
        %dma_start3A_113 = tpu.memref_slice %arg9[%run_scoped3A_102, %dma_start3A_112] : memref<8x128xi32, #tpu.memory_space<vmem>> -> memref<1x128xi32, #tpu.memory_space<vmem>>
        %dma_start3A_114 = tpu.memref_squeeze %dma_start3A_113 : memref<1x128xi32, #tpu.memory_space<vmem>> -> memref<128xi32, #tpu.memory_space<vmem>>
        %dma_start3A_115 = arith.constant 0 : i32
        %dma_start3A_116 = arith.constant 0 : i32
        %dma_start3A_117 = tpu.memref_slice %arg11[%dma_start3A_115, %dma_start3A_116] : memref<100096x8xf32, #tpu.memory_space<vmem_shared>> -> memref<100096x8xf32, #tpu.memory_space<vmem_shared>>
        tpu.enqueue_indirect_dma source(%dma_start3A_111 : memref<128x8xf32, #tpu.memory_space<vmem>>) target(%dma_start3A_117 : memref<100096x8xf32, #tpu.memory_space<vmem_shared>>) offsets(%dma_start3A_114 : memref<128xi32, #tpu.memory_space<vmem>>) semaphore(%run_scoped3A_109 : memref<!tpu.dma_semaphore, #tpu.memory_space<semaphore_mem>>) {add = true}
        %dma_wait3A = arith.constant 128 : i32
        %dma_wait3A_118 = arith.constant 0 : i32
        %dma_wait3A_119 = tpu.memref_slice %arg10[%dma_wait3A, %dma_wait3A_118] : memref<1024x8xf32, #tpu.memory_space<vmem>> -> memref<128x8xf32, #tpu.memory_space<vmem>>
        %dma_wait3A_120 = arith.constant 0 : i32
        %dma_wait3A_121 = tpu.memref_slice %arg9[%run_scoped3A_102, %dma_wait3A_120] : memref<8x128xi32, #tpu.memory_space<vmem>> -> memref<1x128xi32, #tpu.memory_space<vmem>>
        %dma_wait3A_122 = tpu.memref_squeeze %dma_wait3A_121 : memref<1x128xi32, #tpu.memory_space<vmem>> -> memref<128xi32, #tpu.memory_space<vmem>>
        %dma_wait3A_123 = arith.constant 0 : i32
        %dma_wait3A_124 = arith.constant 0 : i32
        %dma_wait3A_125 = tpu.memref_slice %arg11[%dma_wait3A_123, %dma_wait3A_124] : memref<100096x8xf32, #tpu.memory_space<vmem_shared>> -> memref<100096x8xf32, #tpu.memory_space<vmem_shared>>
        tpu.wait_indirect_dma semaphore(%run_scoped3A_109 : memref<!tpu.dma_semaphore, #tpu.memory_space<semaphore_mem>>) src(%dma_wait3A_119 : memref<128x8xf32, #tpu.memory_space<vmem>>) dst(%dma_wait3A_125 : memref<100096x8xf32, #tpu.memory_space<vmem_shared>>)
        tpu.yield
      }) : () -> ()
      %run_scoped3A_103 = arith.constant 2 : i32
      "tpu.region"() ({
        %run_scoped3A_109 = tpu.sem_alloc : memref<!tpu.dma_semaphore, #tpu.memory_space<semaphore_mem>>
        %dma_start3A = arith.constant 256 : i32
        %dma_start3A_110 = arith.constant 0 : i32
        %dma_start3A_111 = tpu.memref_slice %arg10[%dma_start3A, %dma_start3A_110] : memref<1024x8xf32, #tpu.memory_space<vmem>> -> memref<128x8xf32, #tpu.memory_space<vmem>>
        %dma_start3A_112 = arith.constant 0 : i32
        %dma_start3A_113 = tpu.memref_slice %arg9[%run_scoped3A_103, %dma_start3A_112] : memref<8x128xi32, #tpu.memory_space<vmem>> -> memref<1x128xi32, #tpu.memory_space<vmem>>
        %dma_start3A_114 = tpu.memref_squeeze %dma_start3A_113 : memref<1x128xi32, #tpu.memory_space<vmem>> -> memref<128xi32, #tpu.memory_space<vmem>>
        %dma_start3A_115 = arith.constant 0 : i32
        %dma_start3A_116 = arith.constant 0 : i32
        %dma_start3A_117 = tpu.memref_slice %arg11[%dma_start3A_115, %dma_start3A_116] : memref<100096x8xf32, #tpu.memory_space<vmem_shared>> -> memref<100096x8xf32, #tpu.memory_space<vmem_shared>>
        tpu.enqueue_indirect_dma source(%dma_start3A_111 : memref<128x8xf32, #tpu.memory_space<vmem>>) target(%dma_start3A_117 : memref<100096x8xf32, #tpu.memory_space<vmem_shared>>) offsets(%dma_start3A_114 : memref<128xi32, #tpu.memory_space<vmem>>) semaphore(%run_scoped3A_109 : memref<!tpu.dma_semaphore, #tpu.memory_space<semaphore_mem>>) {add = true}
        %dma_wait3A = arith.constant 256 : i32
        %dma_wait3A_118 = arith.constant 0 : i32
        %dma_wait3A_119 = tpu.memref_slice %arg10[%dma_wait3A, %dma_wait3A_118] : memref<1024x8xf32, #tpu.memory_space<vmem>> -> memref<128x8xf32, #tpu.memory_space<vmem>>
        %dma_wait3A_120 = arith.constant 0 : i32
        %dma_wait3A_121 = tpu.memref_slice %arg9[%run_scoped3A_103, %dma_wait3A_120] : memref<8x128xi32, #tpu.memory_space<vmem>> -> memref<1x128xi32, #tpu.memory_space<vmem>>
        %dma_wait3A_122 = tpu.memref_squeeze %dma_wait3A_121 : memref<1x128xi32, #tpu.memory_space<vmem>> -> memref<128xi32, #tpu.memory_space<vmem>>
        %dma_wait3A_123 = arith.constant 0 : i32
        %dma_wait3A_124 = arith.constant 0 : i32
        %dma_wait3A_125 = tpu.memref_slice %arg11[%dma_wait3A_123, %dma_wait3A_124] : memref<100096x8xf32, #tpu.memory_space<vmem_shared>> -> memref<100096x8xf32, #tpu.memory_space<vmem_shared>>
        tpu.wait_indirect_dma semaphore(%run_scoped3A_109 : memref<!tpu.dma_semaphore, #tpu.memory_space<semaphore_mem>>) src(%dma_wait3A_119 : memref<128x8xf32, #tpu.memory_space<vmem>>) dst(%dma_wait3A_125 : memref<100096x8xf32, #tpu.memory_space<vmem_shared>>)
        tpu.yield
      }) : () -> ()
      %run_scoped3A_104 = arith.constant 3 : i32
      "tpu.region"() ({
        %run_scoped3A_109 = tpu.sem_alloc : memref<!tpu.dma_semaphore, #tpu.memory_space<semaphore_mem>>
        %dma_start3A = arith.constant 384 : i32
        %dma_start3A_110 = arith.constant 0 : i32
        %dma_start3A_111 = tpu.memref_slice %arg10[%dma_start3A, %dma_start3A_110] : memref<1024x8xf32, #tpu.memory_space<vmem>> -> memref<128x8xf32, #tpu.memory_space<vmem>>
        %dma_start3A_112 = arith.constant 0 : i32
        %dma_start3A_113 = tpu.memref_slice %arg9[%run_scoped3A_104, %dma_start3A_112] : memref<8x128xi32, #tpu.memory_space<vmem>> -> memref<1x128xi32, #tpu.memory_space<vmem>>
        %dma_start3A_114 = tpu.memref_squeeze %dma_start3A_113 : memref<1x128xi32, #tpu.memory_space<vmem>> -> memref<128xi32, #tpu.memory_space<vmem>>
        %dma_start3A_115 = arith.constant 0 : i32
        %dma_start3A_116 = arith.constant 0 : i32
        %dma_start3A_117 = tpu.memref_slice %arg11[%dma_start3A_115, %dma_start3A_116] : memref<100096x8xf32, #tpu.memory_space<vmem_shared>> -> memref<100096x8xf32, #tpu.memory_space<vmem_shared>>
        tpu.enqueue_indirect_dma source(%dma_start3A_111 : memref<128x8xf32, #tpu.memory_space<vmem>>) target(%dma_start3A_117 : memref<100096x8xf32, #tpu.memory_space<vmem_shared>>) offsets(%dma_start3A_114 : memref<128xi32, #tpu.memory_space<vmem>>) semaphore(%run_scoped3A_109 : memref<!tpu.dma_semaphore, #tpu.memory_space<semaphore_mem>>) {add = true}
        %dma_wait3A = arith.constant 384 : i32
        %dma_wait3A_118 = arith.constant 0 : i32
        %dma_wait3A_119 = tpu.memref_slice %arg10[%dma_wait3A, %dma_wait3A_118] : memref<1024x8xf32, #tpu.memory_space<vmem>> -> memref<128x8xf32, #tpu.memory_space<vmem>>
        %dma_wait3A_120 = arith.constant 0 : i32
        %dma_wait3A_121 = tpu.memref_slice %arg9[%run_scoped3A_104, %dma_wait3A_120] : memref<8x128xi32, #tpu.memory_space<vmem>> -> memref<1x128xi32, #tpu.memory_space<vmem>>
        %dma_wait3A_122 = tpu.memref_squeeze %dma_wait3A_121 : memref<1x128xi32, #tpu.memory_space<vmem>> -> memref<128xi32, #tpu.memory_space<vmem>>
        %dma_wait3A_123 = arith.constant 0 : i32
        %dma_wait3A_124 = arith.constant 0 : i32
        %dma_wait3A_125 = tpu.memref_slice %arg11[%dma_wait3A_123, %dma_wait3A_124] : memref<100096x8xf32, #tpu.memory_space<vmem_shared>> -> memref<100096x8xf32, #tpu.memory_space<vmem_shared>>
        tpu.wait_indirect_dma semaphore(%run_scoped3A_109 : memref<!tpu.dma_semaphore, #tpu.memory_space<semaphore_mem>>) src(%dma_wait3A_119 : memref<128x8xf32, #tpu.memory_space<vmem>>) dst(%dma_wait3A_125 : memref<100096x8xf32, #tpu.memory_space<vmem_shared>>)
        tpu.yield
      }) : () -> ()
      %run_scoped3A_105 = arith.constant 4 : i32
      "tpu.region"() ({
        %run_scoped3A_109 = tpu.sem_alloc : memref<!tpu.dma_semaphore, #tpu.memory_space<semaphore_mem>>
        %dma_start3A = arith.constant 512 : i32
        %dma_start3A_110 = arith.constant 0 : i32
        %dma_start3A_111 = tpu.memref_slice %arg10[%dma_start3A, %dma_start3A_110] : memref<1024x8xf32, #tpu.memory_space<vmem>> -> memref<128x8xf32, #tpu.memory_space<vmem>>
        %dma_start3A_112 = arith.constant 0 : i32
        %dma_start3A_113 = tpu.memref_slice %arg9[%run_scoped3A_105, %dma_start3A_112] : memref<8x128xi32, #tpu.memory_space<vmem>> -> memref<1x128xi32, #tpu.memory_space<vmem>>
        %dma_start3A_114 = tpu.memref_squeeze %dma_start3A_113 : memref<1x128xi32, #tpu.memory_space<vmem>> -> memref<128xi32, #tpu.memory_space<vmem>>
        %dma_start3A_115 = arith.constant 0 : i32
        %dma_start3A_116 = arith.constant 0 : i32
        %dma_start3A_117 = tpu.memref_slice %arg11[%dma_start3A_115, %dma_start3A_116] : memref<100096x8xf32, #tpu.memory_space<vmem_shared>> -> memref<100096x8xf32, #tpu.memory_space<vmem_shared>>
        tpu.enqueue_indirect_dma source(%dma_start3A_111 : memref<128x8xf32, #tpu.memory_space<vmem>>) target(%dma_start3A_117 : memref<100096x8xf32, #tpu.memory_space<vmem_shared>>) offsets(%dma_start3A_114 : memref<128xi32, #tpu.memory_space<vmem>>) semaphore(%run_scoped3A_109 : memref<!tpu.dma_semaphore, #tpu.memory_space<semaphore_mem>>) {add = true}
        %dma_wait3A = arith.constant 512 : i32
        %dma_wait3A_118 = arith.constant 0 : i32
        %dma_wait3A_119 = tpu.memref_slice %arg10[%dma_wait3A, %dma_wait3A_118] : memref<1024x8xf32, #tpu.memory_space<vmem>> -> memref<128x8xf32, #tpu.memory_space<vmem>>
        %dma_wait3A_120 = arith.constant 0 : i32
        %dma_wait3A_121 = tpu.memref_slice %arg9[%run_scoped3A_105, %dma_wait3A_120] : memref<8x128xi32, #tpu.memory_space<vmem>> -> memref<1x128xi32, #tpu.memory_space<vmem>>
        %dma_wait3A_122 = tpu.memref_squeeze %dma_wait3A_121 : memref<1x128xi32, #tpu.memory_space<vmem>> -> memref<128xi32, #tpu.memory_space<vmem>>
        %dma_wait3A_123 = arith.constant 0 : i32
        %dma_wait3A_124 = arith.constant 0 : i32
        %dma_wait3A_125 = tpu.memref_slice %arg11[%dma_wait3A_123, %dma_wait3A_124] : memref<100096x8xf32, #tpu.memory_space<vmem_shared>> -> memref<100096x8xf32, #tpu.memory_space<vmem_shared>>
        tpu.wait_indirect_dma semaphore(%run_scoped3A_109 : memref<!tpu.dma_semaphore, #tpu.memory_space<semaphore_mem>>) src(%dma_wait3A_119 : memref<128x8xf32, #tpu.memory_space<vmem>>) dst(%dma_wait3A_125 : memref<100096x8xf32, #tpu.memory_space<vmem_shared>>)
        tpu.yield
      }) : () -> ()
      %run_scoped3A_106 = arith.constant 5 : i32
      "tpu.region"() ({
        %run_scoped3A_109 = tpu.sem_alloc : memref<!tpu.dma_semaphore, #tpu.memory_space<semaphore_mem>>
        %dma_start3A = arith.constant 640 : i32
        %dma_start3A_110 = arith.constant 0 : i32
        %dma_start3A_111 = tpu.memref_slice %arg10[%dma_start3A, %dma_start3A_110] : memref<1024x8xf32, #tpu.memory_space<vmem>> -> memref<128x8xf32, #tpu.memory_space<vmem>>
        %dma_start3A_112 = arith.constant 0 : i32
        %dma_start3A_113 = tpu.memref_slice %arg9[%run_scoped3A_106, %dma_start3A_112] : memref<8x128xi32, #tpu.memory_space<vmem>> -> memref<1x128xi32, #tpu.memory_space<vmem>>
        %dma_start3A_114 = tpu.memref_squeeze %dma_start3A_113 : memref<1x128xi32, #tpu.memory_space<vmem>> -> memref<128xi32, #tpu.memory_space<vmem>>
        %dma_start3A_115 = arith.constant 0 : i32
        %dma_start3A_116 = arith.constant 0 : i32
        %dma_start3A_117 = tpu.memref_slice %arg11[%dma_start3A_115, %dma_start3A_116] : memref<100096x8xf32, #tpu.memory_space<vmem_shared>> -> memref<100096x8xf32, #tpu.memory_space<vmem_shared>>
        tpu.enqueue_indirect_dma source(%dma_start3A_111 : memref<128x8xf32, #tpu.memory_space<vmem>>) target(%dma_start3A_117 : memref<100096x8xf32, #tpu.memory_space<vmem_shared>>) offsets(%dma_start3A_114 : memref<128xi32, #tpu.memory_space<vmem>>) semaphore(%run_scoped3A_109 : memref<!tpu.dma_semaphore, #tpu.memory_space<semaphore_mem>>) {add = true}
        %dma_wait3A = arith.constant 640 : i32
        %dma_wait3A_118 = arith.constant 0 : i32
        %dma_wait3A_119 = tpu.memref_slice %arg10[%dma_wait3A, %dma_wait3A_118] : memref<1024x8xf32, #tpu.memory_space<vmem>> -> memref<128x8xf32, #tpu.memory_space<vmem>>
        %dma_wait3A_120 = arith.constant 0 : i32
        %dma_wait3A_121 = tpu.memref_slice %arg9[%run_scoped3A_106, %dma_wait3A_120] : memref<8x128xi32, #tpu.memory_space<vmem>> -> memref<1x128xi32, #tpu.memory_space<vmem>>
        %dma_wait3A_122 = tpu.memref_squeeze %dma_wait3A_121 : memref<1x128xi32, #tpu.memory_space<vmem>> -> memref<128xi32, #tpu.memory_space<vmem>>
        %dma_wait3A_123 = arith.constant 0 : i32
        %dma_wait3A_124 = arith.constant 0 : i32
        %dma_wait3A_125 = tpu.memref_slice %arg11[%dma_wait3A_123, %dma_wait3A_124] : memref<100096x8xf32, #tpu.memory_space<vmem_shared>> -> memref<100096x8xf32, #tpu.memory_space<vmem_shared>>
        tpu.wait_indirect_dma semaphore(%run_scoped3A_109 : memref<!tpu.dma_semaphore, #tpu.memory_space<semaphore_mem>>) src(%dma_wait3A_119 : memref<128x8xf32, #tpu.memory_space<vmem>>) dst(%dma_wait3A_125 : memref<100096x8xf32, #tpu.memory_space<vmem_shared>>)
        tpu.yield
      }) : () -> ()
      %run_scoped3A_107 = arith.constant 6 : i32
      "tpu.region"() ({
        %run_scoped3A_109 = tpu.sem_alloc : memref<!tpu.dma_semaphore, #tpu.memory_space<semaphore_mem>>
        %dma_start3A = arith.constant 768 : i32
        %dma_start3A_110 = arith.constant 0 : i32
        %dma_start3A_111 = tpu.memref_slice %arg10[%dma_start3A, %dma_start3A_110] : memref<1024x8xf32, #tpu.memory_space<vmem>> -> memref<128x8xf32, #tpu.memory_space<vmem>>
        %dma_start3A_112 = arith.constant 0 : i32
        %dma_start3A_113 = tpu.memref_slice %arg9[%run_scoped3A_107, %dma_start3A_112] : memref<8x128xi32, #tpu.memory_space<vmem>> -> memref<1x128xi32, #tpu.memory_space<vmem>>
        %dma_start3A_114 = tpu.memref_squeeze %dma_start3A_113 : memref<1x128xi32, #tpu.memory_space<vmem>> -> memref<128xi32, #tpu.memory_space<vmem>>
        %dma_start3A_115 = arith.constant 0 : i32
        %dma_start3A_116 = arith.constant 0 : i32
        %dma_start3A_117 = tpu.memref_slice %arg11[%dma_start3A_115, %dma_start3A_116] : memref<100096x8xf32, #tpu.memory_space<vmem_shared>> -> memref<100096x8xf32, #tpu.memory_space<vmem_shared>>
        tpu.enqueue_indirect_dma source(%dma_start3A_111 : memref<128x8xf32, #tpu.memory_space<vmem>>) target(%dma_start3A_117 : memref<100096x8xf32, #tpu.memory_space<vmem_shared>>) offsets(%dma_start3A_114 : memref<128xi32, #tpu.memory_space<vmem>>) semaphore(%run_scoped3A_109 : memref<!tpu.dma_semaphore, #tpu.memory_space<semaphore_mem>>) {add = true}
        %dma_wait3A = arith.constant 768 : i32
        %dma_wait3A_118 = arith.constant 0 : i32
        %dma_wait3A_119 = tpu.memref_slice %arg10[%dma_wait3A, %dma_wait3A_118] : memref<1024x8xf32, #tpu.memory_space<vmem>> -> memref<128x8xf32, #tpu.memory_space<vmem>>
        %dma_wait3A_120 = arith.constant 0 : i32
        %dma_wait3A_121 = tpu.memref_slice %arg9[%run_scoped3A_107, %dma_wait3A_120] : memref<8x128xi32, #tpu.memory_space<vmem>> -> memref<1x128xi32, #tpu.memory_space<vmem>>
        %dma_wait3A_122 = tpu.memref_squeeze %dma_wait3A_121 : memref<1x128xi32, #tpu.memory_space<vmem>> -> memref<128xi32, #tpu.memory_space<vmem>>
        %dma_wait3A_123 = arith.constant 0 : i32
        %dma_wait3A_124 = arith.constant 0 : i32
        %dma_wait3A_125 = tpu.memref_slice %arg11[%dma_wait3A_123, %dma_wait3A_124] : memref<100096x8xf32, #tpu.memory_space<vmem_shared>> -> memref<100096x8xf32, #tpu.memory_space<vmem_shared>>
        tpu.wait_indirect_dma semaphore(%run_scoped3A_109 : memref<!tpu.dma_semaphore, #tpu.memory_space<semaphore_mem>>) src(%dma_wait3A_119 : memref<128x8xf32, #tpu.memory_space<vmem>>) dst(%dma_wait3A_125 : memref<100096x8xf32, #tpu.memory_space<vmem_shared>>)
        tpu.yield
      }) : () -> ()
      %run_scoped3A_108 = arith.constant 7 : i32
      "tpu.region"() ({
        %run_scoped3A_109 = tpu.sem_alloc : memref<!tpu.dma_semaphore, #tpu.memory_space<semaphore_mem>>
        %dma_start3A = arith.constant 896 : i32
        %dma_start3A_110 = arith.constant 0 : i32
        %dma_start3A_111 = tpu.memref_slice %arg10[%dma_start3A, %dma_start3A_110] : memref<1024x8xf32, #tpu.memory_space<vmem>> -> memref<128x8xf32, #tpu.memory_space<vmem>>
        %dma_start3A_112 = arith.constant 0 : i32
        %dma_start3A_113 = tpu.memref_slice %arg9[%run_scoped3A_108, %dma_start3A_112] : memref<8x128xi32, #tpu.memory_space<vmem>> -> memref<1x128xi32, #tpu.memory_space<vmem>>
        %dma_start3A_114 = tpu.memref_squeeze %dma_start3A_113 : memref<1x128xi32, #tpu.memory_space<vmem>> -> memref<128xi32, #tpu.memory_space<vmem>>
        %dma_start3A_115 = arith.constant 0 : i32
        %dma_start3A_116 = arith.constant 0 : i32
        %dma_start3A_117 = tpu.memref_slice %arg11[%dma_start3A_115, %dma_start3A_116] : memref<100096x8xf32, #tpu.memory_space<vmem_shared>> -> memref<100096x8xf32, #tpu.memory_space<vmem_shared>>
        tpu.enqueue_indirect_dma source(%dma_start3A_111 : memref<128x8xf32, #tpu.memory_space<vmem>>) target(%dma_start3A_117 : memref<100096x8xf32, #tpu.memory_space<vmem_shared>>) offsets(%dma_start3A_114 : memref<128xi32, #tpu.memory_space<vmem>>) semaphore(%run_scoped3A_109 : memref<!tpu.dma_semaphore, #tpu.memory_space<semaphore_mem>>) {add = true}
        %dma_wait3A = arith.constant 896 : i32
        %dma_wait3A_118 = arith.constant 0 : i32
        %dma_wait3A_119 = tpu.memref_slice %arg10[%dma_wait3A, %dma_wait3A_118] : memref<1024x8xf32, #tpu.memory_space<vmem>> -> memref<128x8xf32, #tpu.memory_space<vmem>>
        %dma_wait3A_120 = arith.constant 0 : i32
        %dma_wait3A_121 = tpu.memref_slice %arg9[%run_scoped3A_108, %dma_wait3A_120] : memref<8x128xi32, #tpu.memory_space<vmem>> -> memref<1x128xi32, #tpu.memory_space<vmem>>
        %dma_wait3A_122 = tpu.memref_squeeze %dma_wait3A_121 : memref<1x128xi32, #tpu.memory_space<vmem>> -> memref<128xi32, #tpu.memory_space<vmem>>
        %dma_wait3A_123 = arith.constant 0 : i32
        %dma_wait3A_124 = arith.constant 0 : i32
        %dma_wait3A_125 = tpu.memref_slice %arg11[%dma_wait3A_123, %dma_wait3A_124] : memref<100096x8xf32, #tpu.memory_space<vmem_shared>> -> memref<100096x8xf32, #tpu.memory_space<vmem_shared>>
        tpu.wait_indirect_dma semaphore(%run_scoped3A_109 : memref<!tpu.dma_semaphore, #tpu.memory_space<semaphore_mem>>) src(%dma_wait3A_119 : memref<128x8xf32, #tpu.memory_space<vmem>>) dst(%dma_wait3A_125 : memref<100096x8xf32, #tpu.memory_space<vmem_shared>>)
        tpu.yield
      }) : () -> ()
    }
    %while3A_80 = arith.constant 1 : i32
    scf.for %while3A_86 = %while3A_78 to %while3A_74 step %while3A_80  : i32 {
      %mul3A_87 = arith.constant 32 : i32
      %mul3A_88 = arith.muli %while3A_86, %mul3A_87 : i32
      %add3A_89 = arith.addi %add3A, %mul3A_88 : i32
      %mul3A_90 = arith.constant 1024 : i32
      %mul3A_91 = arith.muli %add3A_89, %mul3A_90 : i32
      %mul3A_92 = arith.constant 4 : i32
      %mul3A_93 = arith.muli %mul3A_91, %mul3A_92 : i32
      "tpu.region"() ({
        %run_scoped3A_109 = tpu.sem_alloc : memref<!tpu.dma_semaphore, #tpu.memory_space<semaphore_mem>>
        %dma_start3A = tpu.memref_slice %arg2[%mul3A_93] : memref<12800000xf32, #tpu.memory_space<hbm>> -> memref<4096xf32, #tpu.memory_space<hbm>>
        %dma_start3A_110 = tpu.memref_slice %arg2[%mul3A_93] : memref<12800000xf32, #tpu.memory_space<hbm>> -> memref<4096xf32, #tpu.memory_space<hbm>>
        tpu.enqueue_dma source(%dma_start3A_110 : memref<4096xf32, #tpu.memory_space<hbm>>) target(%arg8 : memref<4096xf32, #tpu.memory_space<vmem>>) target_semaphore(%run_scoped3A_109 : memref<!tpu.dma_semaphore, #tpu.memory_space<semaphore_mem>>)
        %dma_wait3A = tpu.memref_slice %arg2[%mul3A_93] : memref<12800000xf32, #tpu.memory_space<hbm>> -> memref<4096xf32, #tpu.memory_space<hbm>>
        %dma_wait3A_111 = tpu.memref_slice %arg2[%mul3A_93] : memref<12800000xf32, #tpu.memory_space<hbm>> -> memref<4096xf32, #tpu.memory_space<hbm>>
        tpu.wait_dma2 semaphore(%run_scoped3A_109 : memref<!tpu.dma_semaphore, #tpu.memory_space<semaphore_mem>>) src(%dma_wait3A_111 : memref<4096xf32, #tpu.memory_space<hbm>>) dst(%arg8 : memref<4096xf32, #tpu.memory_space<vmem>>)
        tpu.yield
      }) : () -> ()
      %mul3A_94 = arith.constant 8 : i32
      %mul3A_95 = arith.muli %add3A_89, %mul3A_94 : i32
      %run_scoped3A = arith.constant 1 : i32
      "tpu.region"() ({
        %run_scoped3A_109 = tpu.sem_alloc : memref<!tpu.dma_semaphore, #tpu.memory_space<semaphore_mem>>
        %dma_start3A = arith.constant 0 : i32
        %dma_start3A_110 = tpu.memref_slice %arg4[%run_scoped3A, %mul3A_95, %dma_start3A] : memref<2x25000x128xi32, #tpu.memory_space<hbm>> -> memref<1x8x128xi32, #tpu.memory_space<hbm>>
        %dma_start3A_111 = tpu.memref_squeeze %dma_start3A_110 : memref<1x8x128xi32, #tpu.memory_space<hbm>> -> memref<8x128xi32, #tpu.memory_space<hbm>>
        %dma_start3A_112 = arith.constant 0 : i32
        %dma_start3A_113 = tpu.memref_slice %arg4[%run_scoped3A, %mul3A_95, %dma_start3A_112] : memref<2x25000x128xi32, #tpu.memory_space<hbm>> -> memref<1x8x128xi32, #tpu.memory_space<hbm>>
        %dma_start3A_114 = tpu.memref_squeeze %dma_start3A_113 : memref<1x8x128xi32, #tpu.memory_space<hbm>> -> memref<8x128xi32, #tpu.memory_space<hbm>>
        tpu.enqueue_dma source(%dma_start3A_114 : memref<8x128xi32, #tpu.memory_space<hbm>>) target(%arg9 : memref<8x128xi32, #tpu.memory_space<vmem>>) target_semaphore(%run_scoped3A_109 : memref<!tpu.dma_semaphore, #tpu.memory_space<semaphore_mem>>)
        %dma_wait3A = arith.constant 0 : i32
        %dma_wait3A_115 = tpu.memref_slice %arg4[%run_scoped3A, %mul3A_95, %dma_wait3A] : memref<2x25000x128xi32, #tpu.memory_space<hbm>> -> memref<1x8x128xi32, #tpu.memory_space<hbm>>
        %dma_wait3A_116 = tpu.memref_squeeze %dma_wait3A_115 : memref<1x8x128xi32, #tpu.memory_space<hbm>> -> memref<8x128xi32, #tpu.memory_space<hbm>>
        %dma_wait3A_117 = arith.constant 0 : i32
        %dma_wait3A_118 = tpu.memref_slice %arg4[%run_scoped3A, %mul3A_95, %dma_wait3A_117] : memref<2x25000x128xi32, #tpu.memory_space<hbm>> -> memref<1x8x128xi32, #tpu.memory_space<hbm>>
        %dma_wait3A_119 = tpu.memref_squeeze %dma_wait3A_118 : memref<1x8x128xi32, #tpu.memory_space<hbm>> -> memref<8x128xi32, #tpu.memory_space<hbm>>
        tpu.wait_dma2 semaphore(%run_scoped3A_109 : memref<!tpu.dma_semaphore, #tpu.memory_space<semaphore_mem>>) src(%dma_wait3A_119 : memref<8x128xi32, #tpu.memory_space<hbm>>) dst(%arg9 : memref<8x128xi32, #tpu.memory_space<vmem>>)
        tpu.yield
      }) : () -> ()
      %scan3A = arith.constant 0 : i32
      %scan3A_96 = arith.constant 0 : i32
      %scan3A_97 = arith.constant 64 : i32
      %scan3A_98 = arith.addi %scan3A_96, %scan3A_97 : i32
      %scan3A_99 = arith.constant 1 : i32
      scf.for %scan3A_109 = %scan3A_96 to %scan3A_98 step %scan3A_99  : i32 {
        %mul3A_110 = arith.constant 16 : i32
        %mul3A_111 = arith.muli %scan3A_109, %mul3A_110 : i32
        %add3A_112 = vector.broadcast %mul3A_111 : i32 to vector<16xi32>
        %add3A_113 = arith.addi %iota3A, %add3A_112 : vector<16xi32>
        %mul3A_114 = arith.constant 4 : i32
        %mul3A_115 = vector.broadcast %mul3A_114 : i32 to vector<16xi32>
        %mul3A_116 = arith.muli %add3A_113, %mul3A_115 : vector<16xi32>
        %add3A_117 = arith.constant 0 : i32
        %add3A_118 = vector.broadcast %add3A_117 : i32 to vector<16xi32>
        %add3A_119 = arith.addi %mul3A_116, %add3A_118 : vector<16xi32>
        %gather3A = tpu.vector_load_idx %arg8[%add3A_119] : memref<4096xf32, #tpu.memory_space<vmem>>[vector<16xi32>], vector<16xf32>,
        %add3A_120 = arith.constant 1 : i32
        %add3A_121 = vector.broadcast %add3A_120 : i32 to vector<16xi32>
        %add3A_122 = arith.addi %mul3A_116, %add3A_121 : vector<16xi32>
        %gather3A_123 = tpu.vector_load_idx %arg8[%add3A_122] : memref<4096xf32, #tpu.memory_space<vmem>>[vector<16xi32>], vector<16xf32>,
        %add3A_124 = arith.constant 2 : i32
        %add3A_125 = vector.broadcast %add3A_124 : i32 to vector<16xi32>
        %add3A_126 = arith.addi %mul3A_116, %add3A_125 : vector<16xi32>
        %gather3A_127 = tpu.vector_load_idx %arg8[%add3A_126] : memref<4096xf32, #tpu.memory_space<vmem>>[vector<16xi32>], vector<16xf32>,
        %add3A_128 = arith.constant 3 : i32
        %add3A_129 = vector.broadcast %add3A_128 : i32 to vector<16xi32>
        %add3A_130 = arith.addi %mul3A_116, %add3A_129 : vector<16xi32>
        %gather3A_131 = tpu.vector_load_idx %arg8[%add3A_130] : memref<4096xf32, #tpu.memory_space<vmem>>[vector<16xi32>], vector<16xf32>,
        %mul3A_132 = arith.mulf %get3A_7, %gather3A : vector<16xf32>
        %mul3A_133 = arith.mulf %get3A_11, %gather3A_123 : vector<16xf32>
        %add3A_134 = arith.addf %mul3A_132, %mul3A_133 : vector<16xf32>
        %mul3A_135 = arith.mulf %get3A_15, %gather3A_127 : vector<16xf32>
        %add3A_136 = arith.addf %add3A_134, %mul3A_135 : vector<16xf32>
        %mul3A_137 = arith.mulf %get3A_19, %gather3A_131 : vector<16xf32>
        %add3A_138 = arith.addf %add3A_136, %mul3A_137 : vector<16xf32>
        %exp3A = math.exp %add3A_138 : vector<16xf32>
        %mul3A_139 = arith.mulf %get3A_23, %gather3A : vector<16xf32>
        %mul3A_140 = arith.mulf %get3A_27, %gather3A_123 : vector<16xf32>
        %add3A_141 = arith.addf %mul3A_139, %mul3A_140 : vector<16xf32>
        %mul3A_142 = arith.mulf %get3A_31, %gather3A_127 : vector<16xf32>
        %add3A_143 = arith.addf %add3A_141, %mul3A_142 : vector<16xf32>
        %mul3A_144 = arith.mulf %get3A_35, %gather3A_131 : vector<16xf32>
        %add3A_145 = arith.addf %add3A_143, %mul3A_144 : vector<16xf32>
        %exp3A_146 = math.exp %add3A_145 : vector<16xf32>
        %mul3A_147 = arith.mulf %get3A_39, %gather3A : vector<16xf32>
        %mul3A_148 = arith.mulf %get3A_43, %gather3A_123 : vector<16xf32>
        %add3A_149 = arith.addf %mul3A_147, %mul3A_148 : vector<16xf32>
        %mul3A_150 = arith.mulf %get3A_47, %gather3A_127 : vector<16xf32>
        %add3A_151 = arith.addf %add3A_149, %mul3A_150 : vector<16xf32>
        %mul3A_152 = arith.mulf %get3A_51, %gather3A_131 : vector<16xf32>
        %add3A_153 = arith.addf %add3A_151, %mul3A_152 : vector<16xf32>
        %exp3A_154 = math.exp %add3A_153 : vector<16xf32>
        %mul3A_155 = arith.mulf %get3A_55, %gather3A : vector<16xf32>
        %mul3A_156 = arith.mulf %get3A_59, %gather3A_123 : vector<16xf32>
        %add3A_157 = arith.addf %mul3A_155, %mul3A_156 : vector<16xf32>
        %mul3A_158 = arith.mulf %get3A_63, %gather3A_127 : vector<16xf32>
        %add3A_159 = arith.addf %add3A_157, %mul3A_158 : vector<16xf32>
        %mul3A_160 = arith.mulf %get3A_67, %gather3A_131 : vector<16xf32>
        %add3A_161 = arith.addf %add3A_159, %mul3A_160 : vector<16xf32>
        %exp3A_162 = math.exp %add3A_161 : vector<16xf32>
        %broadcast_in_dim3A = arith.constant 0 : i32
        %broadcast_in_dim3A_163 = vector.broadcast %broadcast_in_dim3A : i32 to vector<16xi32>
        tpu.vector_store_idx %arg10[%add3A_113, %broadcast_in_dim3A_163], %exp3A : memref<1024x8xf32, #tpu.memory_space<vmem>>[vector<16xi32>, vector<16xi32>], vector<16xf32>,
        %broadcast_in_dim3A_164 = arith.constant 1 : i32
        %broadcast_in_dim3A_165 = vector.broadcast %broadcast_in_dim3A_164 : i32 to vector<16xi32>
        tpu.vector_store_idx %arg10[%add3A_113, %broadcast_in_dim3A_165], %exp3A_146 : memref<1024x8xf32, #tpu.memory_space<vmem>>[vector<16xi32>, vector<16xi32>], vector<16xf32>,
        %broadcast_in_dim3A_166 = arith.constant 2 : i32
        %broadcast_in_dim3A_167 = vector.broadcast %broadcast_in_dim3A_166 : i32 to vector<16xi32>
        tpu.vector_store_idx %arg10[%add3A_113, %broadcast_in_dim3A_167], %exp3A_154 : memref<1024x8xf32, #tpu.memory_space<vmem>>[vector<16xi32>, vector<16xi32>], vector<16xf32>,
        %broadcast_in_dim3A_168 = arith.constant 3 : i32
        %broadcast_in_dim3A_169 = vector.broadcast %broadcast_in_dim3A_168 : i32 to vector<16xi32>
        tpu.vector_store_idx %arg10[%add3A_113, %broadcast_in_dim3A_169], %exp3A_162 : memref<1024x8xf32, #tpu.memory_space<vmem>>[vector<16xi32>, vector<16xi32>], vector<16xf32>,
      }
      %scan3A_100 = arith.constant 64 : i32
      %run_scoped3A_101 = arith.constant 0 : i32
      "tpu.region"() ({
        %run_scoped3A_109 = tpu.sem_alloc : memref<!tpu.dma_semaphore, #tpu.memory_space<semaphore_mem>>
        %dma_start3A = arith.constant 0 : i32
        %dma_start3A_110 = arith.constant 0 : i32
        %dma_start3A_111 = tpu.memref_slice %arg10[%dma_start3A, %dma_start3A_110] : memref<1024x8xf32, #tpu.memory_space<vmem>> -> memref<128x8xf32, #tpu.memory_space<vmem>>
        %dma_start3A_112 = arith.constant 0 : i32
        %dma_start3A_113 = tpu.memref_slice %arg9[%run_scoped3A_101, %dma_start3A_112] : memref<8x128xi32, #tpu.memory_space<vmem>> -> memref<1x128xi32, #tpu.memory_space<vmem>>
        %dma_start3A_114 = tpu.memref_squeeze %dma_start3A_113 : memref<1x128xi32, #tpu.memory_space<vmem>> -> memref<128xi32, #tpu.memory_space<vmem>>
        %dma_start3A_115 = arith.constant 0 : i32
        %dma_start3A_116 = arith.constant 0 : i32
        %dma_start3A_117 = tpu.memref_slice %arg11[%dma_start3A_115, %dma_start3A_116] : memref<100096x8xf32, #tpu.memory_space<vmem_shared>> -> memref<100096x8xf32, #tpu.memory_space<vmem_shared>>
        tpu.enqueue_indirect_dma source(%dma_start3A_111 : memref<128x8xf32, #tpu.memory_space<vmem>>) target(%dma_start3A_117 : memref<100096x8xf32, #tpu.memory_space<vmem_shared>>) offsets(%dma_start3A_114 : memref<128xi32, #tpu.memory_space<vmem>>) semaphore(%run_scoped3A_109 : memref<!tpu.dma_semaphore, #tpu.memory_space<semaphore_mem>>) {add = true}
        %dma_wait3A = arith.constant 0 : i32
        %dma_wait3A_118 = arith.constant 0 : i32
        %dma_wait3A_119 = tpu.memref_slice %arg10[%dma_wait3A, %dma_wait3A_118] : memref<1024x8xf32, #tpu.memory_space<vmem>> -> memref<128x8xf32, #tpu.memory_space<vmem>>
        %dma_wait3A_120 = arith.constant 0 : i32
        %dma_wait3A_121 = tpu.memref_slice %arg9[%run_scoped3A_101, %dma_wait3A_120] : memref<8x128xi32, #tpu.memory_space<vmem>> -> memref<1x128xi32, #tpu.memory_space<vmem>>
        %dma_wait3A_122 = tpu.memref_squeeze %dma_wait3A_121 : memref<1x128xi32, #tpu.memory_space<vmem>> -> memref<128xi32, #tpu.memory_space<vmem>>
        %dma_wait3A_123 = arith.constant 0 : i32
        %dma_wait3A_124 = arith.constant 0 : i32
        %dma_wait3A_125 = tpu.memref_slice %arg11[%dma_wait3A_123, %dma_wait3A_124] : memref<100096x8xf32, #tpu.memory_space<vmem_shared>> -> memref<100096x8xf32, #tpu.memory_space<vmem_shared>>
        tpu.wait_indirect_dma semaphore(%run_scoped3A_109 : memref<!tpu.dma_semaphore, #tpu.memory_space<semaphore_mem>>) src(%dma_wait3A_119 : memref<128x8xf32, #tpu.memory_space<vmem>>) dst(%dma_wait3A_125 : memref<100096x8xf32, #tpu.memory_space<vmem_shared>>)
        tpu.yield
      }) : () -> ()
      %run_scoped3A_102 = arith.constant 1 : i32
      "tpu.region"() ({
        %run_scoped3A_109 = tpu.sem_alloc : memref<!tpu.dma_semaphore, #tpu.memory_space<semaphore_mem>>
        %dma_start3A = arith.constant 128 : i32
        %dma_start3A_110 = arith.constant 0 : i32
        %dma_start3A_111 = tpu.memref_slice %arg10[%dma_start3A, %dma_start3A_110] : memref<1024x8xf32, #tpu.memory_space<vmem>> -> memref<128x8xf32, #tpu.memory_space<vmem>>
        %dma_start3A_112 = arith.constant 0 : i32
        %dma_start3A_113 = tpu.memref_slice %arg9[%run_scoped3A_102, %dma_start3A_112] : memref<8x128xi32, #tpu.memory_space<vmem>> -> memref<1x128xi32, #tpu.memory_space<vmem>>
        %dma_start3A_114 = tpu.memref_squeeze %dma_start3A_113 : memref<1x128xi32, #tpu.memory_space<vmem>> -> memref<128xi32, #tpu.memory_space<vmem>>
        %dma_start3A_115 = arith.constant 0 : i32
        %dma_start3A_116 = arith.constant 0 : i32
        %dma_start3A_117 = tpu.memref_slice %arg11[%dma_start3A_115, %dma_start3A_116] : memref<100096x8xf32, #tpu.memory_space<vmem_shared>> -> memref<100096x8xf32, #tpu.memory_space<vmem_shared>>
        tpu.enqueue_indirect_dma source(%dma_start3A_111 : memref<128x8xf32, #tpu.memory_space<vmem>>) target(%dma_start3A_117 : memref<100096x8xf32, #tpu.memory_space<vmem_shared>>) offsets(%dma_start3A_114 : memref<128xi32, #tpu.memory_space<vmem>>) semaphore(%run_scoped3A_109 : memref<!tpu.dma_semaphore, #tpu.memory_space<semaphore_mem>>) {add = true}
        %dma_wait3A = arith.constant 128 : i32
        %dma_wait3A_118 = arith.constant 0 : i32
        %dma_wait3A_119 = tpu.memref_slice %arg10[%dma_wait3A, %dma_wait3A_118] : memref<1024x8xf32, #tpu.memory_space<vmem>> -> memref<128x8xf32, #tpu.memory_space<vmem>>
        %dma_wait3A_120 = arith.constant 0 : i32
        %dma_wait3A_121 = tpu.memref_slice %arg9[%run_scoped3A_102, %dma_wait3A_120] : memref<8x128xi32, #tpu.memory_space<vmem>> -> memref<1x128xi32, #tpu.memory_space<vmem>>
        %dma_wait3A_122 = tpu.memref_squeeze %dma_wait3A_121 : memref<1x128xi32, #tpu.memory_space<vmem>> -> memref<128xi32, #tpu.memory_space<vmem>>
        %dma_wait3A_123 = arith.constant 0 : i32
        %dma_wait3A_124 = arith.constant 0 : i32
        %dma_wait3A_125 = tpu.memref_slice %arg11[%dma_wait3A_123, %dma_wait3A_124] : memref<100096x8xf32, #tpu.memory_space<vmem_shared>> -> memref<100096x8xf32, #tpu.memory_space<vmem_shared>>
        tpu.wait_indirect_dma semaphore(%run_scoped3A_109 : memref<!tpu.dma_semaphore, #tpu.memory_space<semaphore_mem>>) src(%dma_wait3A_119 : memref<128x8xf32, #tpu.memory_space<vmem>>) dst(%dma_wait3A_125 : memref<100096x8xf32, #tpu.memory_space<vmem_shared>>)
        tpu.yield
      }) : () -> ()
      %run_scoped3A_103 = arith.constant 2 : i32
      "tpu.region"() ({
        %run_scoped3A_109 = tpu.sem_alloc : memref<!tpu.dma_semaphore, #tpu.memory_space<semaphore_mem>>
        %dma_start3A = arith.constant 256 : i32
        %dma_start3A_110 = arith.constant 0 : i32
        %dma_start3A_111 = tpu.memref_slice %arg10[%dma_start3A, %dma_start3A_110] : memref<1024x8xf32, #tpu.memory_space<vmem>> -> memref<128x8xf32, #tpu.memory_space<vmem>>
        %dma_start3A_112 = arith.constant 0 : i32
        %dma_start3A_113 = tpu.memref_slice %arg9[%run_scoped3A_103, %dma_start3A_112] : memref<8x128xi32, #tpu.memory_space<vmem>> -> memref<1x128xi32, #tpu.memory_space<vmem>>
        %dma_start3A_114 = tpu.memref_squeeze %dma_start3A_113 : memref<1x128xi32, #tpu.memory_space<vmem>> -> memref<128xi32, #tpu.memory_space<vmem>>
        %dma_start3A_115 = arith.constant 0 : i32
        %dma_start3A_116 = arith.constant 0 : i32
        %dma_start3A_117 = tpu.memref_slice %arg11[%dma_start3A_115, %dma_start3A_116] : memref<100096x8xf32, #tpu.memory_space<vmem_shared>> -> memref<100096x8xf32, #tpu.memory_space<vmem_shared>>
        tpu.enqueue_indirect_dma source(%dma_start3A_111 : memref<128x8xf32, #tpu.memory_space<vmem>>) target(%dma_start3A_117 : memref<100096x8xf32, #tpu.memory_space<vmem_shared>>) offsets(%dma_start3A_114 : memref<128xi32, #tpu.memory_space<vmem>>) semaphore(%run_scoped3A_109 : memref<!tpu.dma_semaphore, #tpu.memory_space<semaphore_mem>>) {add = true}
        %dma_wait3A = arith.constant 256 : i32
        %dma_wait3A_118 = arith.constant 0 : i32
        %dma_wait3A_119 = tpu.memref_slice %arg10[%dma_wait3A, %dma_wait3A_118] : memref<1024x8xf32, #tpu.memory_space<vmem>> -> memref<128x8xf32, #tpu.memory_space<vmem>>
        %dma_wait3A_120 = arith.constant 0 : i32
        %dma_wait3A_121 = tpu.memref_slice %arg9[%run_scoped3A_103, %dma_wait3A_120] : memref<8x128xi32, #tpu.memory_space<vmem>> -> memref<1x128xi32, #tpu.memory_space<vmem>>
        %dma_wait3A_122 = tpu.memref_squeeze %dma_wait3A_121 : memref<1x128xi32, #tpu.memory_space<vmem>> -> memref<128xi32, #tpu.memory_space<vmem>>
        %dma_wait3A_123 = arith.constant 0 : i32
        %dma_wait3A_124 = arith.constant 0 : i32
        %dma_wait3A_125 = tpu.memref_slice %arg11[%dma_wait3A_123, %dma_wait3A_124] : memref<100096x8xf32, #tpu.memory_space<vmem_shared>> -> memref<100096x8xf32, #tpu.memory_space<vmem_shared>>
        tpu.wait_indirect_dma semaphore(%run_scoped3A_109 : memref<!tpu.dma_semaphore, #tpu.memory_space<semaphore_mem>>) src(%dma_wait3A_119 : memref<128x8xf32, #tpu.memory_space<vmem>>) dst(%dma_wait3A_125 : memref<100096x8xf32, #tpu.memory_space<vmem_shared>>)
        tpu.yield
      }) : () -> ()
      %run_scoped3A_104 = arith.constant 3 : i32
      "tpu.region"() ({
        %run_scoped3A_109 = tpu.sem_alloc : memref<!tpu.dma_semaphore, #tpu.memory_space<semaphore_mem>>
        %dma_start3A = arith.constant 384 : i32
        %dma_start3A_110 = arith.constant 0 : i32
        %dma_start3A_111 = tpu.memref_slice %arg10[%dma_start3A, %dma_start3A_110] : memref<1024x8xf32, #tpu.memory_space<vmem>> -> memref<128x8xf32, #tpu.memory_space<vmem>>
        %dma_start3A_112 = arith.constant 0 : i32
        %dma_start3A_113 = tpu.memref_slice %arg9[%run_scoped3A_104, %dma_start3A_112] : memref<8x128xi32, #tpu.memory_space<vmem>> -> memref<1x128xi32, #tpu.memory_space<vmem>>
        %dma_start3A_114 = tpu.memref_squeeze %dma_start3A_113 : memref<1x128xi32, #tpu.memory_space<vmem>> -> memref<128xi32, #tpu.memory_space<vmem>>
        %dma_start3A_115 = arith.constant 0 : i32
        %dma_start3A_116 = arith.constant 0 : i32
        %dma_start3A_117 = tpu.memref_slice %arg11[%dma_start3A_115, %dma_start3A_116] : memref<100096x8xf32, #tpu.memory_space<vmem_shared>> -> memref<100096x8xf32, #tpu.memory_space<vmem_shared>>
        tpu.enqueue_indirect_dma source(%dma_start3A_111 : memref<128x8xf32, #tpu.memory_space<vmem>>) target(%dma_start3A_117 : memref<100096x8xf32, #tpu.memory_space<vmem_shared>>) offsets(%dma_start3A_114 : memref<128xi32, #tpu.memory_space<vmem>>) semaphore(%run_scoped3A_109 : memref<!tpu.dma_semaphore, #tpu.memory_space<semaphore_mem>>) {add = true}
        %dma_wait3A = arith.constant 384 : i32
        %dma_wait3A_118 = arith.constant 0 : i32
        %dma_wait3A_119 = tpu.memref_slice %arg10[%dma_wait3A, %dma_wait3A_118] : memref<1024x8xf32, #tpu.memory_space<vmem>> -> memref<128x8xf32, #tpu.memory_space<vmem>>
        %dma_wait3A_120 = arith.constant 0 : i32
        %dma_wait3A_121 = tpu.memref_slice %arg9[%run_scoped3A_104, %dma_wait3A_120] : memref<8x128xi32, #tpu.memory_space<vmem>> -> memref<1x128xi32, #tpu.memory_space<vmem>>
        %dma_wait3A_122 = tpu.memref_squeeze %dma_wait3A_121 : memref<1x128xi32, #tpu.memory_space<vmem>> -> memref<128xi32, #tpu.memory_space<vmem>>
        %dma_wait3A_123 = arith.constant 0 : i32
        %dma_wait3A_124 = arith.constant 0 : i32
        %dma_wait3A_125 = tpu.memref_slice %arg11[%dma_wait3A_123, %dma_wait3A_124] : memref<100096x8xf32, #tpu.memory_space<vmem_shared>> -> memref<100096x8xf32, #tpu.memory_space<vmem_shared>>
        tpu.wait_indirect_dma semaphore(%run_scoped3A_109 : memref<!tpu.dma_semaphore, #tpu.memory_space<semaphore_mem>>) src(%dma_wait3A_119 : memref<128x8xf32, #tpu.memory_space<vmem>>) dst(%dma_wait3A_125 : memref<100096x8xf32, #tpu.memory_space<vmem_shared>>)
        tpu.yield
      }) : () -> ()
      %run_scoped3A_105 = arith.constant 4 : i32
      "tpu.region"() ({
        %run_scoped3A_109 = tpu.sem_alloc : memref<!tpu.dma_semaphore, #tpu.memory_space<semaphore_mem>>
        %dma_start3A = arith.constant 512 : i32
        %dma_start3A_110 = arith.constant 0 : i32
        %dma_start3A_111 = tpu.memref_slice %arg10[%dma_start3A, %dma_start3A_110] : memref<1024x8xf32, #tpu.memory_space<vmem>> -> memref<128x8xf32, #tpu.memory_space<vmem>>
        %dma_start3A_112 = arith.constant 0 : i32
        %dma_start3A_113 = tpu.memref_slice %arg9[%run_scoped3A_105, %dma_start3A_112] : memref<8x128xi32, #tpu.memory_space<vmem>> -> memref<1x128xi32, #tpu.memory_space<vmem>>
        %dma_start3A_114 = tpu.memref_squeeze %dma_start3A_113 : memref<1x128xi32, #tpu.memory_space<vmem>> -> memref<128xi32, #tpu.memory_space<vmem>>
        %dma_start3A_115 = arith.constant 0 : i32
        %dma_start3A_116 = arith.constant 0 : i32
        %dma_start3A_117 = tpu.memref_slice %arg11[%dma_start3A_115, %dma_start3A_116] : memref<100096x8xf32, #tpu.memory_space<vmem_shared>> -> memref<100096x8xf32, #tpu.memory_space<vmem_shared>>
        tpu.enqueue_indirect_dma source(%dma_start3A_111 : memref<128x8xf32, #tpu.memory_space<vmem>>) target(%dma_start3A_117 : memref<100096x8xf32, #tpu.memory_space<vmem_shared>>) offsets(%dma_start3A_114 : memref<128xi32, #tpu.memory_space<vmem>>) semaphore(%run_scoped3A_109 : memref<!tpu.dma_semaphore, #tpu.memory_space<semaphore_mem>>) {add = true}
        %dma_wait3A = arith.constant 512 : i32
        %dma_wait3A_118 = arith.constant 0 : i32
        %dma_wait3A_119 = tpu.memref_slice %arg10[%dma_wait3A, %dma_wait3A_118] : memref<1024x8xf32, #tpu.memory_space<vmem>> -> memref<128x8xf32, #tpu.memory_space<vmem>>
        %dma_wait3A_120 = arith.constant 0 : i32
        %dma_wait3A_121 = tpu.memref_slice %arg9[%run_scoped3A_105, %dma_wait3A_120] : memref<8x128xi32, #tpu.memory_space<vmem>> -> memref<1x128xi32, #tpu.memory_space<vmem>>
        %dma_wait3A_122 = tpu.memref_squeeze %dma_wait3A_121 : memref<1x128xi32, #tpu.memory_space<vmem>> -> memref<128xi32, #tpu.memory_space<vmem>>
        %dma_wait3A_123 = arith.constant 0 : i32
        %dma_wait3A_124 = arith.constant 0 : i32
        %dma_wait3A_125 = tpu.memref_slice %arg11[%dma_wait3A_123, %dma_wait3A_124] : memref<100096x8xf32, #tpu.memory_space<vmem_shared>> -> memref<100096x8xf32, #tpu.memory_space<vmem_shared>>
        tpu.wait_indirect_dma semaphore(%run_scoped3A_109 : memref<!tpu.dma_semaphore, #tpu.memory_space<semaphore_mem>>) src(%dma_wait3A_119 : memref<128x8xf32, #tpu.memory_space<vmem>>) dst(%dma_wait3A_125 : memref<100096x8xf32, #tpu.memory_space<vmem_shared>>)
        tpu.yield
      }) : () -> ()
      %run_scoped3A_106 = arith.constant 5 : i32
      "tpu.region"() ({
        %run_scoped3A_109 = tpu.sem_alloc : memref<!tpu.dma_semaphore, #tpu.memory_space<semaphore_mem>>
        %dma_start3A = arith.constant 640 : i32
        %dma_start3A_110 = arith.constant 0 : i32
        %dma_start3A_111 = tpu.memref_slice %arg10[%dma_start3A, %dma_start3A_110] : memref<1024x8xf32, #tpu.memory_space<vmem>> -> memref<128x8xf32, #tpu.memory_space<vmem>>
        %dma_start3A_112 = arith.constant 0 : i32
        %dma_start3A_113 = tpu.memref_slice %arg9[%run_scoped3A_106, %dma_start3A_112] : memref<8x128xi32, #tpu.memory_space<vmem>> -> memref<1x128xi32, #tpu.memory_space<vmem>>
        %dma_start3A_114 = tpu.memref_squeeze %dma_start3A_113 : memref<1x128xi32, #tpu.memory_space<vmem>> -> memref<128xi32, #tpu.memory_space<vmem>>
        %dma_start3A_115 = arith.constant 0 : i32
        %dma_start3A_116 = arith.constant 0 : i32
        %dma_start3A_117 = tpu.memref_slice %arg11[%dma_start3A_115, %dma_start3A_116] : memref<100096x8xf32, #tpu.memory_space<vmem_shared>> -> memref<100096x8xf32, #tpu.memory_space<vmem_shared>>
        tpu.enqueue_indirect_dma source(%dma_start3A_111 : memref<128x8xf32, #tpu.memory_space<vmem>>) target(%dma_start3A_117 : memref<100096x8xf32, #tpu.memory_space<vmem_shared>>) offsets(%dma_start3A_114 : memref<128xi32, #tpu.memory_space<vmem>>) semaphore(%run_scoped3A_109 : memref<!tpu.dma_semaphore, #tpu.memory_space<semaphore_mem>>) {add = true}
        %dma_wait3A = arith.constant 640 : i32
        %dma_wait3A_118 = arith.constant 0 : i32
        %dma_wait3A_119 = tpu.memref_slice %arg10[%dma_wait3A, %dma_wait3A_118] : memref<1024x8xf32, #tpu.memory_space<vmem>> -> memref<128x8xf32, #tpu.memory_space<vmem>>
        %dma_wait3A_120 = arith.constant 0 : i32
        %dma_wait3A_121 = tpu.memref_slice %arg9[%run_scoped3A_106, %dma_wait3A_120] : memref<8x128xi32, #tpu.memory_space<vmem>> -> memref<1x128xi32, #tpu.memory_space<vmem>>
        %dma_wait3A_122 = tpu.memref_squeeze %dma_wait3A_121 : memref<1x128xi32, #tpu.memory_space<vmem>> -> memref<128xi32, #tpu.memory_space<vmem>>
        %dma_wait3A_123 = arith.constant 0 : i32
        %dma_wait3A_124 = arith.constant 0 : i32
        %dma_wait3A_125 = tpu.memref_slice %arg11[%dma_wait3A_123, %dma_wait3A_124] : memref<100096x8xf32, #tpu.memory_space<vmem_shared>> -> memref<100096x8xf32, #tpu.memory_space<vmem_shared>>
        tpu.wait_indirect_dma semaphore(%run_scoped3A_109 : memref<!tpu.dma_semaphore, #tpu.memory_space<semaphore_mem>>) src(%dma_wait3A_119 : memref<128x8xf32, #tpu.memory_space<vmem>>) dst(%dma_wait3A_125 : memref<100096x8xf32, #tpu.memory_space<vmem_shared>>)
        tpu.yield
      }) : () -> ()
      %run_scoped3A_107 = arith.constant 6 : i32
      "tpu.region"() ({
        %run_scoped3A_109 = tpu.sem_alloc : memref<!tpu.dma_semaphore, #tpu.memory_space<semaphore_mem>>
        %dma_start3A = arith.constant 768 : i32
        %dma_start3A_110 = arith.constant 0 : i32
        %dma_start3A_111 = tpu.memref_slice %arg10[%dma_start3A, %dma_start3A_110] : memref<1024x8xf32, #tpu.memory_space<vmem>> -> memref<128x8xf32, #tpu.memory_space<vmem>>
        %dma_start3A_112 = arith.constant 0 : i32
        %dma_start3A_113 = tpu.memref_slice %arg9[%run_scoped3A_107, %dma_start3A_112] : memref<8x128xi32, #tpu.memory_space<vmem>> -> memref<1x128xi32, #tpu.memory_space<vmem>>
        %dma_start3A_114 = tpu.memref_squeeze %dma_start3A_113 : memref<1x128xi32, #tpu.memory_space<vmem>> -> memref<128xi32, #tpu.memory_space<vmem>>
        %dma_start3A_115 = arith.constant 0 : i32
        %dma_start3A_116 = arith.constant 0 : i32
        %dma_start3A_117 = tpu.memref_slice %arg11[%dma_start3A_115, %dma_start3A_116] : memref<100096x8xf32, #tpu.memory_space<vmem_shared>> -> memref<100096x8xf32, #tpu.memory_space<vmem_shared>>
        tpu.enqueue_indirect_dma source(%dma_start3A_111 : memref<128x8xf32, #tpu.memory_space<vmem>>) target(%dma_start3A_117 : memref<100096x8xf32, #tpu.memory_space<vmem_shared>>) offsets(%dma_start3A_114 : memref<128xi32, #tpu.memory_space<vmem>>) semaphore(%run_scoped3A_109 : memref<!tpu.dma_semaphore, #tpu.memory_space<semaphore_mem>>) {add = true}
        %dma_wait3A = arith.constant 768 : i32
        %dma_wait3A_118 = arith.constant 0 : i32
        %dma_wait3A_119 = tpu.memref_slice %arg10[%dma_wait3A, %dma_wait3A_118] : memref<1024x8xf32, #tpu.memory_space<vmem>> -> memref<128x8xf32, #tpu.memory_space<vmem>>
        %dma_wait3A_120 = arith.constant 0 : i32
        %dma_wait3A_121 = tpu.memref_slice %arg9[%run_scoped3A_107, %dma_wait3A_120] : memref<8x128xi32, #tpu.memory_space<vmem>> -> memref<1x128xi32, #tpu.memory_space<vmem>>
        %dma_wait3A_122 = tpu.memref_squeeze %dma_wait3A_121 : memref<1x128xi32, #tpu.memory_space<vmem>> -> memref<128xi32, #tpu.memory_space<vmem>>
        %dma_wait3A_123 = arith.constant 0 : i32
        %dma_wait3A_124 = arith.constant 0 : i32
        %dma_wait3A_125 = tpu.memref_slice %arg11[%dma_wait3A_123, %dma_wait3A_124] : memref<100096x8xf32, #tpu.memory_space<vmem_shared>> -> memref<100096x8xf32, #tpu.memory_space<vmem_shared>>
        tpu.wait_indirect_dma semaphore(%run_scoped3A_109 : memref<!tpu.dma_semaphore, #tpu.memory_space<semaphore_mem>>) src(%dma_wait3A_119 : memref<128x8xf32, #tpu.memory_space<vmem>>) dst(%dma_wait3A_125 : memref<100096x8xf32, #tpu.memory_space<vmem_shared>>)
        tpu.yield
      }) : () -> ()
      %run_scoped3A_108 = arith.constant 7 : i32
      "tpu.region"() ({
        %run_scoped3A_109 = tpu.sem_alloc : memref<!tpu.dma_semaphore, #tpu.memory_space<semaphore_mem>>
        %dma_start3A = arith.constant 896 : i32
        %dma_start3A_110 = arith.constant 0 : i32
        %dma_start3A_111 = tpu.memref_slice %arg10[%dma_start3A, %dma_start3A_110] : memref<1024x8xf32, #tpu.memory_space<vmem>> -> memref<128x8xf32, #tpu.memory_space<vmem>>
        %dma_start3A_112 = arith.constant 0 : i32
        %dma_start3A_113 = tpu.memref_slice %arg9[%run_scoped3A_108, %dma_start3A_112] : memref<8x128xi32, #tpu.memory_space<vmem>> -> memref<1x128xi32, #tpu.memory_space<vmem>>
        %dma_start3A_114 = tpu.memref_squeeze %dma_start3A_113 : memref<1x128xi32, #tpu.memory_space<vmem>> -> memref<128xi32, #tpu.memory_space<vmem>>
        %dma_start3A_115 = arith.constant 0 : i32
        %dma_start3A_116 = arith.constant 0 : i32
        %dma_start3A_117 = tpu.memref_slice %arg11[%dma_start3A_115, %dma_start3A_116] : memref<100096x8xf32, #tpu.memory_space<vmem_shared>> -> memref<100096x8xf32, #tpu.memory_space<vmem_shared>>
        tpu.enqueue_indirect_dma source(%dma_start3A_111 : memref<128x8xf32, #tpu.memory_space<vmem>>) target(%dma_start3A_117 : memref<100096x8xf32, #tpu.memory_space<vmem_shared>>) offsets(%dma_start3A_114 : memref<128xi32, #tpu.memory_space<vmem>>) semaphore(%run_scoped3A_109 : memref<!tpu.dma_semaphore, #tpu.memory_space<semaphore_mem>>) {add = true}
        %dma_wait3A = arith.constant 896 : i32
        %dma_wait3A_118 = arith.constant 0 : i32
        %dma_wait3A_119 = tpu.memref_slice %arg10[%dma_wait3A, %dma_wait3A_118] : memref<1024x8xf32, #tpu.memory_space<vmem>> -> memref<128x8xf32, #tpu.memory_space<vmem>>
        %dma_wait3A_120 = arith.constant 0 : i32
        %dma_wait3A_121 = tpu.memref_slice %arg9[%run_scoped3A_108, %dma_wait3A_120] : memref<8x128xi32, #tpu.memory_space<vmem>> -> memref<1x128xi32, #tpu.memory_space<vmem>>
        %dma_wait3A_122 = tpu.memref_squeeze %dma_wait3A_121 : memref<1x128xi32, #tpu.memory_space<vmem>> -> memref<128xi32, #tpu.memory_space<vmem>>
        %dma_wait3A_123 = arith.constant 0 : i32
        %dma_wait3A_124 = arith.constant 0 : i32
        %dma_wait3A_125 = tpu.memref_slice %arg11[%dma_wait3A_123, %dma_wait3A_124] : memref<100096x8xf32, #tpu.memory_space<vmem_shared>> -> memref<100096x8xf32, #tpu.memory_space<vmem_shared>>
        tpu.wait_indirect_dma semaphore(%run_scoped3A_109 : memref<!tpu.dma_semaphore, #tpu.memory_space<semaphore_mem>>) src(%dma_wait3A_119 : memref<128x8xf32, #tpu.memory_space<vmem>>) dst(%dma_wait3A_125 : memref<100096x8xf32, #tpu.memory_space<vmem_shared>>)
        tpu.yield
      }) : () -> ()
    }
    %barrier3A_81 = arith.constant 0 : index
    tpu.barrier barrier_id(%barrier3A_81)
    %mul3A_82 = arith.constant 6256 : i32
    %mul3A_83 = arith.muli %arg1, %mul3A_82 : i32
    %mul3A_84 = arith.constant 6256 : i32
    %mul3A_85 = arith.muli %arg1, %mul3A_84 : i32
    "tpu.region"() ({
      %run_scoped3A = tpu.sem_alloc : memref<!tpu.dma_semaphore, #tpu.memory_space<semaphore_mem>>
      %dma_start3A = arith.constant 0 : i32
      %dma_start3A_86 = tpu.memref_slice %arg6[%arg0, %mul3A_85, %dma_start3A] : memref<2x100096x8xf32, #tpu.memory_space<hbm>> -> memref<1x6256x8xf32, #tpu.memory_space<hbm>>
      %dma_start3A_87 = tpu.memref_squeeze %dma_start3A_86 : memref<1x6256x8xf32, #tpu.memory_space<hbm>> -> memref<6256x8xf32, #tpu.memory_space<hbm>>
      %dma_start3A_88 = arith.constant 0 : i32
      %dma_start3A_89 = tpu.memref_slice %arg11[%mul3A_83, %dma_start3A_88] : memref<100096x8xf32, #tpu.memory_space<vmem_shared>> -> memref<6256x8xf32, #tpu.memory_space<vmem_shared>>
      tpu.enqueue_dma source(%dma_start3A_89 : memref<6256x8xf32, #tpu.memory_space<vmem_shared>>) target(%dma_start3A_87 : memref<6256x8xf32, #tpu.memory_space<hbm>>) target_semaphore(%run_scoped3A : memref<!tpu.dma_semaphore, #tpu.memory_space<semaphore_mem>>)
      %dma_wait3A = arith.constant 0 : i32
      %dma_wait3A_90 = tpu.memref_slice %arg6[%arg0, %mul3A_85, %dma_wait3A] : memref<2x100096x8xf32, #tpu.memory_space<hbm>> -> memref<1x6256x8xf32, #tpu.memory_space<hbm>>
      %dma_wait3A_91 = tpu.memref_squeeze %dma_wait3A_90 : memref<1x6256x8xf32, #tpu.memory_space<hbm>> -> memref<6256x8xf32, #tpu.memory_space<hbm>>
      %dma_wait3A_92 = arith.constant 0 : i32
      %dma_wait3A_93 = tpu.memref_slice %arg11[%mul3A_83, %dma_wait3A_92] : memref<100096x8xf32, #tpu.memory_space<vmem_shared>> -> memref<6256x8xf32, #tpu.memory_space<vmem_shared>>
      tpu.wait_dma2 semaphore(%run_scoped3A : memref<!tpu.dma_semaphore, #tpu.memory_space<semaphore_mem>>) src(%dma_wait3A_93 : memref<6256x8xf32, #tpu.memory_space<vmem_shared>>) dst(%dma_wait3A_91 : memref<6256x8xf32, #tpu.memory_space<hbm>>)
      tpu.yield
    }) : () -> ()
    return
  }
}

module attributes {stable_mosaic.version = 14 : i64} {
  func.func @_add_halves_body(%arg0: memref<2x6256x128xf32, #tpu.memory_space<vmem>>, %arg1: memref<6256x128xf32, #tpu.memory_space<vmem>>) attributes {dimension_semantics = [], scalar_prefetch = 0 : i64, scratch_operands = 0 : i64, tpu.core_type = #tpu.core_type<tc>} {
    %get3A = arith.constant 0 : index
    %get3A_0 = arith.constant 0 : index
    %get3A_1 = arith.constant 0 : index
    %get3A_2 = vector.load %arg0[%get3A, %get3A_0, %get3A_1] : memref<2x6256x128xf32, #tpu.memory_space<vmem>>, vector<1x6256x128xf32>
    %get3A_3 = vector.shape_cast %get3A_2 : vector<1x6256x128xf32> to vector<6256x128xf32>
    %get3A_4 = arith.constant 1 : index
    %get3A_5 = arith.constant 0 : index
    %get3A_6 = arith.constant 0 : index
    %get3A_7 = vector.load %arg0[%get3A_4, %get3A_5, %get3A_6] : memref<2x6256x128xf32, #tpu.memory_space<vmem>>, vector<1x6256x128xf32>
    %get3A_8 = vector.shape_cast %get3A_7 : vector<1x6256x128xf32> to vector<6256x128xf32>
    %add3A = arith.addf %get3A_3, %get3A_8 : vector<6256x128xf32>
    %swap3A = arith.constant 0 : index
    %swap3A_9 = arith.constant 0 : index
    %swap3A_10 = vector.load %arg1[%swap3A, %swap3A_9] : memref<6256x128xf32, #tpu.memory_space<vmem>>, vector<6256x128xf32>
    tpu.vector_store %arg1[%swap3A, %swap3A_9], %add3A {strides = array<i32>} : memref<6256x128xf32, #tpu.memory_space<vmem>>, vector<6256x128xf32>,
    return
  }
}

</mosaic_0001>

<sc_bundles>
// kernel: kernel.6.cloned.1.call-start
scs
__scs_entry_jumppad:
0x0: {  	(pc) =	sbr.rel $0x88, $3  }
0x1: {  	(tag) =	ssettag $0x0;
	lr =	simm.s32 $0x1  }
0x2: {  	[smem:$0x3F9E] =	sst lr;
	_ =	strace $0xD0000000  }
0x3: {  	_ = 	snop  }
0x4: {  	_ = 	snop  }
0x5: {  	_ = 	snop  }
0x6: {  	_ = 	snop  }
0x7: {  	_ = 	snop  }
__scs_overlays_trampoline_lowered:
0x8: {  	[smem:$0x3FAD] =	sst s0  }
0x9: {  	[smem:$0x3FAE] =	sst s1  }
0xa: {  	[smem:$0x3FAF] =	sst s2  }
0xb: {  	[smem:$0x3FB0] =	sst s3  }
0xc: {  	[smem:$0x3FB1] =	sst s4  }
0xd: {  	[smem:$0x3FB2] =	sst s5  }
0xe: {  	[smem:$0x3FB3] =	sst s6  }
0xf: {  	[smem:$0x3FB4] =	sst s7  }
0x10: {  	[smem:$0x3FB5] =	sst s8  }
0x11: {  	[smem:$0x3FB6] =	sst s9;
	s0 =	simm.s32 @!p0 $0x0  }
0x12: {  	s1 =	sld [smem:$0x3F9C];
	s0 =	simm.s32 @p0 $0x1  }
0x13: {  	[smem:$0x3FB7] =	sst s0;
	s0 =	simm.s32 @!p1 $0x0  }
0x14: {  	s2 =	sld [smem:$0x3F9B];
	s0 =	simm.s32 @p1 $0x1  }
0x15: {  	[smem:$0x3FB8] =	sst s0;
	s0 =	simm.s32 @!p2 $0x0  }
0x16: {  	s3 =	sld [smem:$0x3FDB];
	s0 =	simm.s32 @p2 $0x1  }
0x17: {  	s4 =	simm.s32 $0x1BF5;
	[smem:$0x3FBA] =	sst s0  }
0x18: {  	s0 =	sld [smem:$0x3F9D];
	_ =	swait.ge [sflag:s4], $0x0  }
0x19: {  	s7 =	sld [smem:$0x3F9E]  }
0x1a: {  	s8 =	sadd.s32 $0xFFFFE003, lr  }
0x1b: {  	s9 =	sadd.s32 $0xFFFFFEF7, lr;
	s5 =	simm.s32 $0xFFFFFFFF;
	p2 =	slt.u32 s8, $0xFFFFF086  }
0x1c: {  	p1 =	slt.u32 s9, $0xF7A;
	s5 =	simm.s32 @!p2 $0x0  }
0x1d: {  	s5 =	simm.s32 @p1 $0x1;
	p0 =	seq.s32 s7, s2  }
0x1e: {  	s7 =	smul.u32 @!p0 $0xF7A, s2;
	p2 =	seq.s32 @!p0 s5, $0x0  }
0x1f: {  	s9 =	smul.u32 $0xF7A, s1;
	s8 =	simm.s32 @!p0 $0x1BF5;
	p2 =	por !p2, p0  }
0x20: {  	[sflag:s8] =	ssyncset.s32 @!p0 $0xFFFFF086;
	s6 =	sadd.s32 @!p0 s3, s7;
	s7 =	simm.s32 @!p0 $0x108  }
0x21: {  	s3 =	sadd.s32 s3, s9;
	s6 =	sadd.s32 @!p0 $0x88, s6;
	s7 =	simm.s32 @p2 $0x1082  }
0x22: {  	[simem:s7], [sflag:s8] =	dma.local @!p0 [hbm:s6], $0xF7A  }
0x23: {  	s9 =	sor.u32 $0xD0000000, s2;
	s6 =	simm.s32 $0x108;
	_ =	swait.ge @!p0 [sflag:s8], $0x0  }
0x24: {  	s3 =	sadd.s32 $0x88, s3;
	s6 =	simm.s32 @!p1 $0x1082;
	[sflag:s4] =	ssyncset.s32 $0xFFFFF086  }
0x25: {  	[simem:s6], [sflag:s4] =	dma.local [hbm:s3], $0xF7A  }
0x26: {  	[smem:$0x3F9E] =	sst s1;
	(tag) =	ssettag s2;
	_ =	strace s9  }
0x27: {  	s1 =	sld [smem:$0x3FAE]  }
0x28: {  	s2 =	sld [smem:$0x3FAF]  }
0x29: {  	s4 =	sld [smem:$0x3FB1]  }
0x2a: {  	p0 =	seq.s32 s5, $0x0;
	s5 =	sld [smem:$0x3FB2]  }
0x2b: {  	s6 =	sld [smem:$0x3FB3]  }
0x2c: {  	s7 =	sld [smem:$0x3FB4]  }
0x2d: {  	s3 =	simm.s32 $0x108;
	s8 =	sld [smem:$0x3FB5]  }
0x2e: {  	s3 =	simm.s32 @!p0 $0x1082;
	s9 =	sld [smem:$0x3FB6]  }
0x2f: {  	lr =	sadd.s32 s0, s3;
	s0 =	sld [smem:$0x3FAD]  }
0x30: {  	s3 =	sld [smem:$0x3FB0]  }
0x31: {  	[smem:$0x3FB9] =	sst s10  }
0x32: {  	s10 =	sld [smem:$0x3FB7];
	_ =	sdelay $0x3  }
0x33: {  	p0 =	seq.s32 s10, $0x1;
	s10 =	sld [smem:$0x3FB9];
	_ =	sdelay $0x3  }
0x34: {  	[smem:$0x3FB9] =	sst s10  }
0x35: {  	s10 =	sld [smem:$0x3FB8];
	_ =	sdelay $0x3  }
0x36: {  	p1 =	seq.s32 s10, $0x1;
	s10 =	sld [smem:$0x3FB9];
	_ =	sdelay $0x3  }
0x37: {  	[smem:$0x3FB9] =	sst s10  }
0x38: {  	s10 =	sld [smem:$0x3FBA]  }
0x39: {  	_ = 	snop;
	(pc) =	sbr.ind lr, $3  }
0x3a: {  	_ = 	snop  }
0x3b: {  	_ = 	snop  }
0x3c: {  	p2 =	seq.s32 s10, $0x1;
	s10 =	sld [smem:$0x3FB9]  }
0x3d: {  	_ =	shalt  }
0x3e: {  	_ =	shalt  }
0x3f: {  	_ =	shalt  }
0x40: {  	_ =	shalt  }
0x41: {  	_ =	shalt  }
0x42: {  	_ =	shalt  }
0x43: {  	_ =	shalt  }
0x44: {  	_ =	shalt  }
0x45: {  	_ =	shalt  }
0x46: {  	_ =	shalt  }
0x47: {  	_ =	shalt  }
0x48: {  	_ =	shalt  }
0x49: {  	_ =	shalt  }
0x4a: {  	_ =	shalt  }
0x4b: {  	_ =	shalt  }
0x4c: {  	_ =	shalt  }
0x4d: {  	_ =	shalt  }
0x4e: {  	_ =	shalt  }
0x4f: {  	_ =	shalt  }
0x50: {  	_ =	shalt  }
0x51: {  	_ =	shalt  }
0x52: {  	_ =	shalt  }
0x53: {  	_ =	shalt  }
0x54: {  	_ =	shalt  }
0x55: {  	_ =	shalt  }
0x56: {  	_ =	shalt  }
0x57: {  	_ =	shalt  }
0x58: {  	_ =	shalt  }
0x59: {  	_ =	shalt  }
0x5a: {  	_ =	shalt  }
0x5b: {  	_ =	shalt  }
0x5c: {  	_ =	shalt  }
0x5d: {  	_ =	shalt  }
0x5e: {  	_ =	shalt  }
0x5f: {  	_ =	shalt  }
0x60: {  	_ =	shalt  }
0x61: {  	_ =	shalt  }
0x62: {  	_ =	shalt  }
0x63: {  	_ =	shalt  }
0x64: {  	_ =	shalt  }
0x65: {  	_ =	shalt  }
0x66: {  	_ =	shalt  }
0x67: {  	_ =	shalt  }
0x68: {  	_ =	shalt  }
0x69: {  	_ =	shalt  }
0x6a: {  	_ =	shalt  }
0x6b: {  	_ =	shalt  }
0x6c: {  	_ =	shalt  }
0x6d: {  	_ =	shalt  }
0x6e: {  	_ =	shalt  }
0x6f: {  	_ =	shalt  }
0x70: {  	_ =	shalt  }
0x71: {  	_ =	shalt  }
0x72: {  	_ =	shalt  }
0x73: {  	_ =	shalt  }
0x74: {  	_ =	shalt  }
0x75: {  	_ =	shalt  }
0x76: {  	_ =	shalt  }
0x77: {  	_ =	shalt  }
0x78: {  	_ =	shalt  }
0x79: {  	_ =	shalt  }
0x7a: {  	_ =	shalt  }
0x7b: {  	_ =	shalt  }
0x7c: {  	_ =	shalt  }
0x7d: {  	_ =	shalt  }
0x7e: {  	_ =	shalt  }
0x7f: {  	_ =	shalt  }
0x80: {  	_ =	shalt  }
0x81: {  	_ =	shalt  }
0x82: {  	_ =	shalt  }
0x83: {  	_ =	shalt  }
0x84: {  	_ =	shalt  }
0x85: {  	_ =	shalt  }
0x86: {  	_ =	shalt  }
0x87: {  	_ =	shalt  }
.Lfunc_end0:
.L_simem_size_0:
called_computation.1_lowered:
.L_overlay_start_0:
0x88: {  	s2 =	sld [smem:$0x3FD9]  }
0x89: {  	s3 =	sld [smem:$0x3FFE];
	_ =	sdelay $0x1  }
0x8a: {  	s1 =	srdreg.scid  }
0x8b: {  	s0 =	sand.u32 $0x1, s1  }
0x8c: {  	s17 =	sshll.u32 s0, $0xA;
	s2 =	sadd.s32 s3, s2  }
0x8d: {  	s2 =	sadd.s32 s2, s17  }
0x8e: {  	[smem:$0x3FC5] =	sst s2  }
0x8f: {  	_ = 	snop  }
0x90: {  	s2 =	sld [smem:$0x3FD0];
	(tm) =	ssettm $0x1  }
0x91: {  	s18 =	sld [smem:$0x3FFB];
	_ =	sdelay $0x3  }
0x92: {  	_ =	strace s18  }
0x93: {  	s3 =	sld [smem:$0x3FFC];
	_ =	sdelay $0x3  }
0x94: {  	_ =	strace s3  }
0x95: {  	s3 =	sld [smem:$0x3FFD];
	_ =	sdelay $0x3  }
0x96: {  	_ =	strace s3  }
0x97: {  	_ =	strace $0x8FFFFFFF  }
0x98: {  	s19 =	sld [smem:$0x3FDB];
	_ =	sdelay $0x1  }
0x99: {  	s4 =	simm.s32 $_scs_section_size  }
0x9a: {  	s5 =	simm.s32 $_size__tile_overlayer_lowered;
	s6 =	simm.s32 $_tile_overlayer_lowered  }
0x9b: {  	s22 =	simm.s32 $0x1BFF;
	s21 =	sshll.u32 s6, $0x1;
	s3 =	sadd.s32 s4, s19  }
0x9c: {  	s7 =	simm.s32 $0x0;
	s20 =	sshll.u32 s5, $0x1;
	s5 =	sadd.s32 s21, s3  }
0x9d: {  	[timem:s7], [sflag:s22] =	dma.local [hbm:s5], s20  }
0x9e: {  	_ =	swait.ge [sflag:s22], s20  }
0x9f: {  	s4 =	ssub.s32 $0x0, s20;
	[sflag:s22] =	ssyncset.done $0x0  }
0xa0: {  	[sflag:s22] =	ssyncadd.s32 s4;
	_ =	sdelay $0x1  }
0xa1: {  	s23 =	simm.s32 $0x1B8B  }
0xa2: {  	_ =	swait.ge [sflag:s23], $0x1  }
0xa3: {  	[sflag:s23] =	ssyncset.done $0x0  }
0xa4: {  	s25 =	simm.s32 $0x1B8E;
	s24 =	sld [smem:$0x3FFE];
	[sflag:s23] =	ssyncadd.s32 $0xFFFFFFFF  }
0xa5: {  	s26 =	simm.s32 $execute0_lowered;
	[smem:$0x3FD2] =	sst s25  }
0xa6: {  	s5 =	sshll.u32 s26, $0x1;
	_ =	strace $0x80000049;
	[dreg:$0x1] =	wrdreg $0xFFFFFFFF  }
0xa7: {  	s28 =	simm.s32 $_size_execute0_lowered;
	s3 =	sadd.s32 s3, s5;
	[dreg:$0x0] =	wrdreg $0x0  }
0xa8: {  	s5 =	sshll.u32 s28, $0x1;
	[dreg:$0x2] =	wrdreg s3  }
0xa9: {  	[dreg:$0x3] =	wrdreg s5  }
0xaa: {  	[dreg:$0x4] =	wrdreg $0xC0  }
0xab: {  	_ =	task [dreg:s7], $0x5FFFF  }
0xac: {  	[dreg:$0x1] =	wrdreg $0xFFFFFFFF  }
0xad: {  	[dreg:$0x0] =	wrdreg $0x60  }
0xae: {  	[dreg:$0x2] =	wrdreg s24  }
0xaf: {  	[dreg:$0x3] =	wrdreg s2  }
0xb0: {  	[dreg:$0x4] =	wrdreg $0x35000  }
0xb1: {  	[dreg:$0x5] =	wrdreg $0x9  }
0xb2: {  	_ =	task.clear_ibuf [dreg:s7], $0x6FFFF;
	_ =	strace $0x90000049  }
0xb3: {  	s29 =	simm.s32 $0x9;
	_ =	strace $0x8000004B  }
0xb4: {  	_ =	swait.ge [sflag:s29], $0x1  }
0xb5: {  	[sflag:s29] =	ssyncadd.s32 $0xFFFFFFFF  }
0xb6: {  	_ =	strace $0x9000004B  }
0xb7: {  	_ =	sfence  }
0xb8: {  	s30 =	sld [smem:$0x0];
	_ =	sdelay $0x2  }
0xb9: {  	s31 =	sshll.u32 s1, $0xD;
	s1 =	sshrl.u32 s1, $0x2  }
0xba: {  	s3 =	sand.u32 $0x4000, s31;
	s1 =	sadd.s32 s1, s30  }
0xbb: {  	s0 =	sor.u32 s3, s0;
	s1 =	sshll.u32 s1, $0x11  }
0xbc: {  	s0 =	sor.u32 s1, s0  }
0xbd: {  	s0 =	sadd.s32 $0x8F2B, s0  }
0xbe: {  	[sflag:s0] =	ssyncadd.remote.s32 $0x1  }
0xbf: {  	_ =	sfence.sel $0xFFFF  }
0xc0: {  	[dreg:$0x0] =	wrdreg $0xFFFFFFFF;
	(pc) =	sbr.abs _section_cstart, $3  }
0xc1: {  	[dreg:$0x1] =	wrdreg $0xFFFFFFFF  }
0xc2: {  	_ =	task.clear_ibuf [dreg:s7], $0x2FFFF;
	_ =	strace $0x9FFFFFFF  }
0xc3: {  	(tm) =	ssettm $0x7FFFFFFF  }
tec
execute0_lowered:
.L_overlay_start_1:
0x0: {  	(tag) =	ssettag $0x1  }
0x1: {  	s0 =	rddreg [dreg:$0x0]  }
0x2: {  	s3 =	rddreg [dreg:$0x2]  }
0x3: {  	s2 =	simm.s32 $0x0;
	s11 =	stileid.u32;
	s1 =	srdreg.scid  }
0x4: {  	s14 =	simm.s32 $0x1;
	s15 =	simm.s32 $0x100;
	s16 =	simm.s32 $0x1100  }
0x5: {  	s17 =	simm.s32 $0x1500;
	s18 =	simm.s32 $0x80;
	s19 =	simm.s32 $0x1180  }
0x6: {  	s28 =	simm.s32 $0x1380;
	s29 =	simm.s32 $0x2900;
	s30 =	simm.s32 $0x1400  }
0x7: {  	s31 =	simm.s32 $0x2D00;
	s12 =	simm.s32 $0x0;
	[smem:$0x7FF] =	sst s2  }
0x8: {  	s20 =	smul.u32 $0xC380, s11;
	s1 =	sand.u32 $0x1, s1;
	s5 =	sadd.s32 $0x1600, s0  }
0x9: {  	s6 =	sadd.s32 $0x325C000, s0;
	s10 =	sshll.u32 s11, $0x1;
	s25 =	sshll.u32 s11, $0x6  }
0xa: {  	s2 =	simm.s32 $0x0;
	s4 =	smul.u32 $0xC3800, s1;
	s21 =	ssub.s32 $0x2, s1  }
0xb: {  	_ =	strace $0x8000004A;
	s7 =	sshrl.u32 s20, $0x3;
	s9 =	sshrl.u32 s21, $0x1  }
0xc: {  	s23 =	sadd.s32 s20, s3;
	s8 =	sadd.s32 s7, s0;
	s4 =	sadd.s32 s20, s4  }
0xd: {  	s22 =	ssub.s32 s21, s9;
	s7 =	sor.u32 s1, s10;
	s9 =	sor.u32 $0x1C01, s25  }
0xe: {  	s10 =	simm.s32 $0x62;
	s13 =	sshrl.u32 s23, $0x3;
	s20 =	simm.s32 $0x1900  }
0xf: {  	s21 =	simm.s32 $0x1200;
	s23 =	simm.s32 $0x1280;
	s25 =	simm.s32 $0x1300  }
0x10: {  	s1 =	simm.s32 $0x3100;
	s4 =	sshrl.u32 s4, $0x3;
	s24 =	sadd.s32 $0x188000, s8  }
0x11: {  	p0 =	slt.u32 s7, $0x15;
	s26 =	smax.u32 s22, $0x1;
	s22 =	simm.s32 $0x1D00  }
0x12: {  	s0 =	sadd.s32 s4, s0;
	[dreg:$0x4] =	wrdreg s24;
	s10 =	simm.s32 @!p0 $0x61  }
0x13: {  	[dreg:$0x6] =	wrdreg s26;
	s24 =	simm.s32 $0x2100;
	s0 =	sadd.s32 $0x1A0800, s0  }
0x14: {  	v0 =	vlaneseq.u32;
	s26 =	simm.s32 $0x2500;
	[dreg:$0x5] =	wrdreg s0;
	s0 =	simm.s32 $0x1480  }
.LBB2_1:
0x15: {  	s4 =	rddreg [dreg:$0x4]  }
0x16: {  	[spmem:s13], [sflag:s9] =	dma.local [hbm:s4], $0x1870  }
0x17: {  	_ =	swait.ge [sflag:s14], $0x1870  }
0x18: {  	[sflag:s14] =	ssyncset.done $0x0  }
0x19: {  	[sflag:s14] =	ssyncadd.s32 $0xFFFFE790  }
0x1a: {  	s8 =	simm.s32 $0x0;
	s11 =	rddreg [dreg:$0x1]  }
0x1b: {  	[tilespmem:s8], [sflag:$0x1] =	stream.linear.gather [hbm4b:s11+s8], $0x100, $0x38;
	[tilespmem:$0xF880] =	vst v63  }
0x1c: {  	_ =	swait.ge [sflag:s14], $0x100  }
0x1d: {  	[sflag:s14] =	ssyncset.done $0x0  }
0x1e: {  	[sflag:s14] =	ssyncadd.s32 $0xFFFFFF00  }
0x1f: {  	[bflag:$0x0] =	sbarrier.arrive $0xFFFF  }
0x20: {  	v1 =	vld [tilespmem:$0x0]  }
0x21: {  	v2 =	vld [tilespmem:$0x10]  }
0x22: {  	v3 =	vld [tilespmem:$0x20]  }
0x23: {  	v4 =	vld [tilespmem:$0x30]  }
0x24: {  	v5 =	vld [tilespmem:$0x40]  }
0x25: {  	v6 =	vld [tilespmem:$0x50]  }
0x26: {  	v7 =	vld [tilespmem:$0x60]  }
0x27: {  	v8 =	vld [tilespmem:$0x70]  }
0x28: {  	v9 =	vld [tilespmem:$0x80]  }
0x29: {  	v10 =	vld [tilespmem:$0x90]  }
0x2a: {  	v11 =	vld [tilespmem:$0xA0]  }
0x2b: {  	v12 =	vld [tilespmem:$0xB0]  }
0x2c: {  	v13 =	vld [tilespmem:$0xC0]  }
0x2d: {  	v14 =	vld [tilespmem:$0xD0]  }
0x2e: {  	v15 =	vld [tilespmem:$0xE0]  }
0x2f: {  	s4 =	simm.s32 $0x0;
	v16 =	vld [tilespmem:$0xF0]  }
.LBB2_2:
0x30: {  	s8 =	sshll.u32 s4, $0x5  }
0x31: {  	s8 =	sor.u32 s7, s8  }
0x32: {  	s11 =	sshll.u32 s8, $0x9  }
0x33: {  	s8 =	sshll.u32 s8, $0x7;
	s11 =	sadd.s32 s5, s11  }
0x34: {  	[tilespmem:s15], [sflag:$0x1] =	stream.linear.gather [hbm4b:s11+s12], $0x1000, $0x38;
	[tilespmem:$0xF880] =	vst v63  }
0x35: {  	v18 =	vor.u32 s12, v0;
	s8 =	sand.u32 $0x1FFFFF80, s8;
	_ =	swait.ge [sflag:s14], $0x1000  }
0x36: {  	v17 =	vshll.u32 v18, $0x2;
	s8 =	sadd.s32 s6, s8;
	[sflag:s14] =	ssyncset.done $0x0  }
0x37: {  	v19 =	vor.u32 $0x1, v17;
	s8 =	sadd.s32 $0x61A80, s8;
	[sflag:s14] =	ssyncadd.s32 $0xFFFFF000  }
0x38: {  	[tilespmem:s16], [sflag:$0x1] =	stream.linear.gather [hbm4b:s8+s12], $0x400, $0x38;
	[tilespmem:$0xF880] =	vst v63  }
0x39: {  	_ =	swait.ge [sflag:s14], $0x400  }
0x3a: {  	v20 =	vor.u32 $0x2, v17;
	[sflag:s14] =	ssyncset.done $0x0  }
0x3b: {  	[sflag:s14] =	ssyncadd.s32 $0xFFFFFC00  }
0x3c: {  	v21 =	vor.u32 $0x3, v17;
	v19 =	vld.idx.msk [tilespmem:v19+s15+$0x0], $0xffff  }
0x3d: {  	v17 =	vld.idx.msk [tilespmem:v17+s15+$0x0], $0xffff;
	_ =	sdelay $0x1  }
0x3e: {  	v20 =	vld.idx.msk [tilespmem:v20+s15+$0x0], $0xffff;
	_ =	sdelay $0x1  }
0x3f: {  	v21 =	vld.idx.msk [tilespmem:v21+s15+$0x0], $0xffff  }
0x40: {  	v22 =	vmul.f32 v19, v2;
	v23 =	vmul.f32 v17, v1;
	_ =	sdelay $0x1  }
0x41: {  	v22 =	vadd.f32 v22, v23;
	v23 =	vmul.f32 v20, v3  }
0x42: {  	v25 =	vmul.f32 v17, v5;
	v26 =	vmul.f32 v19, v6  }
0x43: {  	v27 =	vmul.f32 v21, v4;
	v22 =	vadd.f32 v23, v22  }
0x44: {  	v24 =	vmul.f32 v19, v10;
	v25 =	vadd.f32 v26, v25;
	v26 =	vmul.f32 v20, v7  }
0x45: {  	v23 =	vmul.f32 v17, v13;
	v17 =	vmul.f32 v17, v9;
	v22 =	vadd.f32 v27, v22  }
0x46: {  	v19 =	vmul.f32 v19, v14;
	v25 =	vadd.f32 v26, v25;
	v27 =	vmul.f32 v20, v11  }
0x47: {  	v17 =	vadd.f32 v24, v17;
	v24 =	vmul.f32 v21, v8;
	v22 =	vmul.f32 $1.442695020e+00, v22  }
0x48: {  	v19 =	vadd.f32 v19, v23;
	v20 =	vmul.f32 v20, v15;
	v23 =	vmul.f32 v21, v12  }
0x49: {  	v17 =	vadd.f32 v27, v17;
	(erf) = vpow2.f32 v22;
	v22 =	vadd.f32 v24, v25  }
0x4a: {  	v19 =	vadd.f32 v20, v19;
	v20 =	vmul.f32 v21, v16  }
0x4b: {  	v17 =	vadd.f32 v23, v17;
	v21 =	vmul.f32 $1.442695020e+00, v22  }
0x4c: {  	v19 =	vadd.f32 v20, v19  }
0x4d: {  	v17 =	vmul.f32 $1.442695020e+00, v17;
	(erf) = vpow2.f32 v21  }
0x4e: {  	v19 =	vmul.f32 $1.442695020e+00, v19  }
0x4f: {  	(erf) = vpow2.f32 v17  }
0x50: {  	(erf) = vpow2.f32 v19;
	_ =	sdelay $0x1  }
0x51: {  	s11 =	simm.s32 $0x10;
	v22 =	vshll.u32 v18, $0x3  }
0x52: {  	v24 =	vor.u32 $0x1, v22;
	v17 =	vor.u32 s11, v0  }
0x53: {  	v23 =	vor.u32 $0x2, v22;
	v25 =	vor.u32 $0x3, v22;
	v18 =	vshll.u32 v17, $0x2  }
0x54: {  	s8 =	simm.s32 $0x20;
	v21 =	vor.u32 $0x1, v18;
	v19 =	vor.u32 $0x2, v18;
	v20 =	vor.u32 $0x3, v18;
	v26 =	vpop (erf)  }
.LBB2_3:
0x55: {  	p0 =	sne.s32 s8, $0x3F0;
	v27 =	vpop (erf);
	s11 =	smov.u32 s8;
	s8 =	sadd.s32 $0x10, s8  }
0x56: {  	[tilespmem:v22+s17+$0x0] =	vst.idx.msk $0xffff, v26  }
0x57: {  	[tilespmem:v24+s17+$0x0] =	vst.idx.msk $0xffff, v27;
	v22 =	vpop (erf)  }
0x58: {  	[tilespmem:v23+s17+$0x0] =	vst.idx.msk $0xffff, v22;
	v22 =	vpop (erf)  }
0x59: {  	[tilespmem:v25+s17+$0x0] =	vst.idx.msk $0xffff, v22  }
0x5a: {  	v21 =	vld.idx.msk [tilespmem:v21+s15+$0x0], $0xffff  }
0x5b: {  	v18 =	vld.idx.msk [tilespmem:v18+s15+$0x0], $0xffff  }
0x5c: {  	v20 =	vld.idx.msk [tilespmem:v20+s15+$0x0], $0xffff  }
0x5d: {  	v19 =	vld.idx.msk [tilespmem:v19+s15+$0x0], $0xffff;
	_ =	sdelay $0x2  }
0x5e: {  	v22 =	vmul.f32 v21, v2;
	v23 =	vmul.f32 v21, v10  }
0x5f: {  	v24 =	vmul.f32 v18, v1;
	v25 =	vmul.f32 v18, v13  }
0x60: {  	v27 =	vmul.f32 v21, v6;
	v26 =	vmul.f32 v18, v5  }
0x61: {  	v18 =	vmul.f32 v18, v9;
	v22 =	vadd.f32 v22, v24;
	v24 =	vmul.f32 v19, v3  }
0x62: {  	v28 =	vmul.f32 v20, v4;
	v26 =	vadd.f32 v27, v26;
	v27 =	vmul.f32 v19, v7  }
0x63: {  	v21 =	vmul.f32 v21, v14;
	v22 =	vadd.f32 v24, v22;
	v24 =	vmul.f32 v19, v11  }
0x64: {  	v18 =	vadd.f32 v23, v18;
	v26 =	vadd.f32 v27, v26;
	v27 =	vmul.f32 v20, v8  }
0x65: {  	v21 =	vadd.f32 v21, v25;
	v19 =	vmul.f32 v19, v15;
	v22 =	vadd.f32 v28, v22  }
0x66: {  	v23 =	vadd.f32 v27, v26;
	v18 =	vadd.f32 v24, v18;
	v24 =	vmul.f32 v20, v12  }
0x67: {  	v19 =	vadd.f32 v19, v21;
	v20 =	vmul.f32 v20, v16;
	v22 =	vmul.f32 $1.442695020e+00, v22  }
0x68: {  	v21 =	vmul.f32 $1.442695020e+00, v23;
	v18 =	vadd.f32 v24, v18  }
0x69: {  	v19 =	vadd.f32 v20, v19;
	(erf) = vpow2.f32 v22  }
0x6a: {  	v18 =	vmul.f32 $1.442695020e+00, v18;
	(erf) = vpow2.f32 v21  }
0x6b: {  	v19 =	vmul.f32 $1.442695020e+00, v19  }
0x6c: {  	(erf) = vpow2.f32 v18  }
0x6d: {  	(erf) = vpow2.f32 v19  }
.Ltmp0:
0x6e: {  	(pc) =	sbr.rel @p0 .LBB2_3-.Ltmp0, $4  }
0x6f: {  	v22 =	vshll.u32 v17, $0x3;
	v17 =	vor.u32 s11, v0  }
0x70: {  	v24 =	vor.u32 $0x1, v22;
	v23 =	vor.u32 $0x2, v22;
	v18 =	vshll.u32 v17, $0x2  }
0x71: {  	v21 =	vor.u32 $0x1, v18;
	v19 =	vor.u32 $0x2, v18;
	v20 =	vor.u32 $0x3, v18  }
0x72: {  	v25 =	vor.u32 $0x3, v22;
	v26 =	vpop (erf)  }
0x73: {  	_ =	sdelay $0x3  }
0x74: {  	v27 =	vpop (erf);
	[tilespmem:v22+s17+$0x0] =	vst.idx.msk $0xffff, v26  }
0x75: {  	[tilespmem:v24+s17+$0x0] =	vst.idx.msk $0xffff, v27;
	v48 =	vpop (erf)  }
0x76: {  	[tilespmem:v23+s17+$0x0] =	vst.idx.msk $0xffff, v48;
	v49 =	vpop (erf)  }
0x77: {  	[tilespmem:v25+s17+$0x0] =	vst.idx.msk $0xffff, v49  }
0x78: {  	v21 =	vld.idx.msk [tilespmem:v21+s15+$0x0], $0xffff  }
0x79: {  	v18 =	vld.idx.msk [tilespmem:v18+s15+$0x0], $0xffff;
	_ =	sdelay $0x1  }
0x7a: {  	v19 =	vld.idx.msk [tilespmem:v19+s15+$0x0], $0xffff  }
0x7b: {  	v20 =	vld.idx.msk [tilespmem:v20+s15+$0x0], $0xffff  }
0x7c: {  	v50 =	vmul.f32 v21, v2;
	v51 =	vmul.f32 v21, v10  }
0x7d: {  	v52 =	vmul.f32 v18, v1;
	v53 =	vmul.f32 v18, v5  }
0x7e: {  	v54 =	vmul.f32 v21, v6;
	v55 =	vmul.f32 v18, v13  }
0x7f: {  	v56 =	vmul.f32 v19, v3;
	v18 =	vmul.f32 v18, v9  }
0x80: {  	v57 =	vmul.f32 v19, v7;
	v28 =	vmul.f32 v20, v4;
	v22 =	vadd.f32 v50, v52  }
0x81: {  	v21 =	vmul.f32 v21, v14;
	v58 =	vmul.f32 v19, v11;
	v25 =	vadd.f32 v54, v53  }
0x82: {  	v59 =	vmul.f32 v20, v8;
	v18 =	vadd.f32 v51, v18;
	v22 =	vadd.f32 v56, v22  }
0x83: {  	v19 =	vmul.f32 v19, v15;
	v21 =	vadd.f32 v21, v55;
	v25 =	vadd.f32 v57, v25  }
0x84: {  	v60 =	vmul.f32 v20, v12;
	v18 =	vadd.f32 v58, v18;
	v22 =	vadd.f32 v28, v22  }
0x85: {  	v20 =	vmul.f32 v20, v16;
	v19 =	vadd.f32 v19, v21;
	v23 =	vadd.f32 v59, v25  }
0x86: {  	v18 =	vadd.f32 v60, v18;
	v61 =	vmul.f32 $1.442695020e+00, v22  }
0x87: {  	v19 =	vadd.f32 v20, v19;
	v62 =	vmul.f32 $1.442695020e+00, v23  }
0x88: {  	v18 =	vmul.f32 $1.442695020e+00, v18;
	(erf) = vpow2.f32 v61  }
0x89: {  	v19 =	vmul.f32 $1.442695020e+00, v19;
	(erf) = vpow2.f32 v62  }
0x8a: {  	(erf) = vpow2.f32 v18  }
0x8b: {  	(erf) = vpow2.f32 v19;
	_ =	sdelay $0x1  }
0x8c: {  	v17 =	vshll.u32 v17, $0x3  }
0x8d: {  	v18 =	vor.u32 $0x1, v17  }
0x8e: {  	v19 =	vor.u32 $0x2, v17  }
0x8f: {  	v63 =	vor.u32 $0x3, v17  }
0x90: {  	v21 =	vpop (erf)  }
0x91: {  	v22 =	vpop (erf);
	[tilespmem:v17+s17+$0x0] =	vst.idx.msk $0xffff, v21  }
0x92: {  	[tilespmem:v18+s17+$0x0] =	vst.idx.msk $0xffff, v22;
	v17 =	vpop (erf)  }
0x93: {  	[tilespmem:v19+s17+$0x0] =	vst.idx.msk $0xffff, v17;
	v17 =	vpop (erf)  }
0x94: {  	[tilespmem:v63+s17+$0x0] =	vst.idx.msk $0xffff, v17  }
0x95: {  	[spmem:s3] =	stream.indirect.scatter.add.f32 [tilespmem:s17], [sflag:$0x1], $0x8, s16, s18, $0xb8;
	[tilespmem:$0xF880] =	vst v63  }
0x96: {  	_ =	swait.ge [sflag:s14], $0x400  }
0x97: {  	[sflag:s14] =	ssyncset.done $0x0  }
0x98: {  	[sflag:s14] =	ssyncadd.s32 $0xFFFFFC00  }
0x99: {  	[spmem:s3] =	stream.indirect.scatter.add.f32 [tilespmem:s20], [sflag:$0x1], $0x8, s19, s18, $0xb8;
	[tilespmem:$0xF880] =	vst v63  }
0x9a: {  	_ =	swait.ge [sflag:s14], $0x400  }
0x9b: {  	[sflag:s14] =	ssyncset.done $0x0  }
0x9c: {  	[sflag:s14] =	ssyncadd.s32 $0xFFFFFC00  }
0x9d: {  	[spmem:s3] =	stream.indirect.scatter.add.f32 [tilespmem:s22], [sflag:$0x1], $0x8, s21, s18, $0xb8;
	[tilespmem:$0xF880] =	vst v63  }
0x9e: {  	_ =	swait.ge [sflag:s14], $0x400  }
0x9f: {  	[sflag:s14] =	ssyncset.done $0x0  }
0xa0: {  	[sflag:s14] =	ssyncadd.s32 $0xFFFFFC00  }
0xa1: {  	[spmem:s3] =	stream.indirect.scatter.add.f32 [tilespmem:s24], [sflag:$0x1], $0x8, s23, s18, $0xb8;
	[tilespmem:$0xF880] =	vst v63  }
0xa2: {  	_ =	swait.ge [sflag:s14], $0x400  }
0xa3: {  	[sflag:s14] =	ssyncset.done $0x0  }
0xa4: {  	[sflag:s14] =	ssyncadd.s32 $0xFFFFFC00  }
0xa5: {  	[spmem:s3] =	stream.indirect.scatter.add.f32 [tilespmem:s26], [sflag:$0x1], $0x8, s25, s18, $0xb8;
	[tilespmem:$0xF880] =	vst v63  }
0xa6: {  	_ =	swait.ge [sflag:s14], $0x400  }
0xa7: {  	[sflag:s14] =	ssyncset.done $0x0  }
0xa8: {  	[sflag:s14] =	ssyncadd.s32 $0xFFFFFC00  }
0xa9: {  	[spmem:s3] =	stream.indirect.scatter.add.f32 [tilespmem:s29], [sflag:$0x1], $0x8, s28, s18, $0xb8;
	[tilespmem:$0xF880] =	vst v63  }
0xaa: {  	_ =	swait.ge [sflag:s14], $0x400  }
0xab: {  	[sflag:s14] =	ssyncset.done $0x0  }
0xac: {  	[sflag:s14] =	ssyncadd.s32 $0xFFFFFC00  }
0xad: {  	[spmem:s3] =	stream.indirect.scatter.add.f32 [tilespmem:s31], [sflag:$0x1], $0x8, s30, s18, $0xb8;
	[tilespmem:$0xF880] =	vst v63  }
0xae: {  	s4 =	sadd.s32 $0x1, s4;
	_ =	swait.ge [sflag:s14], $0x400  }
0xaf: {  	p0 =	sne.s32 s4, s10;
	[sflag:s14] =	ssyncset.done $0x0  }
.Ltmp1:
0xb0: {  	[sflag:s14] =	ssyncadd.s32 $0xFFFFFC00;
	(pc) =	sbr.rel @p0 .LBB2_2-.Ltmp1, $4  }
0xb1: {  	[spmem:s3] =	stream.indirect.scatter.add.f32 [tilespmem:s1], [sflag:$0x1], $0x8, s0, s18, $0xb8;
	[tilespmem:$0xF880] =	vst v63  }
0xb2: {  	_ =	swait.ge [sflag:s14], $0x400  }
0xb3: {  	[sflag:s14] =	ssyncset.done $0x0  }
0xb4: {  	[sflag:s14] =	ssyncadd.s32 $0xFFFFFC00  }
0xb5: {  	[bflag:$0x0] =	sbarrier.arrive $0xFFFF  }
0xb6: {  	s4 =	rddreg [dreg:$0x5]  }
0xb7: {  	[hbm:s4], [sflag:s9] =	dma.local [spmem:s13], $0x1870  }
0xb8: {  	_ =	swait.ge [sflag:s14], $0x1870  }
0xb9: {  	s2 =	sadd.s32 $0x1, s2;
	s11 =	rddreg [dreg:$0x6]  }
0xba: {  	p0 =	sne.s32 s2, s11  }
.Ltmp2:
0xbb: {  	_ = 	snop;
	(pc) =	sbr.rel @p0 .LBB2_1-.Ltmp2, $3  }
0xbc: {  	_ =	sdelay $0x1  }
0xbd: {  	[sflag:s14] =	ssyncset.done $0x0  }
0xbe: {  	[sflag:s14] =	ssyncadd.s32 $0xFFFFE790  }
0xbf: {  	_ =	sfence.sel $0x180000  }
0xc0: {  	[bflag:$0x0] =	sbarrier.arrive $0xFFFF  }
0xc1: {  	_ =	strace $0x9000004A  }
0xc2: {  	s0 =	stileid.u32;
	[bflag:$0x2] =	sbarrier.arrive $0xFFFF  }
0xc3: {  	p0 =	sne.s32 s0, $0x0;
	s0 =	rddreg [dreg:$0x3]  }
0xc4: {  	s0 =	sadd.s32 @!p0 $0x100000, s0  }
0xc5: {  	[sflag:s0] =	ssyncadd.tile.s32 @!p0 $0x1;
	_ =	shalt  }
.Lfunc_end2:
_tile_overlayer_lowered:
.L_overlay_start_2:
0xc6: {  	(tag) =	ssettag $0x2  }
0xc7: {  	s0 =	rddreg [dreg:$0x0];
	s2 =	stileid.u32  }
0xc8: {  	s1 =	rddreg [dreg:$0x1];
	p0 =	sne.s32 s2, $0x0  }
0xc9: {  	s3 =	rddreg [dreg:$0x2];
	[bflag:$0x3] =	sbarrier.arrive $0xFFFF;
	s2 =	simm.s32 @!p0 $0x1C01  }
0xca: {  	[timem:s3], [sflag:s2] =	dma.local @!p0 [hbm:s0], s1  }
0xcb: {  	s0 =	simm.s32 @!p0 $0x1  }
0xcc: {  	_ =	swait.ge @!p0 [sflag:s0], s1  }
0xcd: {  	s1 =	ssub.s32 @!p0 $0x0, s1;
	[sflag:s0] =	ssyncset.done @!p0 $0x0  }
0xce: {  	[sflag:s0] =	ssyncadd.s32 @!p0 s1  }
0xcf: {  	[bflag:$0x3] =	sbarrier.arrive $0xFFFF  }
0xd0: {  	_ =	shalt  }

// kernel: kernel.9.cloned.1.call-start
scs
__scs_entry_jumppad:
0x0: {  	(pc) =	sbr.rel $0x88, $3  }
0x1: {  	(tag) =	ssettag $0x0;
	lr =	simm.s32 $0x1  }
0x2: {  	[smem:$0x3F9E] =	sst lr;
	_ =	strace $0xD0000000  }
0x3: {  	_ = 	snop  }
0x4: {  	_ = 	snop  }
0x5: {  	_ = 	snop  }
0x6: {  	_ = 	snop  }
0x7: {  	_ = 	snop  }
__scs_overlays_trampoline_lowered:
0x8: {  	[smem:$0x3FAD] =	sst s0  }
0x9: {  	[smem:$0x3FAE] =	sst s1  }
0xa: {  	[smem:$0x3FAF] =	sst s2  }
0xb: {  	[smem:$0x3FB0] =	sst s3  }
0xc: {  	[smem:$0x3FB1] =	sst s4  }
0xd: {  	[smem:$0x3FB2] =	sst s5  }
0xe: {  	[smem:$0x3FB3] =	sst s6  }
0xf: {  	[smem:$0x3FB4] =	sst s7  }
0x10: {  	[smem:$0x3FB5] =	sst s8  }
0x11: {  	[smem:$0x3FB6] =	sst s9;
	s0 =	simm.s32 @!p0 $0x0  }
0x12: {  	s1 =	sld [smem:$0x3F9C];
	s0 =	simm.s32 @p0 $0x1  }
0x13: {  	[smem:$0x3FB7] =	sst s0;
	s0 =	simm.s32 @!p1 $0x0  }
0x14: {  	s2 =	sld [smem:$0x3F9B];
	s0 =	simm.s32 @p1 $0x1  }
0x15: {  	[smem:$0x3FB8] =	sst s0;
	s0 =	simm.s32 @!p2 $0x0  }
0x16: {  	s3 =	sld [smem:$0x3FDB];
	s0 =	simm.s32 @p2 $0x1  }
0x17: {  	s4 =	simm.s32 $0x1BF5;
	[smem:$0x3FBA] =	sst s0  }
0x18: {  	s0 =	sld [smem:$0x3F9D];
	_ =	swait.ge [sflag:s4], $0x0  }
0x19: {  	s7 =	sld [smem:$0x3F9E]  }
0x1a: {  	s8 =	sadd.s32 $0xFFFFE003, lr  }
0x1b: {  	s9 =	sadd.s32 $0xFFFFFEF7, lr;
	s5 =	simm.s32 $0xFFFFFFFF;
	p2 =	slt.u32 s8, $0xFFFFF086  }
0x1c: {  	p1 =	slt.u32 s9, $0xF7A;
	s5 =	simm.s32 @!p2 $0x0  }
0x1d: {  	s5 =	simm.s32 @p1 $0x1;
	p0 =	seq.s32 s7, s2  }
0x1e: {  	s7 =	smul.u32 @!p0 $0xF7A, s2;
	p2 =	seq.s32 @!p0 s5, $0x0  }
0x1f: {  	s9 =	smul.u32 $0xF7A, s1;
	s8 =	simm.s32 @!p0 $0x1BF5;
	p2 =	por !p2, p0  }
0x20: {  	[sflag:s8] =	ssyncset.s32 @!p0 $0xFFFFF086;
	s6 =	sadd.s32 @!p0 s3, s7;
	s7 =	simm.s32 @!p0 $0x108  }
0x21: {  	s3 =	sadd.s32 s3, s9;
	s6 =	sadd.s32 @!p0 $0x88, s6;
	s7 =	simm.s32 @p2 $0x1082  }
0x22: {  	[simem:s7], [sflag:s8] =	dma.local @!p0 [hbm:s6], $0xF7A  }
0x23: {  	s9 =	sor.u32 $0xD0000000, s2;
	s6 =	simm.s32 $0x108;
	_ =	swait.ge @!p0 [sflag:s8], $0x0  }
0x24: {  	s3 =	sadd.s32 $0x88, s3;
	s6 =	simm.s32 @!p1 $0x1082;
	[sflag:s4] =	ssyncset.s32 $0xFFFFF086  }
0x25: {  	[simem:s6], [sflag:s4] =	dma.local [hbm:s3], $0xF7A  }
0x26: {  	[smem:$0x3F9E] =	sst s1;
	(tag) =	ssettag s2;
	_ =	strace s9  }
0x27: {  	s1 =	sld [smem:$0x3FAE]  }
0x28: {  	s2 =	sld [smem:$0x3FAF]  }
0x29: {  	s4 =	sld [smem:$0x3FB1]  }
0x2a: {  	p0 =	seq.s32 s5, $0x0;
	s5 =	sld [smem:$0x3FB2]  }
0x2b: {  	s6 =	sld [smem:$0x3FB3]  }
0x2c: {  	s7 =	sld [smem:$0x3FB4]  }
0x2d: {  	s3 =	simm.s32 $0x108;
	s8 =	sld [smem:$0x3FB5]  }
0x2e: {  	s3 =	simm.s32 @!p0 $0x1082;
	s9 =	sld [smem:$0x3FB6]  }
0x2f: {  	lr =	sadd.s32 s0, s3;
	s0 =	sld [smem:$0x3FAD]  }
0x30: {  	s3 =	sld [smem:$0x3FB0]  }
0x31: {  	[smem:$0x3FB9] =	sst s10  }
0x32: {  	s10 =	sld [smem:$0x3FB7];
	_ =	sdelay $0x3  }
0x33: {  	p0 =	seq.s32 s10, $0x1;
	s10 =	sld [smem:$0x3FB9];
	_ =	sdelay $0x3  }
0x34: {  	[smem:$0x3FB9] =	sst s10  }
0x35: {  	s10 =	sld [smem:$0x3FB8];
	_ =	sdelay $0x3  }
0x36: {  	p1 =	seq.s32 s10, $0x1;
	s10 =	sld [smem:$0x3FB9];
	_ =	sdelay $0x3  }
0x37: {  	[smem:$0x3FB9] =	sst s10  }
0x38: {  	s10 =	sld [smem:$0x3FBA]  }
0x39: {  	_ = 	snop;
	(pc) =	sbr.ind lr, $3  }
0x3a: {  	_ = 	snop  }
0x3b: {  	_ = 	snop  }
0x3c: {  	p2 =	seq.s32 s10, $0x1;
	s10 =	sld [smem:$0x3FB9]  }
0x3d: {  	_ =	shalt  }
0x3e: {  	_ =	shalt  }
0x3f: {  	_ =	shalt  }
0x40: {  	_ =	shalt  }
0x41: {  	_ =	shalt  }
0x42: {  	_ =	shalt  }
0x43: {  	_ =	shalt  }
0x44: {  	_ =	shalt  }
0x45: {  	_ =	shalt  }
0x46: {  	_ =	shalt  }
0x47: {  	_ =	shalt  }
0x48: {  	_ =	shalt  }
0x49: {  	_ =	shalt  }
0x4a: {  	_ =	shalt  }
0x4b: {  	_ =	shalt  }
0x4c: {  	_ =	shalt  }
0x4d: {  	_ =	shalt  }
0x4e: {  	_ =	shalt  }
0x4f: {  	_ =	shalt  }
0x50: {  	_ =	shalt  }
0x51: {  	_ =	shalt  }
0x52: {  	_ =	shalt  }
0x53: {  	_ =	shalt  }
0x54: {  	_ =	shalt  }
0x55: {  	_ =	shalt  }
0x56: {  	_ =	shalt  }
0x57: {  	_ =	shalt  }
0x58: {  	_ =	shalt  }
0x59: {  	_ =	shalt  }
0x5a: {  	_ =	shalt  }
0x5b: {  	_ =	shalt  }
0x5c: {  	_ =	shalt  }
0x5d: {  	_ =	shalt  }
0x5e: {  	_ =	shalt  }
0x5f: {  	_ =	shalt  }
0x60: {  	_ =	shalt  }
0x61: {  	_ =	shalt  }
0x62: {  	_ =	shalt  }
0x63: {  	_ =	shalt  }
0x64: {  	_ =	shalt  }
0x65: {  	_ =	shalt  }
0x66: {  	_ =	shalt  }
0x67: {  	_ =	shalt  }
0x68: {  	_ =	shalt  }
0x69: {  	_ =	shalt  }
0x6a: {  	_ =	shalt  }
0x6b: {  	_ =	shalt  }
0x6c: {  	_ =	shalt  }
0x6d: {  	_ =	shalt  }
0x6e: {  	_ =	shalt  }
0x6f: {  	_ =	shalt  }
0x70: {  	_ =	shalt  }
0x71: {  	_ =	shalt  }
0x72: {  	_ =	shalt  }
0x73: {  	_ =	shalt  }
0x74: {  	_ =	shalt  }
0x75: {  	_ =	shalt  }
0x76: {  	_ =	shalt  }
0x77: {  	_ =	shalt  }
0x78: {  	_ =	shalt  }
0x79: {  	_ =	shalt  }
0x7a: {  	_ =	shalt  }
0x7b: {  	_ =	shalt  }
0x7c: {  	_ =	shalt  }
0x7d: {  	_ =	shalt  }
0x7e: {  	_ =	shalt  }
0x7f: {  	_ =	shalt  }
0x80: {  	_ =	shalt  }
0x81: {  	_ =	shalt  }
0x82: {  	_ =	shalt  }
0x83: {  	_ =	shalt  }
0x84: {  	_ =	shalt  }
0x85: {  	_ =	shalt  }
0x86: {  	_ =	shalt  }
0x87: {  	_ =	shalt  }
.Lfunc_end0:
.L_simem_size_0:
called_computation.2_lowered:
.L_overlay_start_0:
0x88: {  	s2 =	sld [smem:$0x3FD9]  }
0x89: {  	s3 =	sld [smem:$0x3FFE];
	_ =	sdelay $0x1  }
0x8a: {  	s1 =	srdreg.scid  }
0x8b: {  	s0 =	sand.u32 $0x1, s1  }
0x8c: {  	s17 =	sshll.u32 s0, $0xA;
	s2 =	sadd.s32 s3, s2  }
0x8d: {  	s2 =	sadd.s32 s2, s17  }
0x8e: {  	[smem:$0x3FC5] =	sst s2  }
0x8f: {  	_ = 	snop  }
0x90: {  	s2 =	sld [smem:$0x3FD0];
	(tm) =	ssettm $0x1  }
0x91: {  	s18 =	sld [smem:$0x3FFB];
	_ =	sdelay $0x3  }
0x92: {  	_ =	strace s18  }
0x93: {  	s3 =	sld [smem:$0x3FFC];
	_ =	sdelay $0x3  }
0x94: {  	_ =	strace s3  }
0x95: {  	s3 =	sld [smem:$0x3FFD];
	_ =	sdelay $0x3  }
0x96: {  	_ =	strace s3  }
0x97: {  	_ =	strace $0x8FFFFFFF  }
0x98: {  	s19 =	sld [smem:$0x3FDB];
	_ =	sdelay $0x1  }
0x99: {  	s4 =	simm.s32 $_scs_section_size  }
0x9a: {  	s5 =	simm.s32 $_size__tile_overlayer_lowered;
	s6 =	simm.s32 $_tile_overlayer_lowered  }
0x9b: {  	s22 =	simm.s32 $0x1BFF;
	s21 =	sshll.u32 s6, $0x1;
	s3 =	sadd.s32 s4, s19  }
0x9c: {  	s7 =	simm.s32 $0x0;
	s20 =	sshll.u32 s5, $0x1;
	s5 =	sadd.s32 s21, s3  }
0x9d: {  	[timem:s7], [sflag:s22] =	dma.local [hbm:s5], s20  }
0x9e: {  	_ =	swait.ge [sflag:s22], s20  }
0x9f: {  	s4 =	ssub.s32 $0x0, s20;
	[sflag:s22] =	ssyncset.done $0x0  }
0xa0: {  	[sflag:s22] =	ssyncadd.s32 s4;
	_ =	sdelay $0x1  }
0xa1: {  	s23 =	simm.s32 $0x1B8B  }
0xa2: {  	_ =	swait.ge [sflag:s23], $0x1  }
0xa3: {  	[sflag:s23] =	ssyncset.done $0x0  }
0xa4: {  	s25 =	simm.s32 $0x1B8E;
	s24 =	sld [smem:$0x3FFE];
	[sflag:s23] =	ssyncadd.s32 $0xFFFFFFFF  }
0xa5: {  	s26 =	simm.s32 $execute0_lowered;
	[smem:$0x3FD2] =	sst s25  }
0xa6: {  	s5 =	sshll.u32 s26, $0x1;
	_ =	strace $0x8000004C;
	[dreg:$0x1] =	wrdreg $0xFFFFFFFF  }
0xa7: {  	s28 =	simm.s32 $_size_execute0_lowered;
	s3 =	sadd.s32 s3, s5;
	[dreg:$0x0] =	wrdreg $0x0  }
0xa8: {  	s5 =	sshll.u32 s28, $0x1;
	[dreg:$0x2] =	wrdreg s3  }
0xa9: {  	[dreg:$0x3] =	wrdreg s5  }
0xaa: {  	[dreg:$0x4] =	wrdreg $0xC0  }
0xab: {  	_ =	task [dreg:s7], $0x5FFFF  }
0xac: {  	[dreg:$0x1] =	wrdreg $0xFFFFFFFF  }
0xad: {  	[dreg:$0x0] =	wrdreg $0x60  }
0xae: {  	[dreg:$0x2] =	wrdreg s24  }
0xaf: {  	[dreg:$0x3] =	wrdreg s2  }
0xb0: {  	[dreg:$0x4] =	wrdreg $0x55000  }
0xb1: {  	[dreg:$0x5] =	wrdreg $0x118800  }
0xb2: {  	[dreg:$0x6] =	wrdreg $0x9  }
0xb3: {  	_ =	task.clear_ibuf [dreg:s7], $0x7FFFF;
	_ =	strace $0x9000004C  }
0xb4: {  	s29 =	simm.s32 $0x9;
	_ =	strace $0x8000004E  }
0xb5: {  	_ =	swait.ge [sflag:s29], $0x1  }
0xb6: {  	[sflag:s29] =	ssyncadd.s32 $0xFFFFFFFF  }
0xb7: {  	_ =	strace $0x9000004E  }
0xb8: {  	_ =	sfence  }
0xb9: {  	s30 =	sld [smem:$0x0];
	_ =	sdelay $0x2  }
0xba: {  	s31 =	sshll.u32 s1, $0xD;
	s1 =	sshrl.u32 s1, $0x2  }
0xbb: {  	s3 =	sand.u32 $0x4000, s31;
	s1 =	sadd.s32 s1, s30  }
0xbc: {  	s0 =	sor.u32 s3, s0;
	s1 =	sshll.u32 s1, $0x11  }
0xbd: {  	s0 =	sor.u32 s1, s0  }
0xbe: {  	s0 =	sadd.s32 $0x8F2B, s0  }
0xbf: {  	[sflag:s0] =	ssyncadd.remote.s32 $0x1  }
0xc0: {  	_ =	sfence.sel $0xFFFF  }
0xc1: {  	[dreg:$0x0] =	wrdreg $0xFFFFFFFF;
	(pc) =	sbr.abs _section_cstart, $3  }
0xc2: {  	[dreg:$0x1] =	wrdreg $0xFFFFFFFF  }
0xc3: {  	_ =	task.clear_ibuf [dreg:s7], $0x2FFFF;
	_ =	strace $0x9FFFFFFF  }
0xc4: {  	(tm) =	ssettm $0x7FFFFFFF  }
0xc5: {  	_ =	shalt  }
tec
execute0_lowered:
.L_overlay_start_1:
0x0: {  	(tag) =	ssettag $0x1  }
0x1: {  	s0 =	rddreg [dreg:$0x0]  }
0x2: {  	s3 =	rddreg [dreg:$0x2]  }
0x3: {  	s4 =	rddreg [dreg:$0x3]  }
0x4: {  	s11 =	stileid.u32;
	s1 =	srdreg.scid  }
0x5: {  	s5 =	simm.s32 $0x0;
	s12 =	simm.s32 $0x62;
	s16 =	simm.s32 $0x1  }
0x6: {  	s29 =	simm.s32 $0x1300;
	s31 =	simm.s32 $0x1380;
	s13 =	simm.s32 $0x3900  }
0x7: {  	s14 =	simm.s32 $0x3D00;
	s15 =	simm.s32 $0x4100;
	s2 =	smul.u32 $0xC380, s11  }
0x8: {  	s1 =	sand.u32 $0x1, s1;
	[smem:$0x7FF] =	sst s5;
	s6 =	sadd.s32 $0x1600, s0  }
0x9: {  	s7 =	sadd.s32 $0x325C000, s0;
	s20 =	sshll.u32 s11, $0x1;
	s22 =	sshll.u32 s11, $0x6  }
0xa: {  	s11 =	simm.s32 $0x3500;
	s17 =	smul.u32 $0xC3800, s1;
	_ =	strace $0x8000004D  }
0xb: {  	s9 =	ssub.s32 $0x2, s1;
	s28 =	sor.u32 $0x1C01, s22;
	s22 =	simm.s32 $0x1180  }
0xc: {  	s8 =	sshrl.u32 s2, $0x3;
	s18 =	sshrl.u32 s9, $0x1;
	s21 =	sadd.s32 s2, s3  }
0xd: {  	[dreg:$0x6] =	wrdreg s28;
	s5 =	sadd.s32 s2, s17;
	s10 =	sadd.s32 s8, s0  }
0xe: {  	s19 =	ssub.s32 s9, s18;
	s8 =	sor.u32 s1, s20;
	s2 =	sadd.s32 s2, s4  }
0xf: {  	s26 =	sshrl.u32 s21, $0x3;
	s18 =	simm.s32 $0x100;
	s20 =	simm.s32 $0x80  }
0x10: {  	s21 =	simm.s32 $0x1500;
	s1 =	simm.s32 $0x1400;
	s9 =	simm.s32 $0x3100  }
0x11: {  	s17 =	simm.s32 $0x4500;
	s5 =	sshrl.u32 s5, $0x3;
	s23 =	sadd.s32 $0x1A0800, s10  }
0x12: {  	s24 =	sadd.s32 $0x188000, s10;
	p0 =	slt.u32 s8, $0x15;
	s25 =	smax.u32 s19, $0x1  }
0x13: {  	[dreg:$0xa] =	wrdreg s26;
	s30 =	sshrl.u32 s2, $0x3;
	s19 =	simm.s32 $0x1100  }
0x14: {  	s26 =	simm.s32 $0x1280;
	s10 =	simm.s32 $0x4900;
	[dreg:$0x5] =	wrdreg s23  }
0x15: {  	s2 =	simm.s32 $0x0;
	s0 =	sadd.s32 s5, s0;
	[dreg:$0x7] =	wrdreg s24  }
0x16: {  	s12 =	simm.s32 @!p0 $0x61;
	[dreg:$0x9] =	wrdreg s25;
	s24 =	simm.s32 $0x1200  }
0x17: {  	s5 =	simm.s32 $0x1480;
	[dreg:$0xb] =	wrdreg s30;
	s0 =	sadd.s32 $0x1B9000, s0  }
0x18: {  	v0 =	vlaneseq.u32;
	s23 =	simm.s32 $0x4D00;
	s25 =	simm.s32 $0x5100;
	[dreg:$0x8] =	wrdreg s0  }
.LBB2_1:
0x19: {  	[dreg:$0xc] =	wrdreg s2  }
0x1a: {  	s0 =	rddreg [dreg:$0x5]  }
0x1b: {  	s2 =	rddreg [dreg:$0xa]  }
0x1c: {  	[spmem:s2], [sflag:s28] =	dma.local [hbm:s0], $0x1870  }
0x1d: {  	_ =	swait.ge [sflag:s16], $0x1870  }
0x1e: {  	[sflag:s16] =	ssyncset.done $0x0  }
0x1f: {  	s2 =	rddreg [dreg:$0x7];
	[sflag:s16] =	ssyncadd.s32 $0xFFFFE790  }
0x20: {  	[spmem:s30], [sflag:s28] =	dma.local [hbm:s2], $0x1870  }
0x21: {  	_ =	swait.ge [sflag:s16], $0x1870  }
0x22: {  	[sflag:s16] =	ssyncset.done $0x0  }
0x23: {  	[sflag:s16] =	ssyncadd.s32 $0xFFFFE790  }
0x24: {  	s30 =	simm.s32 $0x0;
	s2 =	rddreg [dreg:$0x1]  }
0x25: {  	[tilespmem:s30], [sflag:$0x1] =	stream.linear.gather [hbm4b:s2+s30], $0x100, $0x38;
	[tilespmem:$0x1DC00] =	vst v63  }
0x26: {  	_ =	swait.ge [sflag:s16], $0x100  }
0x27: {  	[sflag:s16] =	ssyncset.done $0x0  }
0x28: {  	[sflag:s16] =	ssyncadd.s32 $0xFFFFFF00  }
0x29: {  	[bflag:$0x0] =	sbarrier.arrive $0xFFFF  }
0x2a: {  	v1 =	vld [tilespmem:$0x0]  }
0x2b: {  	v2 =	vld [tilespmem:$0x10]  }
0x2c: {  	v3 =	vld [tilespmem:$0x20]  }
0x2d: {  	v4 =	vld [tilespmem:$0x30]  }
0x2e: {  	v5 =	vld [tilespmem:$0x40]  }
0x2f: {  	v6 =	vld [tilespmem:$0x50]  }
0x30: {  	v7 =	vld [tilespmem:$0x60]  }
0x31: {  	v8 =	vld [tilespmem:$0x70]  }
0x32: {  	v9 =	vld [tilespmem:$0x80]  }
0x33: {  	v10 =	vld [tilespmem:$0x90]  }
0x34: {  	v11 =	vld [tilespmem:$0xA0]  }
0x35: {  	v12 =	vld [tilespmem:$0xB0]  }
0x36: {  	v13 =	vld [tilespmem:$0xC0]  }
0x37: {  	v14 =	vld [tilespmem:$0xD0]  }
0x38: {  	v15 =	vld [tilespmem:$0xE0]  }
0x39: {  	s28 =	simm.s32 $0x0;
	v16 =	vld [tilespmem:$0xF0]  }
.LBB2_2:
0x3a: {  	s0 =	sshll.u32 s28, $0x5  }
0x3b: {  	s0 =	sor.u32 s8, s0  }
0x3c: {  	s30 =	sshll.u32 s0, $0x9  }
0x3d: {  	s2 =	simm.s32 $0x0;
	s0 =	sshll.u32 s0, $0x7;
	s30 =	sadd.s32 s6, s30  }
0x3e: {  	[tilespmem:s18], [sflag:$0x1] =	stream.linear.gather [hbm4b:s30+s2], $0x1000, $0x38;
	[tilespmem:$0x1DC00] =	vst v63  }
0x3f: {  	s0 =	sand.u32 $0x1FFFFF80, s0;
	_ =	swait.ge [sflag:s16], $0x1000  }
0x40: {  	s0 =	sadd.s32 s7, s0;
	[sflag:s16] =	ssyncset.done $0x0  }
0x41: {  	s0 =	sadd.s32 $0x61A80, s0;
	[sflag:s16] =	ssyncadd.s32 $0xFFFFF000  }
0x42: {  	[tilespmem:s19], [sflag:$0x1] =	stream.linear.gather [hbm4b:s0+s2], $0x400, $0x38;
	[tilespmem:$0x1DC00] =	vst v63  }
0x43: {  	_ =	swait.ge [sflag:s16], $0x400  }
0x44: {  	[sflag:s16] =	ssyncset.done $0x0  }
0x45: {  	[sflag:s16] =	ssyncadd.s32 $0xFFFFFC00  }
0x46: {  	[tilespmem:s21], [sflag:$0x1] =	stream.indirect.gather [spmem:s3], $0x8, s19, s20, $0xb8;
	[tilespmem:$0x1DC00] =	vst v63  }
0x47: {  	_ =	swait.ge [sflag:s16], $0x400  }
0x48: {  	[sflag:s16] =	ssyncset.done $0x0  }
0x49: {  	s0 =	simm.s32 $0x1900;
	[sflag:s16] =	ssyncadd.s32 $0xFFFFFC00  }
0x4a: {  	[tilespmem:s0], [sflag:$0x1] =	stream.indirect.gather [spmem:s3], $0x8, s22, s20, $0xb8;
	[tilespmem:$0x1DC00] =	vst v63  }
0x4b: {  	_ =	swait.ge [sflag:s16], $0x400  }
0x4c: {  	[sflag:s16] =	ssyncset.done $0x0  }
0x4d: {  	s0 =	simm.s32 $0x1D00;
	[sflag:s16] =	ssyncadd.s32 $0xFFFFFC00  }
0x4e: {  	[tilespmem:s0], [sflag:$0x1] =	stream.indirect.gather [spmem:s3], $0x8, s24, s20, $0xb8;
	[tilespmem:$0x1DC00] =	vst v63  }
0x4f: {  	_ =	swait.ge [sflag:s16], $0x400  }
0x50: {  	[sflag:s16] =	ssyncset.done $0x0  }
0x51: {  	s0 =	simm.s32 $0x2100;
	[sflag:s16] =	ssyncadd.s32 $0xFFFFFC00  }
0x52: {  	[tilespmem:s0], [sflag:$0x1] =	stream.indirect.gather [spmem:s3], $0x8, s26, s20, $0xb8;
	[tilespmem:$0x1DC00] =	vst v63  }
0x53: {  	_ =	swait.ge [sflag:s16], $0x400  }
0x54: {  	[sflag:s16] =	ssyncset.done $0x0  }
0x55: {  	s0 =	simm.s32 $0x2500;
	[sflag:s16] =	ssyncadd.s32 $0xFFFFFC00  }
0x56: {  	[tilespmem:s0], [sflag:$0x1] =	stream.indirect.gather [spmem:s3], $0x8, s29, s20, $0xb8;
	[tilespmem:$0x1DC00] =	vst v63  }
0x57: {  	_ =	swait.ge [sflag:s16], $0x400  }
0x58: {  	[sflag:s16] =	ssyncset.done $0x0  }
0x59: {  	s0 =	simm.s32 $0x2900;
	[sflag:s16] =	ssyncadd.s32 $0xFFFFFC00  }
0x5a: {  	[tilespmem:s0], [sflag:$0x1] =	stream.indirect.gather [spmem:s3], $0x8, s31, s20, $0xb8;
	[tilespmem:$0x1DC00] =	vst v63  }
0x5b: {  	_ =	swait.ge [sflag:s16], $0x400  }
0x5c: {  	[sflag:s16] =	ssyncset.done $0x0  }
0x5d: {  	s0 =	simm.s32 $0x2D00;
	[sflag:s16] =	ssyncadd.s32 $0xFFFFFC00  }
0x5e: {  	[tilespmem:s0], [sflag:$0x1] =	stream.indirect.gather [spmem:s3], $0x8, s1, s20, $0xb8;
	[tilespmem:$0x1DC00] =	vst v63  }
0x5f: {  	_ =	swait.ge [sflag:s16], $0x400  }
0x60: {  	v17 =	vor.u32 s2, v0;
	[sflag:s16] =	ssyncset.done $0x0  }
0x61: {  	v18 =	vshll.u32 v17, $0x2;
	[sflag:s16] =	ssyncadd.s32 $0xFFFFFC00  }
0x62: {  	v19 =	vor.u32 $0x1, v18;
	[tilespmem:s9], [sflag:$0x1] =	stream.indirect.gather [spmem:s3], $0x8, s5, s20, $0xb8;
	[tilespmem:$0x1DC00] =	vst v63  }
0x63: {  	_ =	swait.ge [sflag:s16], $0x400  }
0x64: {  	v20 =	vor.u32 $0x2, v18;
	[sflag:s16] =	ssyncset.done $0x0  }
0x65: {  	[sflag:s16] =	ssyncadd.s32 $0xFFFFFC00  }
0x66: {  	v24 =	vor.u32 $0x3, v18;
	v23 =	vld.idx.msk [tilespmem:v18+s18+$0x0], $0xffff  }
0x67: {  	v21 =	vld.idx.msk [tilespmem:v19+s18+$0x0], $0xffff;
	_ =	sdelay $0x1  }
0x68: {  	v22 =	vld.idx.msk [tilespmem:v20+s18+$0x0], $0xffff;
	_ =	sdelay $0x1  }
0x69: {  	v18 =	vshll.u32 v17, $0x3;
	v24 =	vld.idx.msk [tilespmem:v24+s18+$0x0], $0xffff;
	v25 =	vmul.f32 v23, v1  }
0x6a: {  	v17 =	vor.u32 $0x1, v18;
	v26 =	vmul.f32 v21, v2;
	v27 =	vmul.f32 v23, v5  }
0x6b: {  	v19 =	vor.u32 $0x2, v18;
	v28 =	vmul.f32 v21, v6;
	v29 =	vmul.f32 v21, v10  }
0x6c: {  	v30 =	vmul.f32 v21, v14;
	v25 =	vadd.f32 v26, v25;
	v26 =	vmul.f32 v22, v3  }
0x6d: {  	v20 =	vor.u32 $0x3, v18;
	v31 =	vmul.f32 v23, v9;
	v32 =	vmul.f32 v22, v7  }
0x6e: {  	v27 =	vadd.f32 v28, v27;
	v28 =	vld.idx.msk [tilespmem:v18+s21+$0x0], $0xffff;
	v25 =	vadd.f32 v26, v25;
	v26 =	vmul.f32 v24, v4  }
0x6f: {  	v33 =	vmul.f32 v22, v11;
	v29 =	vadd.f32 v29, v31;
	v31 =	vmul.f32 v23, v13  }
0x70: {  	v61 =	vmul.f32 v24, v8;
	v34 =	vld.idx.msk [tilespmem:v17+s21+$0x0], $0xffff;
	v27 =	vadd.f32 v32, v27;
	v25 =	vadd.f32 v26, v25  }
0x71: {  	v26 =	vadd.f32 v33, v29;
	v29 =	vadd.f32 v30, v31;
	v30 =	vmul.f32 v22, v15  }
0x72: {  	v62 =	vld.idx.msk [tilespmem:v19+s21+$0x0], $0xffff;
	v31 =	vmul.f32 v24, v12;
	v27 =	vadd.f32 v61, v27;
	v25 =	vmul.f32 $1.442695020e+00, v25  }
0x73: {  	v63 =	vmul.f32 v24, v16;
	(erf) = vrcp.f32 v28;
	v29 =	vadd.f32 v30, v29  }
0x74: {  	v26 =	vadd.f32 v31, v26;
	v27 =	vmul.f32 $1.442695020e+00, v27;
	(erf) = vpow2.f32 v25  }
0x75: {  	v30 =	vld.idx.msk [tilespmem:v20+s21+$0x0], $0xffff;
	v25 =	vadd.f32 v63, v29;
	(erf) = vrcp.f32 v34  }
0x76: {  	v26 =	vmul.f32 $1.442695020e+00, v26;
	(erf) = vpow2.f32 v27  }
0x77: {  	s2 =	simm.s32 $0x10;
	v27 =	vmul.f32 $1.442695020e+00, v25;
	(erf) = vrcp.f32 v62  }
0x78: {  	v28 =	vor.u32 s2, v0;
	(erf) = vpow2.f32 v26  }
0x79: {  	v25 =	vshll.u32 v28, $0x2;
	(erf) = vpow2.f32 v27  }
0x7a: {  	s30 =	simm.s32 $0x20;
	v26 =	vor.u32 $0x2, v25;
	v27 =	vor.u32 $0x1, v25;
	(erf) = vrcp.f32 v30  }
.LBB2_3:
0x7b: {  	_ = 	snop  }
0x7c: {  	p0 =	sne.s32 s30, $0x3F0;
	s0 =	smov.u32 s30;
	s30 =	sadd.s32 $0x10, s30;
	v29 =	vpop (erf)  }
0x7d: {  	v30 =	vor.u32 $0x3, v25;
	v31 =	vpop (erf)  }
0x7e: {  	v29 =	vmul.f32 v31, v29;
	v31 =	vpop (erf)  }
0x7f: {  	v32 =	vpop (erf)  }
0x80: {  	v29 =	vadd.f32 $0.0e+00, v29;
	v31 =	vmul.f32 v32, v31;
	v32 =	vpop (erf)  }
0x81: {  	v33 =	vpop (erf)  }
0x82: {  	v29 =	vadd.f32 v29, v31;
	v31 =	vmul.f32 v32, v33;
	v32 =	vpop (erf)  }
0x83: {  	v28 =	vshll.u32 v28, $0x3;
	v33 =	vpop (erf)  }
0x84: {  	v29 =	vadd.f32 v29, v31;
	v31 =	vmul.f32 v33, v32  }
0x85: {  	v32 =	vor.u32 $0x1, v28  }
0x86: {  	v29 =	vadd.f32 v29, v31;
	_ =	sdelay $0x1  }
0x87: {  	v31 =	vor.u32 $0x2, v28;
	v29 =	vmul.f32 $2.500000000e-01, v29;
	_ =	sdelay $0x1  }
0x88: {  	v33 =	vor.u32 $0x3, v28;
	v23 =	vmul.f32 v29, v23;
	v21 =	vmul.f32 v29, v21  }
0x89: {  	v22 =	vmul.f32 v29, v22;
	v24 =	vmul.f32 v29, v24  }
0x8a: {  	[tilespmem:v18+s11+$0x0] =	vst.idx.msk $0xffff, v23;
	v18 =	vmov v28  }
0x8b: {  	[tilespmem:v17+s11+$0x0] =	vst.idx.msk $0xffff, v21;
	v17 =	vmov v32  }
0x8c: {  	[tilespmem:v19+s11+$0x0] =	vst.idx.msk $0xffff, v22;
	v19 =	vmov v31  }
0x8d: {  	[tilespmem:v20+s11+$0x0] =	vst.idx.msk $0xffff, v24;
	v20 =	vmov v33  }
0x8e: {  	v21 =	vld.idx.msk [tilespmem:v27+s18+$0x0], $0xffff  }
0x8f: {  	v23 =	vld.idx.msk [tilespmem:v25+s18+$0x0], $0xffff  }
0x90: {  	v22 =	vld.idx.msk [tilespmem:v26+s18+$0x0], $0xffff  }
0x91: {  	v24 =	vld.idx.msk [tilespmem:v30+s18+$0x0], $0xffff;
	_ =	sdelay $0x1  }
0x92: {  	v25 =	vld.idx.msk [tilespmem:v28+s21+$0x0], $0xffff  }
0x93: {  	v26 =	vmul.f32 v21, v10;
	v27 =	vmul.f32 v21, v14  }
0x94: {  	v29 =	vmul.f32 v21, v2;
	v28 =	vmul.f32 v23, v1  }
0x95: {  	v31 =	vmul.f32 v21, v6;
	v30 =	vmul.f32 v23, v5  }
0x96: {  	v32 =	vmul.f32 v23, v9;
	v28 =	vadd.f32 v29, v28;
	v29 =	vmul.f32 v22, v3  }
0x97: {  	v33 =	vmul.f32 v22, v11;
	v30 =	vadd.f32 v31, v30;
	v31 =	vmul.f32 v22, v7  }
0x98: {  	v26 =	vadd.f32 v26, v32;
	v28 =	vadd.f32 v29, v28;
	v29 =	vmul.f32 v24, v4  }
0x99: {  	v32 =	vmul.f32 v23, v13;
	v30 =	vadd.f32 v31, v30;
	v31 =	vmul.f32 v24, v8;
	v34 =	vld.idx.msk [tilespmem:v17+s21+$0x0], $0xffff  }
0x9a: {  	v26 =	vadd.f32 v33, v26;
	v28 =	vadd.f32 v29, v28;
	v29 =	vmul.f32 v24, v12  }
0x9b: {  	v27 =	vadd.f32 v27, v32;
	v30 =	vadd.f32 v31, v30;
	v31 =	vmul.f32 v22, v15;
	v32 =	vld.idx.msk [tilespmem:v19+s21+$0x0], $0xffff  }
0x9c: {  	v28 =	vmul.f32 $1.442695020e+00, v28;
	v26 =	vadd.f32 v29, v26;
	v29 =	vmul.f32 v24, v16  }
0x9d: {  	v30 =	vmul.f32 $1.442695020e+00, v30;
	v27 =	vadd.f32 v31, v27;
	(erf) = vrcp.f32 v25  }
0x9e: {  	v26 =	vmul.f32 $1.442695020e+00, v26;
	v31 =	vld.idx.msk [tilespmem:v20+s21+$0x0], $0xffff;
	(erf) = vpow2.f32 v28  }
0x9f: {  	v25 =	vadd.f32 v29, v27;
	(erf) = vrcp.f32 v34  }
.Ltmp0:
0xa0: {  	(erf) = vpow2.f32 v30;
	(pc) =	sbr.rel @p0 .LBB2_3-.Ltmp0, $4  }
0xa1: {  	v28 =	vor.u32 s0, v0;
	v29 =	vmul.f32 $1.442695020e+00, v25;
	(erf) = vrcp.f32 v32  }
0xa2: {  	v25 =	vshll.u32 v28, $0x2;
	(erf) = vpow2.f32 v26  }
0xa3: {  	v27 =	vor.u32 $0x1, v25;
	v26 =	vor.u32 $0x2, v25;
	(erf) = vpow2.f32 v29  }
0xa4: {  	(erf) = vrcp.f32 v31  }
0xa5: {  	_ = 	snop  }
0xa6: {  	v29 =	vpop (erf)  }
0xa7: {  	v30 =	vpop (erf)  }
0xa8: {  	v29 =	vmul.f32 v30, v29;
	v58 =	vpop (erf)  }
0xa9: {  	v31 =	vpop (erf)  }
0xaa: {  	v29 =	vadd.f32 $0.0e+00, v29;
	v30 =	vmul.f32 v31, v58;
	v59 =	vpop (erf)  }
0xab: {  	v32 =	vpop (erf)  }
0xac: {  	v29 =	vadd.f32 v29, v30;
	v60 =	vmul.f32 v59, v32;
	v61 =	vpop (erf)  }
0xad: {  	v62 =	vpop (erf)  }
0xae: {  	v29 =	vadd.f32 v29, v60;
	v63 =	vmul.f32 v62, v61;
	_ =	sdelay $0x1  }
0xaf: {  	v29 =	vadd.f32 v29, v63;
	_ =	sdelay $0x1  }
0xb0: {  	v29 =	vmul.f32 $2.500000000e-01, v29;
	_ =	sdelay $0x1  }
0xb1: {  	v23 =	vmul.f32 v29, v23  }
0xb2: {  	v21 =	vmul.f32 v29, v21  }
0xb3: {  	v22 =	vmul.f32 v29, v22;
	[tilespmem:v18+s11+$0x0] =	vst.idx.msk $0xffff, v23  }
0xb4: {  	v18 =	vmul.f32 v29, v24;
	[tilespmem:v17+s11+$0x0] =	vst.idx.msk $0xffff, v21  }
0xb5: {  	[tilespmem:v19+s11+$0x0] =	vst.idx.msk $0xffff, v22  }
0xb6: {  	[tilespmem:v20+s11+$0x0] =	vst.idx.msk $0xffff, v18  }
0xb7: {  	v17 =	vor.u32 $0x3, v25;
	v19 =	vld.idx.msk [tilespmem:v25+s18+$0x0], $0xffff  }
0xb8: {  	v18 =	vld.idx.msk [tilespmem:v27+s18+$0x0], $0xffff;
	_ =	sdelay $0x1  }
0xb9: {  	v20 =	vld.idx.msk [tilespmem:v26+s18+$0x0], $0xffff;
	_ =	sdelay $0x1  }
0xba: {  	v21 =	vshll.u32 v28, $0x3;
	v17 =	vld.idx.msk [tilespmem:v17+s18+$0x0], $0xffff;
	v32 =	vmul.f32 v19, v1  }
0xbb: {  	v22 =	vor.u32 $0x1, v21;
	v33 =	vmul.f32 v18, v2;
	v34 =	vmul.f32 v19, v5  }
0xbc: {  	v23 =	vor.u32 $0x2, v21;
	v35 =	vmul.f32 v18, v6;
	v36 =	vmul.f32 v18, v10  }
0xbd: {  	v37 =	vmul.f32 v20, v3;
	v38 =	vmul.f32 v18, v14;
	v24 =	vadd.f32 v33, v32  }
0xbe: {  	v26 =	vor.u32 $0x3, v21;
	v39 =	vmul.f32 v19, v9;
	v41 =	vmul.f32 v20, v7  }
0xbf: {  	v40 =	vld.idx.msk [tilespmem:v21+s21+$0x0], $0xffff;
	v27 =	vadd.f32 v35, v34;
	v42 =	vmul.f32 v17, v4;
	v24 =	vadd.f32 v37, v24  }
0xc0: {  	v43 =	vmul.f32 v19, v13;
	v33 =	vmul.f32 v20, v11;
	v29 =	vadd.f32 v36, v39  }
0xc1: {  	v44 =	vmul.f32 v17, v8;
	v34 =	vld.idx.msk [tilespmem:v22+s21+$0x0], $0xffff;
	v27 =	vadd.f32 v41, v27;
	v24 =	vadd.f32 v42, v24  }
0xc2: {  	v47 =	vmul.f32 v20, v15;
	v46 =	vadd.f32 v38, v43;
	v48 =	vmul.f32 v17, v12  }
0xc3: {  	v49 =	vld.idx.msk [tilespmem:v23+s21+$0x0], $0xffff;
	v45 =	vadd.f32 v33, v29;
	v27 =	vadd.f32 v44, v27;
	v24 =	vmul.f32 $1.442695020e+00, v24  }
0xc4: {  	v50 =	vmul.f32 v17, v16;
	(erf) = vrcp.f32 v40;
	v29 =	vadd.f32 v47, v46  }
0xc5: {  	v25 =	vadd.f32 v48, v45;
	v27 =	vmul.f32 $1.442695020e+00, v27;
	(erf) = vpow2.f32 v24  }
0xc6: {  	v51 =	vld.idx.msk [tilespmem:v26+s21+$0x0], $0xffff;
	v52 =	vadd.f32 v50, v29;
	(erf) = vrcp.f32 v34  }
0xc7: {  	v25 =	vmul.f32 $1.442695020e+00, v25;
	(erf) = vpow2.f32 v27  }
0xc8: {  	v53 =	vmul.f32 $1.442695020e+00, v52;
	(erf) = vrcp.f32 v49  }
0xc9: {  	(erf) = vpow2.f32 v25  }
0xca: {  	(erf) = vpow2.f32 v53  }
0xcb: {  	(erf) = vrcp.f32 v51;
	_ =	sdelay $0x1  }
0xcc: {  	v54 =	vpop (erf)  }
0xcd: {  	v55 =	vpop (erf)  }
0xce: {  	v24 =	vmul.f32 v55, v54;
	v56 =	vpop (erf)  }
0xcf: {  	v57 =	vpop (erf)  }
0xd0: {  	v24 =	vadd.f32 $0.0e+00, v24;
	v25 =	vmul.f32 v57, v56;
	v58 =	vpop (erf)  }
0xd1: {  	v59 =	vpop (erf)  }
0xd2: {  	v24 =	vadd.f32 v24, v25;
	v60 =	vmul.f32 v58, v59;
	v61 =	vpop (erf)  }
0xd3: {  	v62 =	vpop (erf)  }
0xd4: {  	v24 =	vadd.f32 v24, v60;
	v63 =	vmul.f32 v62, v61;
	_ =	sdelay $0x1  }
0xd5: {  	v24 =	vadd.f32 v24, v63;
	_ =	sdelay $0x1  }
0xd6: {  	v24 =	vmul.f32 $2.500000000e-01, v24;
	_ =	sdelay $0x1  }
0xd7: {  	v19 =	vmul.f32 v24, v19  }
0xd8: {  	v18 =	vmul.f32 v24, v18  }
0xd9: {  	v20 =	vmul.f32 v24, v20;
	[tilespmem:v21+s11+$0x0] =	vst.idx.msk $0xffff, v19  }
0xda: {  	v17 =	vmul.f32 v24, v17;
	[tilespmem:v22+s11+$0x0] =	vst.idx.msk $0xffff, v18  }
0xdb: {  	[tilespmem:v23+s11+$0x0] =	vst.idx.msk $0xffff, v20  }
0xdc: {  	[tilespmem:v26+s11+$0x0] =	vst.idx.msk $0xffff, v17  }
0xdd: {  	[spmem:s4] =	stream.indirect.scatter.add.f32 [tilespmem:s11], [sflag:$0x1], $0x8, s19, s20, $0xb8;
	[tilespmem:$0x1DC00] =	vst v63  }
0xde: {  	_ =	swait.ge [sflag:s16], $0x400  }
0xdf: {  	[sflag:s16] =	ssyncset.done $0x0  }
0xe0: {  	[sflag:s16] =	ssyncadd.s32 $0xFFFFFC00  }
0xe1: {  	[spmem:s4] =	stream.indirect.scatter.add.f32 [tilespmem:s13], [sflag:$0x1], $0x8, s22, s20, $0xb8;
	[tilespmem:$0x1DC00] =	vst v63  }
0xe2: {  	_ =	swait.ge [sflag:s16], $0x400  }
0xe3: {  	[sflag:s16] =	ssyncset.done $0x0  }
0xe4: {  	[sflag:s16] =	ssyncadd.s32 $0xFFFFFC00  }
0xe5: {  	[spmem:s4] =	stream.indirect.scatter.add.f32 [tilespmem:s14], [sflag:$0x1], $0x8, s24, s20, $0xb8;
	[tilespmem:$0x1DC00] =	vst v63  }
0xe6: {  	_ =	swait.ge [sflag:s16], $0x400  }
0xe7: {  	[sflag:s16] =	ssyncset.done $0x0  }
0xe8: {  	[sflag:s16] =	ssyncadd.s32 $0xFFFFFC00  }
0xe9: {  	[spmem:s4] =	stream.indirect.scatter.add.f32 [tilespmem:s15], [sflag:$0x1], $0x8, s26, s20, $0xb8;
	[tilespmem:$0x1DC00] =	vst v63  }
0xea: {  	_ =	swait.ge [sflag:s16], $0x400  }
0xeb: {  	[sflag:s16] =	ssyncset.done $0x0  }
0xec: {  	[sflag:s16] =	ssyncadd.s32 $0xFFFFFC00  }
0xed: {  	[spmem:s4] =	stream.indirect.scatter.add.f32 [tilespmem:s17], [sflag:$0x1], $0x8, s29, s20, $0xb8;
	[tilespmem:$0x1DC00] =	vst v63  }
0xee: {  	_ =	swait.ge [sflag:s16], $0x400  }
0xef: {  	[sflag:s16] =	ssyncset.done $0x0  }
0xf0: {  	[sflag:s16] =	ssyncadd.s32 $0xFFFFFC00  }
0xf1: {  	[spmem:s4] =	stream.indirect.scatter.add.f32 [tilespmem:s10], [sflag:$0x1], $0x8, s31, s20, $0xb8;
	[tilespmem:$0x1DC00] =	vst v63  }
0xf2: {  	_ =	swait.ge [sflag:s16], $0x400  }
0xf3: {  	[sflag:s16] =	ssyncset.done $0x0  }
0xf4: {  	[sflag:s16] =	ssyncadd.s32 $0xFFFFFC00  }
0xf5: {  	[spmem:s4] =	stream.indirect.scatter.add.f32 [tilespmem:s23], [sflag:$0x1], $0x8, s1, s20, $0xb8;
	[tilespmem:$0x1DC00] =	vst v63  }
0xf6: {  	s28 =	sadd.s32 $0x1, s28;
	_ =	swait.ge [sflag:s16], $0x400  }
0xf7: {  	p0 =	sne.s32 s28, s12;
	[sflag:s16] =	ssyncset.done $0x0  }
.Ltmp1:
0xf8: {  	[sflag:s16] =	ssyncadd.s32 $0xFFFFFC00;
	(pc) =	sbr.rel @p0 .LBB2_2-.Ltmp1, $4  }
0xf9: {  	[spmem:s4] =	stream.indirect.scatter.add.f32 [tilespmem:s25], [sflag:$0x1], $0x8, s5, s20, $0xb8;
	[tilespmem:$0x1DC00] =	vst v63  }
0xfa: {  	_ =	swait.ge [sflag:s16], $0x400  }
0xfb: {  	[sflag:s16] =	ssyncset.done $0x0  }
0xfc: {  	[sflag:s16] =	ssyncadd.s32 $0xFFFFFC00  }
0xfd: {  	[bflag:$0x0] =	sbarrier.arrive $0xFFFF  }
0xfe: {  	s28 =	rddreg [dreg:$0x6]  }
0xff: {  	s0 =	rddreg [dreg:$0x8]  }
0x100: {  	s30 =	rddreg [dreg:$0xb]  }
0x101: {  	[hbm:s0], [sflag:s28] =	dma.local [spmem:s30], $0x1870  }
0x102: {  	_ =	swait.ge [sflag:s16], $0x1870  }
0x103: {  	s2 =	rddreg [dreg:$0xc]  }
0x104: {  	s0 =	rddreg [dreg:$0x9];
	s2 =	sadd.s32 $0x1, s2  }
0x105: {  	p0 =	sne.s32 s2, s0  }
.Ltmp2:
0x106: {  	_ = 	snop;
	(pc) =	sbr.rel @p0 .LBB2_1-.Ltmp2, $3  }
0x107: {  	_ =	sdelay $0x1  }
0x108: {  	[sflag:s16] =	ssyncset.done $0x0  }
0x109: {  	[sflag:s16] =	ssyncadd.s32 $0xFFFFE790  }
0x10a: {  	_ =	sfence.sel $0x180000  }
0x10b: {  	[bflag:$0x0] =	sbarrier.arrive $0xFFFF  }
0x10c: {  	_ =	strace $0x9000004D  }
0x10d: {  	s0 =	stileid.u32;
	[bflag:$0x2] =	sbarrier.arrive $0xFFFF  }
0x10e: {  	p0 =	sne.s32 s0, $0x0;
	s0 =	rddreg [dreg:$0x4]  }
0x10f: {  	s0 =	sadd.s32 @!p0 $0x100000, s0  }
0x110: {  	[sflag:s0] =	ssyncadd.tile.s32 @!p0 $0x1;
	_ =	shalt  }
.Lfunc_end2:
_tile_overlayer_lowered:
.L_overlay_start_2:
0x111: {  	(tag) =	ssettag $0x2  }
0x112: {  	s0 =	rddreg [dreg:$0x0];
	s2 =	stileid.u32  }
0x113: {  	s1 =	rddreg [dreg:$0x1];
	p0 =	sne.s32 s2, $0x0  }
0x114: {  	s3 =	rddreg [dreg:$0x2];
	[bflag:$0x3] =	sbarrier.arrive $0xFFFF;
	s2 =	simm.s32 @!p0 $0x1C01  }
0x115: {  	[timem:s3], [sflag:s2] =	dma.local @!p0 [hbm:s0], s1  }
0x116: {  	s0 =	simm.s32 @!p0 $0x1  }
0x117: {  	_ =	swait.ge @!p0 [sflag:s0], s1  }
0x118: {  	s1 =	ssub.s32 @!p0 $0x0, s1;
	[sflag:s0] =	ssyncset.done @!p0 $0x0  }
0x119: {  	[sflag:s0] =	ssyncadd.s32 @!p0 s1  }
0x11a: {  	[bflag:$0x3] =	sbarrier.arrive $0xFFFF  }
0x11b: {  	_ =	shalt  }

// kernel: sparse-core-data-format-call.cloned.1.call-start
scs
called_computation_lowered:
.L_overlay_start_0:
0x0: {  	s1 =	sld [smem:$0x3FD9]  }
0x1: {  	s2 =	sld [smem:$0x3FFE];
	_ =	sdelay $0x1  }
0x2: {  	s3 =	srdreg.scid  }
0x3: {  	s0 =	sand.u32 $0x1, s3  }
0x4: {  	s17 =	sshll.u32 s0, $0xA;
	s1 =	sadd.s32 s2, s1  }
0x5: {  	s1 =	sadd.s32 s1, s17  }
0x6: {  	[smem:$0x3FC5] =	sst s1  }
0x7: {  	_ = 	snop  }
0x8: {  	(tm) =	ssettm $0x1  }
0x9: {  	s18 =	sld [smem:$0x3FFB];
	_ =	sdelay $0x3  }
0xa: {  	_ =	strace s18  }
0xb: {  	s1 =	sld [smem:$0x3FFC];
	_ =	sdelay $0x3  }
0xc: {  	_ =	strace s1  }
0xd: {  	s1 =	sld [smem:$0x3FFD];
	_ =	sdelay $0x3  }
0xe: {  	_ =	strace s1  }
0xf: {  	_ =	strace $0x8FFFFFFF  }
0x10: {  	s19 =	sld [smem:$0x3FDB];
	_ =	sdelay $0x1  }
0x11: {  	s20 =	simm.s32 $_scs_section_size  }
0x12: {  	s4 =	simm.s32 $_size__tile_overlayer_lowered;
	s5 =	simm.s32 $_tile_overlayer_lowered  }
0x13: {  	s23 =	simm.s32 $0x1BFF;
	s22 =	sshll.u32 s5, $0x1;
	s1 =	sadd.s32 s20, s19  }
0x14: {  	s6 =	simm.s32 $0x0;
	s21 =	sshll.u32 s4, $0x1;
	s4 =	sadd.s32 s22, s1  }
0x15: {  	[timem:s6], [sflag:s23] =	dma.local [hbm:s4], s21  }
0x16: {  	_ =	swait.ge [sflag:s23], s21  }
0x17: {  	s2 =	ssub.s32 $0x0, s21;
	[sflag:s23] =	ssyncset.done $0x0  }
0x18: {  	[sflag:s23] =	ssyncadd.s32 s2;
	_ =	sdelay $0x1  }
0x19: {  	s24 =	simm.s32 $0x1B8B  }
0x1a: {  	_ =	swait.ge [sflag:s24], $0x1  }
0x1b: {  	[sflag:s24] =	ssyncset.done $0x0  }
0x1c: {  	s26 =	simm.s32 $0x1B8E;
	s25 =	sld [smem:$0x3FFE];
	[sflag:s24] =	ssyncadd.s32 $0xFFFFFFFF  }
0x1d: {  	s27 =	simm.s32 $execute0_lowered;
	[smem:$0x3FD2] =	sst s26  }
0x1e: {  	s4 =	sshll.u32 s27, $0x1;
	_ =	strace $0x80000046;
	[dreg:$0x1] =	wrdreg $0xFFFFFFFF  }
0x1f: {  	s28 =	simm.s32 $_size_execute0_lowered;
	s1 =	sadd.s32 s1, s4;
	[dreg:$0x0] =	wrdreg $0x0  }
0x20: {  	s4 =	sshll.u32 s28, $0x1;
	[dreg:$0x2] =	wrdreg s1  }
0x21: {  	[dreg:$0x3] =	wrdreg s4  }
0x22: {  	[dreg:$0x4] =	wrdreg $0xC0  }
0x23: {  	_ =	task [dreg:s6], $0x5FFFF  }
0x24: {  	[dreg:$0x1] =	wrdreg $0xFFFFFFFF  }
0x25: {  	[dreg:$0x0] =	wrdreg $0x60  }
0x26: {  	[dreg:$0x2] =	wrdreg s25  }
0x27: {  	[dreg:$0x3] =	wrdreg $0x9  }
0x28: {  	_ =	task.clear_ibuf [dreg:s6], $0x4FFFF;
	_ =	strace $0x90000046  }
0x29: {  	s29 =	simm.s32 $0x9;
	_ =	strace $0x80000048  }
0x2a: {  	_ =	swait.ge [sflag:s29], $0x1  }
0x2b: {  	[sflag:s29] =	ssyncadd.s32 $0xFFFFFFFF  }
0x2c: {  	_ =	strace $0x90000048  }
0x2d: {  	_ =	sfence  }
0x2e: {  	s30 =	sld [smem:$0x0];
	_ =	sdelay $0x2  }
0x2f: {  	s31 =	sshll.u32 s3, $0xD;
	s3 =	sshrl.u32 s3, $0x2  }
0x30: {  	s2 =	sand.u32 $0x4000, s31;
	s1 =	sadd.s32 s3, s30  }
0x31: {  	s0 =	sor.u32 s2, s0;
	s1 =	sshll.u32 s1, $0x11  }
0x32: {  	s0 =	sor.u32 s1, s0  }
0x33: {  	s0 =	sadd.s32 $0x8F2B, s0  }
0x34: {  	[sflag:s0] =	ssyncadd.remote.s32 $0x1  }
0x35: {  	_ =	sfence.sel $0xFFFF  }
0x36: {  	[dreg:$0x0] =	wrdreg $0xFFFFFFFF;
	(pc) =	sbr.abs _section_cstart, $3  }
0x37: {  	[dreg:$0x1] =	wrdreg $0xFFFFFFFF  }
0x38: {  	_ =	task.clear_ibuf [dreg:s6], $0x2FFFF;
	_ =	strace $0x9FFFFFFF  }
0x39: {  	(tm) =	ssettm $0x7FFFFFFF  }
tec
execute0_lowered:
.L_overlay_start_1:
0x0: {  	(tag) =	ssettag $0x1  }
0x1: {  	s0 =	srdreg.scid  }
0x2: {  	s5 =	rddreg [dreg:$0x0];
	s1 =	sshll.u32 s0, $0x4  }
0x3: {  	s4 =	simm.s32 $0x1;
	s0 =	stileid.u32;
	s1 =	sand.u32 $0x10, s1  }
0x4: {  	s8 =	simm.s32 $0x2;
	s13 =	simm.s32 $0x0;
	s2 =	sor.u32 s0, s1  }
0x5: {  	s12 =	simm.s32 $0x0;
	s10 =	simm.s32 $0x0;
	s2 =	sshll.u32 s2, $0xA  }
0x6: {  	s11 =	simm.s32 $0x0;
	s3 =	sadd.s32 $0x1600, s5;
	s6 =	ssub.s32 $0x30D400, s2  }
.Ltmp0:
0x7: {  	s1 =	rddreg [dreg:$0x1];
	s7 =	sand.u32 $0x7C00, s6;
	(pc) =	sbr.rel .LBB1_1-.Ltmp0, $4  }
0x8: {  	_ =	strace $0x80000047;
	p0 =	sne.s32 s7, $0x0;
	s7 =	simm.s32 $0x1  }
0x9: {  	[sflag:s4] =	ssyncpa.u1 $0x0;
	s6 =	sshrl.u32 s6, $0xF;
	s7 =	simm.s32 @!p0 $0x0  }
0xa: {  	s5 =	sadd.s32 $0x188000, s5;
	[sflag:s8] =	ssyncpa.u1 $0x0;
	s6 =	sadd.s32 s7, s6  }
0xb: {  	s8 =	simm.s32 $0x80;
	s9 =	smov.u32 s2;
	s7 =	sadd.s32 $0x1, s6  }
.LBB1_7:
0xc: {  	s14 =	sadd.s32 $0x8000, s9  }
0xd: {  	s12 =	sadd.s32 $0x4, s10;
	s16 =	smov.u32 s10;
	p1 =	sgt.s32 s14, $0x30D3FF  }
0xe: {  	s16 =	smov.u32 @p1 s12  }
0xf: {  	s14 =	smov.u32 @p1 s2;
	p1 =	sgt.s32 s16, $0x3  }
0x10: {  	s16 =	simm.s32 @p1 $0x0;
	p1 =	sne.s32 s11, s7  }
.Ltmp1:
0x11: {  	p0 =	slt.u32 s11, $0x2;
	(pc) =	sbr.rel @!p1 .LBB1_8-.Ltmp1, $4  }
0x12: {  	s15 =	simm.s32 @!p0 $0x2  }
0x13: {  	s13 =	smov.u32 s9;
	_ =	swait.ge @!p0 [sflag:s15], $0x1000  }
0x14: {  	s12 =	smov.u32 s10;
	[sflag:s15] =	ssyncset.done @!p0 $0x0;
	s9 =	smov.u32 s14  }
0x15: {  	s11 =	sadd.s32 $0x1, s11;
	[sflag:s15] =	ssyncadd.s32 @!p0 $0xFFFFF000;
	s10 =	smov.u32 s16  }
.LBB1_1:
0x16: {  	p0 =	sge.u32 s11, s6  }
0x17: {  	s14 =	sshrl.u32 @!p0 s10, $0x2  }
0x18: {  	s15 =	sshll.u32 @!p0 s9, $0x2;
	s14 =	smul.u32 @!p0 $0xC35000, s14  }
0x19: {  	s15 =	sand.u32 @!p0 $0xFFFFFE00, s15  }
0x1a: {  	s14 =	sadd.s32 @!p0 s14, s15  }
0x1b: {  	s15 =	sshrl.u32 @!p0 s14, $0xA  }
0x1c: {  	s15 =	smulhi.u32 @!p0 $0x53E2D7, s15  }
0x1d: {  	s16 =	sshll.u32 @!p0 s10, $0x7  }
0x1e: {  	s17 =	sand.u32 @!p0 $0x7F, s9;
	s16 =	sand.u32 @!p0 $0x180, s16;
	s15 =	sshrl.u32 @!p0 s15, $0x2  }
0x1f: {  	s16 =	sor.u32 @!p0 s17, s16;
	s17 =	smul.u32 @!p0 $0x30D400, s15  }
0x20: {  	s14 =	sor.u32 @!p0 s14, s16  }
0x21: {  	s15 =	sand.u32 @!p0 $0x3, s15;
	s14 =	ssub.s32 @!p0 s14, s17  }
0x22: {  	s16 =	sxor.u32 @!p0 $0xFFFFFFFF, s11;
	s15 =	smul.u32 @!p0 $0x61A80, s15;
	s17 =	sshrl.u32 @!p0 s14, $0x3  }
0x23: {  	s31 =	sadd.s32 $0xFFFFFFFF, s11;
	s16 =	sshll.u32 @!p0 s16, $0xC;
	s17 =	sadd.s32 @!p0 s3, s17  }
0x24: {  	s16 =	sand.u32 @!p0 $0x1000, s16;
	s14 =	sand.u32 @!p0 $0x7, s14;
	s15 =	sadd.s32 @!p0 s15, s17  }
0x25: {  	[tilespmem:s16], [sflag:$0x1] =	stream.linear.gather @!p0 [hbm4b:s15+s14], $0x1000, $0x38;
	[tilespmem:$0x4000] =	vst v63  }
0x26: {  	p0 =	sge.u32 s31, s6  }
.Ltmp2:
0x27: {  	_ = 	snop;
	(pc) =	sbr.rel @p0 .LBB1_7-.Ltmp2, $1  }
0x28: {  	_ =	sdelay $0x3  }
0x29: {  	_ =	swait.ge [sflag:s4], $0x1000;
	s14 =	sshll.u32 s11, $0xC  }
0x2a: {  	[sflag:s4] =	ssyncset.done $0x0;
	s15 =	sand.u32 $0x1000, s14  }
0x2b: {  	s16 =	simm.s32 $0x0;
	[sflag:s4] =	ssyncadd.s32 $0xFFFFF000;
	s14 =	sor.u32 $0x2000, s15  }
.LBB1_3:
0x2c: {  	s17 =	sshll.u32 s16, $0x9  }
0x2d: {  	s17 =	sshra.s32 s17, $0x2  }
0x2e: {  	s18 =	sadd.s32 s17, s15  }
0x2f: {  	v0 =	vmov s18;
	_ =	sdelay $0x1  }
0x30: {  	p0 =	por $0x1, $0x1;
	s17 =	sadd.s32 s16, s14;
	s18 =	simm.s32 $0x0  }
.LBB1_4:
0x31: {  	s18 =	sshll.u32 s18, $0x2  }
0x32: {  	s19 =	sand.u32 $0x3FFFFFFC, s18  }
0x33: {  	v1 =	vld.idx.msk [tilespmem:v0+s19+$0x0 ss:$0x1], $0xffff  }
0x34: {  	v2 =	vld.idx.msk [tilespmem:v0+s19+$0x10 ss:$0x1], $0xffff  }
0x35: {  	v3 =	vld.idx.msk [tilespmem:v0+s19+$0x20 ss:$0x1], $0xffff  }
0x36: {  	s20 =	sadd.s32 s19, s14;
	v4 =	vld.idx.msk [tilespmem:v0+s19+$0x30 ss:$0x1], $0xffff  }
0x37: {  	v5 =	vld.idx.msk [tilespmem:v0+s19+$0x40 ss:$0x1], $0xffff;
	s20 =	sadd.s32 s16, s20  }
0x38: {  	v54 =	vld.idx.msk [tilespmem:v0+s19+$0x200 ss:$0x1], $0xffff;
	[tilespmem:s20+$0x0 ss:$0x4] =	vst.msk $0xffff, v1  }
0x39: {  	v1 =	vld.idx.msk [tilespmem:v0+s19+$0x50 ss:$0x1], $0xffff;
	[tilespmem:s20+$0x40 ss:$0x4] =	vst.msk $0xffff, v2  }
0x3a: {  	v2 =	vld.idx.msk [tilespmem:v0+s19+$0x60 ss:$0x1], $0xffff;
	[tilespmem:s20+$0x80 ss:$0x4] =	vst.msk $0xffff, v3  }
0x3b: {  	v3 =	vld.idx.msk [tilespmem:v0+s19+$0x70 ss:$0x1], $0xffff;
	[tilespmem:s20+$0xC0 ss:$0x4] =	vst.msk $0xffff, v4  }
0x3c: {  	v55 =	vld.idx.msk [tilespmem:v0+s19+$0x210 ss:$0x1], $0xffff;
	[tilespmem:s20+$0x100 ss:$0x4] =	vst.msk $0xffff, v5  }
0x3d: {  	v56 =	vld.idx.msk [tilespmem:v0+s19+$0x250 ss:$0x1], $0xffff;
	[tilespmem:s20+$0x200 ss:$0x4] =	vst.msk $0xffff, v54  }
0x3e: {  	[tilespmem:s20+$0x140 ss:$0x4] =	vst.msk $0xffff, v1;
	v1 =	vld.idx.msk [tilespmem:v0+s19+$0x220 ss:$0x1], $0xffff  }
0x3f: {  	[tilespmem:s20+$0x180 ss:$0x4] =	vst.msk $0xffff, v2;
	v2 =	vld.idx.msk [tilespmem:v0+s19+$0x230 ss:$0x1], $0xffff  }
0x40: {  	s25 =	sor.u32 $0x480, s18;
	[tilespmem:s20+$0x1C0 ss:$0x4] =	vst.msk $0xffff, v3;
	v3 =	vld.idx.msk [tilespmem:v0+s19+$0x240 ss:$0x1], $0xffff  }
0x41: {  	s22 =	sor.u32 $0x440, s18;
	v57 =	vld.idx.msk [tilespmem:v0+s19+$0x260 ss:$0x1], $0xffff;
	s28 =	sand.u32 $0xC00, s25;
	[tilespmem:s20+$0x240 ss:$0x4] =	vst.msk $0xffff, v55  }
0x42: {  	s29 =	sor.u32 $0x4C0, s18;
	s21 =	sor.u32 $0x400, s19;
	s24 =	sand.u32 $0x3FFFFFFC, s22;
	v58 =	vld.idx.msk [tilespmem:v0+s28+$0x20 ss:$0x1], $0xffff;
	[tilespmem:s20+$0x340 ss:$0x4] =	vst.msk $0xffff, v56  }
0x43: {  	s26 =	sand.u32 $0xC00, s22;
	s27 =	sand.u32 $0x3FFFFFFC, s25;
	s30 =	sand.u32 $0xC00, s29;
	[tilespmem:s20+$0x280 ss:$0x4] =	vst.msk $0xffff, v1;
	v1 =	vld.idx.msk [tilespmem:v0+s19+$0x270 ss:$0x1], $0xffff  }
0x44: {  	s25 =	sand.u32 $0x3FFFFFFC, s29;
	s23 =	sadd.s32 s21, s17;
	s22 =	sadd.s32 s24, s17;
	[tilespmem:s20+$0x2C0 ss:$0x4] =	vst.msk $0xffff, v2;
	v2 =	vld.idx.msk [tilespmem:v0+s21+$0x0 ss:$0x1], $0xffff  }
0x45: {  	s24 =	sadd.s32 s27, s17;
	s27 =	sor.u32 $0x540, s18;
	[tilespmem:s20+$0x300 ss:$0x4] =	vst.msk $0xffff, v3;
	v3 =	vld.idx.msk [tilespmem:v0+s26+$0x10 ss:$0x1], $0xffff;
	s26 =	sor.u32 $0x500, s18  }
0x46: {  	s29 =	sand.u32 $0x3FFFFFFC, s27;
	[tilespmem:s20+$0x380 ss:$0x4] =	vst.msk $0xffff, v57;
	s21 =	sadd.s32 s25, s17;
	s31 =	sand.u32 $0x3FFFFFFC, s26  }
0x47: {  	v59 =	vld.idx.msk [tilespmem:v0+s30+$0x30 ss:$0x1], $0xffff;
	[tilespmem:s24+$0x0 ss:$0x4] =	vst.msk $0xffff, v58;
	s28 =	sand.u32 $0xC00, s26;
	s25 =	sadd.s32 s31, s17;
	s31 =	sor.u32 $0x580, s18  }
0x48: {  	s30 =	sand.u32 $0xC00, s27;
	s24 =	sor.u32 $0x680, s18;
	s27 =	sand.u32 $0xC00, s31;
	[tilespmem:s20+$0x3C0 ss:$0x4] =	vst.msk $0xffff, v1;
	v1 =	vld.idx.msk [tilespmem:v0+s28+$0x40 ss:$0x1], $0xffff  }
0x49: {  	s20 =	sadd.s32 s29, s17;
	[tilespmem:s23+$0x0 ss:$0x4] =	vst.msk $0xffff, v2;
	v2 =	vld.idx.msk [tilespmem:v0+s30+$0x50 ss:$0x1], $0xffff;
	s28 =	sand.u32 $0x3FFFFFFC, s31;
	s29 =	sor.u32 $0x5C0, s18  }
0x4a: {  	[tilespmem:s22+$0x0 ss:$0x4] =	vst.msk $0xffff, v3;
	v3 =	vld.idx.msk [tilespmem:v0+s27+$0x60 ss:$0x1], $0xffff;
	s31 =	sor.u32 $0x600, s18;
	s19 =	sadd.s32 s28, s17;
	s30 =	sand.u32 $0xC00, s29  }
0x4b: {  	s27 =	sand.u32 $0x3FFFFFFC, s29;
	s28 =	sand.u32 $0xC00, s31;
	s29 =	sor.u32 $0x640, s18;
	v60 =	vld.idx.msk [tilespmem:v0+s30+$0x70 ss:$0x1], $0xffff  }
0x4c: {  	[tilespmem:s21+$0x0 ss:$0x4] =	vst.msk $0xffff, v59;
	s23 =	sand.u32 $0x3FFFFFFC, s31;
	s31 =	sand.u32 $0xC00, s24;
	v61 =	vld.idx.msk [tilespmem:v0+s28+$0x200 ss:$0x1], $0xffff;
	s30 =	sand.u32 $0xC00, s29  }
0x4d: {  	s21 =	sadd.s32 s27, s17;
	s27 =	sadd.s32 s23, s17;
	s23 =	sor.u32 $0x700, s18;
	[tilespmem:s25+$0x0 ss:$0x4] =	vst.msk $0xffff, v1;
	v1 =	vld.idx.msk [tilespmem:v0+s30+$0x210 ss:$0x1], $0xffff  }
0x4e: {  	s26 =	sor.u32 $0x740, s18;
	s25 =	sor.u32 $0x6C0, s18;
	[tilespmem:s20+$0x0 ss:$0x4] =	vst.msk $0xffff, v2;
	v2 =	vld.idx.msk [tilespmem:v0+s31+$0x220 ss:$0x1], $0xffff;
	s30 =	sand.u32 $0xC00, s23  }
0x4f: {  	s22 =	sor.u32 $0x780, s18;
	s29 =	sand.u32 $0x3FFFFFFC, s29;
	[tilespmem:s19+$0x0 ss:$0x4] =	vst.msk $0xffff, v3;
	s28 =	sand.u32 $0xC00, s25;
	v62 =	vld.idx.msk [tilespmem:v0+s30+$0x240 ss:$0x1], $0xffff  }
0x50: {  	s19 =	sadd.s32 s29, s17;
	s31 =	sand.u32 $0xC00, s26;
	s18 =	sor.u32 $0x7C0, s18;
	v3 =	vld.idx.msk [tilespmem:v0+s28+$0x230 ss:$0x1], $0xffff;
	[tilespmem:s21+$0x0 ss:$0x4] =	vst.msk $0xffff, v60  }
0x51: {  	v63 =	vld.idx.msk [tilespmem:v0+s31+$0x250 ss:$0x1], $0xffff;
	s30 =	sand.u32 $0x3FFFFFFC, s25;
	[tilespmem:s27+$0x0 ss:$0x4] =	vst.msk $0xffff, v61;
	s27 =	sand.u32 $0x3FFFFFFC, s24;
	s28 =	sand.u32 $0xC00, s22  }
0x52: {  	s31 =	sand.u32 $0xC00, s18;
	s25 =	sand.u32 $0x3FFFFFFC, s23;
	s29 =	sadd.s32 s27, s17;
	[tilespmem:s19+$0x0 ss:$0x4] =	vst.msk $0xffff, v1;
	v1 =	vld.idx.msk [tilespmem:v0+s28+$0x260 ss:$0x1], $0xffff  }
0x53: {  	p1 =	por p0, p0;
	s27 =	sadd.s32 s25, s17;
	[tilespmem:s29+$0x0 ss:$0x4] =	vst.msk $0xffff, v2;
	v2 =	vld.idx.msk [tilespmem:v0+s31+$0x270 ss:$0x1], $0xffff  }
.Ltmp3:
0x54: {  	s24 =	sadd.s32 s30, s17;
	s28 =	sand.u32 $0x3FFFFFFC, s26;
	[tilespmem:s27+$0x0 ss:$0x4] =	vst.msk $0xffff, v62;
	(pc) =	sbr.rel @p1 .LBB1_4-.Ltmp3, $4  }
0x55: {  	s30 =	sand.u32 $0x3FFFFFFC, s22;
	s29 =	sadd.s32 s28, s17;
	[tilespmem:s24+$0x0 ss:$0x4] =	vst.msk $0xffff, v3  }
0x56: {  	s18 =	sand.u32 $0x3FFFFFFC, s18;
	s31 =	sadd.s32 s30, s17;
	[tilespmem:s29+$0x0 ss:$0x4] =	vst.msk $0xffff, v63  }
0x57: {  	s18 =	sadd.s32 s18, s17;
	[tilespmem:s31+$0x0 ss:$0x4] =	vst.msk $0xffff, v1  }
0x58: {  	p0 =	por $0x0, $0x0;
	[tilespmem:s18+$0x0 ss:$0x4] =	vst.msk $0xffff, v2;
	s18 =	simm.s32 $0x200  }
0x59: {  	s16 =	sadd.s32 $0x1, s16  }
0x5a: {  	p0 =	sne.s32 s16, $0x4  }
.Ltmp4:
0x5b: {  	_ = 	snop;
	(pc) =	sbr.rel @p0 .LBB1_3-.Ltmp4, $1  }
0x5c: {  	_ =	sdelay $0x3  }
0x5d: {  	s13 =	sshll.u32 s13, $0x7;
	s15 =	sshll.u32 s12, $0x3  }
0x5e: {  	s16 =	sand.u32 $0xFFFFFC00, s13;
	s15 =	sand.u32 $0xFFFFFC00, s15  }
0x5f: {  	s13 =	sand.u32 $0x380, s13;
	s15 =	sadd.s32 s15, s16  }
0x60: {  	s13 =	sor.u32 s13, s15  }
0x61: {  	s13 =	sshrl.u32 s13, $0x7  }
0x62: {  	s28 =	smulhi.u32 $0x14F8B59, s13;
	_ =	sdelay $0x1  }
0x63: {  	s15 =	sshrl.u32 s28, $0xE  }
0x64: {  	s15 =	smul.u32 $0x30D400, s15  }
.Ltmp5:
0x65: {  	s29 =	sshrl.u32 s12, $0x3;
	(pc) =	sbr.rel .LBB1_7-.Ltmp5, $4  }
0x66: {  	s31 =	sand.u32 $0x7, s12;
	s30 =	sand.u32 $0xF, s29;
	s13 =	ssub.s32 s13, s15  }
0x67: {  	s12 =	sshll.u32 s31, $0x12;
	s15 =	sadd.s32 s5, s30;
	s13 =	sshll.u32 s13, $0x4  }
0x68: {  	s12 =	sor.u32 $0x4, s12;
	s13 =	sadd.s32 s13, s15  }
0x69: {  	[hbm4b:s13+s12] =	stream.strided.scatter [tilespmem:s14], [sflag:$0x2], $0x1000, s8, s12, $0x38;
	[tilespmem:$0x4000] =	vst v63  }
.LBB1_8:
0x6a: {  	_ =	sfence.sel $0x180000  }
0x6b: {  	s2 =	simm.s32 $0x1;
	[bflag:$0x0] =	sbarrier.arrive $0xFFFF  }
0x6c: {  	s31 =	simm.s32 $0x2;
	[sflag:s2] =	ssyncpa.u1 $0x1  }
0x6d: {  	[sflag:s31] =	ssyncpa.u1 $0x1  }
0x6e: {  	p0 =	sne.s32 s0, $0x0;
	_ =	strace $0x90000047  }
0x6f: {  	s0 =	sadd.s32 @!p0 $0x100000, s1;
	[bflag:$0x2] =	sbarrier.arrive $0xFFFF  }
0x70: {  	[sflag:s0] =	ssyncadd.tile.s32 @!p0 $0x1;
	_ =	shalt  }
.Lfunc_end1:
_tile_overlayer_lowered:
.L_overlay_start_2:
0x71: {  	(tag) =	ssettag $0x2  }
0x72: {  	s0 =	rddreg [dreg:$0x0];
	s2 =	stileid.u32  }
0x73: {  	s1 =	rddreg [dreg:$0x1];
	p0 =	sne.s32 s2, $0x0  }
0x74: {  	s3 =	rddreg [dreg:$0x2];
	[bflag:$0x3] =	sbarrier.arrive $0xFFFF;
	s2 =	simm.s32 @!p0 $0x1C01  }
0x75: {  	[timem:s3], [sflag:s2] =	dma.local @!p0 [hbm:s0], s1  }
0x76: {  	s0 =	simm.s32 @!p0 $0x1  }
0x77: {  	_ =	swait.ge @!p0 [sflag:s0], s1  }
0x78: {  	s1 =	ssub.s32 @!p0 $0x0, s1;
	[sflag:s0] =	ssyncset.done @!p0 $0x0  }
0x79: {  	[sflag:s0] =	ssyncadd.s32 @!p0 s1  }
0x7a: {  	[bflag:$0x3] =	sbarrier.arrive $0xFFFF  }
0x7b: {  	_ =	shalt  }

</sc_bundles>
